<compile_context>
chip_gen: v7x
topology: tpu7x:2x2x1
jax: 0.10.2.dev20260603
libtpu: 0.0.44.dev20260713+nightly
codegen_flags: <defaults>
</compile_context>

<pallas_src>
import functools

import jax
import jax.numpy as jnp
from jax import lax
from jax.experimental import pallas as pl
from jax.experimental.pallas import tpu as pltpu
from jax.experimental.pallas import tpu_sc as plsc

N = 10000
NP = 10240
E = 320000
D = 128
NC, NS = 2, 16
NW = NC * NS
EPW = E // NW
KB = 100
NJ = EPW // KB
CN = 25
NCH = NJ // CN
KBA = 50
NJA = EPW // KBA
CNA = 40
NCHA = NJA // CNA
RPT = NP // NS
WB = 80
BM = 512

_mesh = plsc.VectorSubcoreMesh(
    core_axis_name="c", subcore_axis_name="s", num_cores=NC, num_subcores=NS)



@functools.partial(
    pl.kernel,
    out_type=jax.ShapeDtypeStruct((NC * NP, D), jnp.float32),
    mesh=_mesh,
    scratch_types=[
        pltpu.VMEM((CN, KB), jnp.int32),
        pltpu.VMEM((KB, D), jnp.float32),
        pltpu.VMEM((WB, D), jnp.float32),
        pltpu.VMEM_SHARED((NP, D), jnp.float32),
    ],
)
def _deg_kernel(dst_hbm, ones_hbm, zD_hbm, out_hbm, dst_v, ones_v, z_v, acc_sh):
    cid = lax.axis_index("c")
    sid = lax.axis_index("s")
    wid = cid * NS + sid
    pltpu.sync_copy(ones_hbm, ones_v)
    pltpu.sync_copy(zD_hbm, z_v)
    rows0 = sid * RPT
    for i in range(RPT // WB):
        pltpu.sync_copy(z_v, acc_sh.at[pl.ds(rows0 + i * WB, WB)])
    plsc.subcore_barrier()

    def chunk_body(c, carry):
        pltpu.sync_copy(dst_hbm.at[wid * NCH + c], dst_v)

        def body(j, cc):
            pltpu.sync_copy(ones_v, acc_sh.at[dst_v.at[j]], add=True)
            return cc

        lax.fori_loop(0, CN, body, 0)
        return carry

    lax.fori_loop(0, NCH, chunk_body, 0)
    plsc.subcore_barrier()
    for i in range(RPT // WB):
        pltpu.sync_copy(acc_sh.at[pl.ds(rows0 + i * WB, WB)], z_v)
        pltpu.sync_copy(
            z_v, out_hbm.at[pl.ds(cid * NP + rows0 + i * WB, WB)])


@functools.partial(
    pl.kernel,
    out_type=jax.ShapeDtypeStruct((NC * NP, D), jnp.float32),
    mesh=_mesh,
    scratch_types=[
        pltpu.VMEM((CNA, KBA), jnp.int32),
        pltpu.VMEM((CNA, KBA), jnp.int32),
        pltpu.VMEM((WB, D), jnp.float32),
        [pltpu.VMEM((KBA, D), jnp.float32) for _ in range(4)],
        pltpu.VMEM_SHARED((NP, D), jnp.float32),
        [pltpu.SemaphoreType.DMA for _ in range(4)],
    ],
)
def _agg_kernel(g_hbm, src_hbm, dst_hbm, zD_hbm, out_hbm,
                src_v, dst_v, stage_v, bufs, acc_sh, sems):
    cid = lax.axis_index("c")
    sid = lax.axis_index("s")
    wid = cid * NS + sid
    rows0 = sid * RPT
    pltpu.sync_copy(zD_hbm, stage_v)
    for i in range(RPT // WB):
        pltpu.sync_copy(stage_v, acc_sh.at[pl.ds(rows0 + i * WB, WB)])
    plsc.subcore_barrier()

    def chunk_body(c, carry):
        pltpu.sync_copy(src_hbm.at[wid * NCHA + c], src_v)
        pltpu.sync_copy(dst_hbm.at[wid * NCHA + c], dst_v)
        for t in range(3):
            pltpu.async_copy(g_hbm.at[src_v.at[t]], bufs[t], sems[t])

        def quad(i, cc):
            s = 4 * i
            for t in range(4):
                j = s + t
                pltpu.make_async_copy(
                    g_hbm.at[src_v.at[j]], bufs[t], sems[t]).wait()
                pltpu.sync_copy(bufs[t], acc_sh.at[dst_v.at[j]], add=True)

                @pl.when(j + 3 < CNA)
                def _():
                    pltpu.async_copy(g_hbm.at[src_v.at[j + 3]],
                                     bufs[(t + 3) % 4], sems[(t + 3) % 4])
            return cc

        lax.fori_loop(0, CNA // 4, quad, 0)
        return carry

    lax.fori_loop(0, NCHA, chunk_body, 0)

    plsc.subcore_barrier()
    for i in range(RPT // WB):
        pltpu.sync_copy(acc_sh.at[pl.ds(rows0 + i * WB, WB)], stage_v)
        pltpu.sync_copy(
            stage_v, out_hbm.at[pl.ds(cid * NP + rows0 + i * WB, WB)])



def _dinv_block(dega_ref, degb_ref, i):
    deg = dega_ref[:, :1] + degb_ref[:, :1]
    rowid = i * BM + lax.broadcasted_iota(jnp.int32, (BM, 1), 0)
    deg = deg + jnp.where(rowid < N, 1.0, 0.0)
    return jnp.where(deg > 0, lax.rsqrt(deg), 0.0)


def _tc1_body(x_ref, w_ref, dega_ref, degb_ref, g_ref):
    dinv = _dinv_block(dega_ref, degb_ref, pl.program_id(0))
    h = jnp.dot(x_ref[...], w_ref[...], preferred_element_type=jnp.float32)
    g_ref[...] = h * dinv


def _tc2_body(acca_ref, accb_ref, g1_ref, dega_ref, degb_ref, w_ref, b_ref,
              g2_ref):
    dinv = _dinv_block(dega_ref, degb_ref, pl.program_id(0))
    z = dinv * (acca_ref[...] + accb_ref[...] + g1_ref[...]) + b_ref[...]
    z = jnp.maximum(z, 0.0)
    h2 = jnp.dot(z, w_ref[...], preferred_element_type=jnp.float32)
    g2_ref[...] = h2 * dinv


def _tc3_body(acca_ref, accb_ref, g2_ref, dega_ref, degb_ref, b_ref, out_ref):
    dinv = _dinv_block(dega_ref, degb_ref, pl.program_id(0))
    out_ref[...] = dinv * (acca_ref[...] + accb_ref[...] + g2_ref[...]) \
        + b_ref[...]


_row_spec = pl.BlockSpec((BM, D), lambda i: (i, 0))
_w_spec = pl.BlockSpec((D, D), lambda i: (0, 0))
_b_spec = pl.BlockSpec((1, D), lambda i: (0, 0))
_GRID = (NP // BM,)
_OUT = jax.ShapeDtypeStruct((NP, D), jnp.float32)

_tc1 = pl.pallas_call(
    _tc1_body, grid=_GRID, out_shape=_OUT,
    in_specs=[_row_spec, _w_spec, _row_spec, _row_spec],
    out_specs=_row_spec)
_tc2 = pl.pallas_call(
    _tc2_body, grid=_GRID, out_shape=_OUT,
    in_specs=[_row_spec, _row_spec, _row_spec, _row_spec, _row_spec,
              _w_spec, _b_spec],
    out_specs=_row_spec)
_tc3 = pl.pallas_call(
    _tc3_body, grid=_GRID, out_shape=_OUT,
    in_specs=[_row_spec, _row_spec, _row_spec, _row_spec, _row_spec, _b_spec],
    out_specs=_row_spec)


def kernel(x, edge_index, W1, b1, W2, b2):
    ei = edge_index.astype(jnp.int32)
    src = ei[0].reshape(NW * NCHA, CNA, KBA)
    dst = ei[1].reshape(NW * NCHA, CNA, KBA)
    dst_deg = ei[1].reshape(NW * NCH, CN, KB)
    x_p = jnp.pad(x, ((0, NP - N), (0, 0)))
    onesD = jnp.zeros((KB, D), jnp.float32).at[:, 0].set(1.0)
    zD = jnp.zeros((WB, D), jnp.float32)
    b1r = b1.reshape(1, D)
    b2r = b2.reshape(1, D)

    degD = _deg_kernel(dst_deg, onesD, zD)
    dega, degb = degD[:NP], degD[NP:]

    g1 = _tc1(x_p, W1, dega, degb)
    acc1 = _agg_kernel(g1, src, dst, zD)
    g2 = _tc2(acc1[:NP], acc1[NP:], g1, dega, degb, W2, b1r)
    acc2 = _agg_kernel(g2, src, dst, zD)
    out = _tc3(acc2[:NP], acc2[NP:], g2, dega, degb, b2r)
    return out[:N]

# --- scband reference (transcript-rebuilt; emitter-appended) ---
"""Pipeline reference for scband-gnn-17514876634158 (READ-ONLY COPY).

The authoritative reference and input builder live on the scoring server;
editing this copy changes nothing except your own understanding.
"""

import jax, jax.numpy as jnp
import numpy as np

N_NODES = 10000
N_EDGES = 320000
D_IN = 128
D_HID = 128
D_OUT = 128


def gcn_conv(x, edge_index, W, b):
    # Faithful GCNConv (PyG semantics): x @ W, add self-loops, symmetric norm,
    # scatter-add aggregation, then bias.
    N = x.shape[0]
    src = edge_index[0]
    dst = edge_index[1]
    loop = jnp.arange(N, dtype=src.dtype)
    src = jnp.concatenate([src, loop])
    dst = jnp.concatenate([dst, loop])
    deg = jnp.zeros((N,), dtype=x.dtype).at[dst].add(1.0)
    dinv = jnp.where(deg > 0, deg ** -0.5, 0.0)
    norm = dinv[src] * dinv[dst]
    h = x @ W
    msg = h[src] * norm[:, None]
    out = jnp.zeros((N, W.shape[1]), dtype=x.dtype).at[dst].add(msg)
    return out + b


def setup_inputs(seed: int = 0) -> dict:
    key = jax.random.key(seed)
    k_x, k_e, k_w1, k_w2 = jax.random.split(key, 4)
    x = jax.random.normal(k_x, (N_NODES, D_IN), dtype=jnp.float32)
    edge_index = jax.random.randint(k_e, (2, N_EDGES), 0, N_NODES, dtype=jnp.int64)
    s1 = (6.0 / (D_IN + D_HID)) ** 0.5
    s2 = (6.0 / (D_HID + D_OUT)) ** 0.5
    W1 = jax.random.uniform(k_w1, (D_IN, D_HID), minval=-s1, maxval=s1, dtype=jnp.float32)
    b1 = jnp.zeros((D_HID,), dtype=jnp.float32)
    W2 = jax.random.uniform(k_w2, (D_HID, D_OUT), minval=-s2, maxval=s2, dtype=jnp.float32)
    b2 = jnp.zeros((D_OUT,), dtype=jnp.float32)
    return {"x": x, "edge_index": edge_index, "W1": W1, "b1": b1, "W2": W2, "b2": b2}


def reference(x, edge_index, W1, b1, W2, b2):
    h = gcn_conv(x, edge_index, W1, b1)
    h = jax.nn.relu(h)
    # dropout(p=0.5) treated as identity (inference/eval mode)
    out = gcn_conv(h, edge_index, W2, b2)
    return out

if __name__ == "__main__":
    import jax
    _d = setup_inputs()
    print(jax.jit(kernel)(*tuple(_d.values())))

</pallas_src>

<mosaic_0001>
#map = affine_map<(d0, d1) -> (0, 0)>
#map1 = affine_map<(d0, d1) -> (0, 0, 0)>
module attributes {stable_mosaic.version = 14 : i64} {
  func.func @_agg_kernel(%arg0: i32, %arg1: i32, %arg2: memref<10240x128xf32, #tpu.memory_space<hbm>>, %arg3: memref<160x40x50xi32, #tpu.memory_space<hbm>>, %arg4: memref<160x40x50xi32, #tpu.memory_space<hbm>>, %arg5: memref<80x128xf32, #tpu.memory_space<hbm>>, %arg6: memref<20480x128xf32, #tpu.memory_space<hbm>>, %arg7: memref<40x50xi32, #tpu.memory_space<vmem>>, %arg8: memref<40x50xi32, #tpu.memory_space<vmem>>, %arg9: memref<80x128xf32, #tpu.memory_space<vmem>>, %arg10: memref<50x128xf32, #tpu.memory_space<vmem>>, %arg11: memref<50x128xf32, #tpu.memory_space<vmem>>, %arg12: memref<50x128xf32, #tpu.memory_space<vmem>>, %arg13: memref<50x128xf32, #tpu.memory_space<vmem>>, %arg14: memref<10240x128xf32, #tpu.memory_space<vmem_shared>>, %arg15: memref<!tpu.dma_semaphore, #tpu.memory_space<semaphore_mem>>, %arg16: memref<!tpu.dma_semaphore, #tpu.memory_space<semaphore_mem>>, %arg17: memref<!tpu.dma_semaphore, #tpu.memory_space<semaphore_mem>>, %arg18: memref<!tpu.dma_semaphore, #tpu.memory_space<semaphore_mem>>) attributes {dimension_semantics = [#tpu.dimension_semantics<core_parallel>, #tpu.dimension_semantics<subcore_parallel>], iteration_bounds = array<i64: 2, 16>, scalar_prefetch = 0 : i64, scratch_operands = 12 : i64, tpu.core_type = #tpu.core_type<sc_vector_subcore>, window_params = [{transform_indices = #map}, {transform_indices = #map1}, {transform_indices = #map1}, {transform_indices = #map}, {transform_indices = #map}]} {
    %mul3A = arith.constant 16 : i32
    %mul3A_0 = arith.muli %arg0, %mul3A : i32
    %add3A = arith.addi %mul3A_0, %arg1 : i32
    %mul3A_1 = arith.constant 640 : i32
    %mul3A_2 = arith.muli %arg1, %mul3A_1 : i32
    "tpu.region"() ({
      %run_scoped3A = tpu.sem_alloc : memref<!tpu.dma_semaphore, #tpu.memory_space<semaphore_mem>>
      tpu.enqueue_dma source(%arg5 : memref<80x128xf32, #tpu.memory_space<hbm>>) target(%arg9 : memref<80x128xf32, #tpu.memory_space<vmem>>) target_semaphore(%run_scoped3A : memref<!tpu.dma_semaphore, #tpu.memory_space<semaphore_mem>>)
      tpu.wait_dma2 semaphore(%run_scoped3A : memref<!tpu.dma_semaphore, #tpu.memory_space<semaphore_mem>>) src(%arg5 : memref<80x128xf32, #tpu.memory_space<hbm>>) dst(%arg9 : memref<80x128xf32, #tpu.memory_space<vmem>>)
      tpu.yield
    }) : () -> ()
    %add3A_3 = arith.constant 0 : i32
    %add3A_4 = arith.addi %mul3A_2, %add3A_3 : i32
    "tpu.region"() ({
      %run_scoped3A = tpu.sem_alloc : memref<!tpu.dma_semaphore, #tpu.memory_space<semaphore_mem>>
      %dma_start3A = arith.constant 0 : i32
      %dma_start3A_81 = tpu.memref_slice %arg14[%add3A_4, %dma_start3A] : memref<10240x128xf32, #tpu.memory_space<vmem_shared>> -> memref<80x128xf32, #tpu.memory_space<vmem_shared>>
      %dma_start3A_82 = arith.constant 0 : i32
      %dma_start3A_83 = tpu.memref_slice %arg14[%add3A_4, %dma_start3A_82] : memref<10240x128xf32, #tpu.memory_space<vmem_shared>> -> memref<80x128xf32, #tpu.memory_space<vmem_shared>>
      tpu.enqueue_dma source(%arg9 : memref<80x128xf32, #tpu.memory_space<vmem>>) target(%dma_start3A_83 : memref<80x128xf32, #tpu.memory_space<vmem_shared>>) target_semaphore(%run_scoped3A : memref<!tpu.dma_semaphore, #tpu.memory_space<semaphore_mem>>)
      %dma_wait3A = arith.constant 0 : i32
      %dma_wait3A_84 = tpu.memref_slice %arg14[%add3A_4, %dma_wait3A] : memref<10240x128xf32, #tpu.memory_space<vmem_shared>> -> memref<80x128xf32, #tpu.memory_space<vmem_shared>>
      %dma_wait3A_85 = arith.constant 0 : i32
      %dma_wait3A_86 = tpu.memref_slice %arg14[%add3A_4, %dma_wait3A_85] : memref<10240x128xf32, #tpu.memory_space<vmem_shared>> -> memref<80x128xf32, #tpu.memory_space<vmem_shared>>
      tpu.wait_dma2 semaphore(%run_scoped3A : memref<!tpu.dma_semaphore, #tpu.memory_space<semaphore_mem>>) src(%arg9 : memref<80x128xf32, #tpu.memory_space<vmem>>) dst(%dma_wait3A_86 : memref<80x128xf32, #tpu.memory_space<vmem_shared>>)
      tpu.yield
    }) : () -> ()
    %add3A_5 = arith.constant 80 : i32
    %add3A_6 = arith.addi %mul3A_2, %add3A_5 : i32
    "tpu.region"() ({
      %run_scoped3A = tpu.sem_alloc : memref<!tpu.dma_semaphore, #tpu.memory_space<semaphore_mem>>
      %dma_start3A = arith.constant 0 : i32
      %dma_start3A_81 = tpu.memref_slice %arg14[%add3A_6, %dma_start3A] : memref<10240x128xf32, #tpu.memory_space<vmem_shared>> -> memref<80x128xf32, #tpu.memory_space<vmem_shared>>
      %dma_start3A_82 = arith.constant 0 : i32
      %dma_start3A_83 = tpu.memref_slice %arg14[%add3A_6, %dma_start3A_82] : memref<10240x128xf32, #tpu.memory_space<vmem_shared>> -> memref<80x128xf32, #tpu.memory_space<vmem_shared>>
      tpu.enqueue_dma source(%arg9 : memref<80x128xf32, #tpu.memory_space<vmem>>) target(%dma_start3A_83 : memref<80x128xf32, #tpu.memory_space<vmem_shared>>) target_semaphore(%run_scoped3A : memref<!tpu.dma_semaphore, #tpu.memory_space<semaphore_mem>>)
      %dma_wait3A = arith.constant 0 : i32
      %dma_wait3A_84 = tpu.memref_slice %arg14[%add3A_6, %dma_wait3A] : memref<10240x128xf32, #tpu.memory_space<vmem_shared>> -> memref<80x128xf32, #tpu.memory_space<vmem_shared>>
      %dma_wait3A_85 = arith.constant 0 : i32
      %dma_wait3A_86 = tpu.memref_slice %arg14[%add3A_6, %dma_wait3A_85] : memref<10240x128xf32, #tpu.memory_space<vmem_shared>> -> memref<80x128xf32, #tpu.memory_space<vmem_shared>>
      tpu.wait_dma2 semaphore(%run_scoped3A : memref<!tpu.dma_semaphore, #tpu.memory_space<semaphore_mem>>) src(%arg9 : memref<80x128xf32, #tpu.memory_space<vmem>>) dst(%dma_wait3A_86 : memref<80x128xf32, #tpu.memory_space<vmem_shared>>)
      tpu.yield
    }) : () -> ()
    %add3A_7 = arith.constant 160 : i32
    %add3A_8 = arith.addi %mul3A_2, %add3A_7 : i32
    "tpu.region"() ({
      %run_scoped3A = tpu.sem_alloc : memref<!tpu.dma_semaphore, #tpu.memory_space<semaphore_mem>>
      %dma_start3A = arith.constant 0 : i32
      %dma_start3A_81 = tpu.memref_slice %arg14[%add3A_8, %dma_start3A] : memref<10240x128xf32, #tpu.memory_space<vmem_shared>> -> memref<80x128xf32, #tpu.memory_space<vmem_shared>>
      %dma_start3A_82 = arith.constant 0 : i32
      %dma_start3A_83 = tpu.memref_slice %arg14[%add3A_8, %dma_start3A_82] : memref<10240x128xf32, #tpu.memory_space<vmem_shared>> -> memref<80x128xf32, #tpu.memory_space<vmem_shared>>
      tpu.enqueue_dma source(%arg9 : memref<80x128xf32, #tpu.memory_space<vmem>>) target(%dma_start3A_83 : memref<80x128xf32, #tpu.memory_space<vmem_shared>>) target_semaphore(%run_scoped3A : memref<!tpu.dma_semaphore, #tpu.memory_space<semaphore_mem>>)
      %dma_wait3A = arith.constant 0 : i32
      %dma_wait3A_84 = tpu.memref_slice %arg14[%add3A_8, %dma_wait3A] : memref<10240x128xf32, #tpu.memory_space<vmem_shared>> -> memref<80x128xf32, #tpu.memory_space<vmem_shared>>
      %dma_wait3A_85 = arith.constant 0 : i32
      %dma_wait3A_86 = tpu.memref_slice %arg14[%add3A_8, %dma_wait3A_85] : memref<10240x128xf32, #tpu.memory_space<vmem_shared>> -> memref<80x128xf32, #tpu.memory_space<vmem_shared>>
      tpu.wait_dma2 semaphore(%run_scoped3A : memref<!tpu.dma_semaphore, #tpu.memory_space<semaphore_mem>>) src(%arg9 : memref<80x128xf32, #tpu.memory_space<vmem>>) dst(%dma_wait3A_86 : memref<80x128xf32, #tpu.memory_space<vmem_shared>>)
      tpu.yield
    }) : () -> ()
    %add3A_9 = arith.constant 240 : i32
    %add3A_10 = arith.addi %mul3A_2, %add3A_9 : i32
    "tpu.region"() ({
      %run_scoped3A = tpu.sem_alloc : memref<!tpu.dma_semaphore, #tpu.memory_space<semaphore_mem>>
      %dma_start3A = arith.constant 0 : i32
      %dma_start3A_81 = tpu.memref_slice %arg14[%add3A_10, %dma_start3A] : memref<10240x128xf32, #tpu.memory_space<vmem_shared>> -> memref<80x128xf32, #tpu.memory_space<vmem_shared>>
      %dma_start3A_82 = arith.constant 0 : i32
      %dma_start3A_83 = tpu.memref_slice %arg14[%add3A_10, %dma_start3A_82] : memref<10240x128xf32, #tpu.memory_space<vmem_shared>> -> memref<80x128xf32, #tpu.memory_space<vmem_shared>>
      tpu.enqueue_dma source(%arg9 : memref<80x128xf32, #tpu.memory_space<vmem>>) target(%dma_start3A_83 : memref<80x128xf32, #tpu.memory_space<vmem_shared>>) target_semaphore(%run_scoped3A : memref<!tpu.dma_semaphore, #tpu.memory_space<semaphore_mem>>)
      %dma_wait3A = arith.constant 0 : i32
      %dma_wait3A_84 = tpu.memref_slice %arg14[%add3A_10, %dma_wait3A] : memref<10240x128xf32, #tpu.memory_space<vmem_shared>> -> memref<80x128xf32, #tpu.memory_space<vmem_shared>>
      %dma_wait3A_85 = arith.constant 0 : i32
      %dma_wait3A_86 = tpu.memref_slice %arg14[%add3A_10, %dma_wait3A_85] : memref<10240x128xf32, #tpu.memory_space<vmem_shared>> -> memref<80x128xf32, #tpu.memory_space<vmem_shared>>
      tpu.wait_dma2 semaphore(%run_scoped3A : memref<!tpu.dma_semaphore, #tpu.memory_space<semaphore_mem>>) src(%arg9 : memref<80x128xf32, #tpu.memory_space<vmem>>) dst(%dma_wait3A_86 : memref<80x128xf32, #tpu.memory_space<vmem_shared>>)
      tpu.yield
    }) : () -> ()
    %add3A_11 = arith.constant 320 : i32
    %add3A_12 = arith.addi %mul3A_2, %add3A_11 : i32
    "tpu.region"() ({
      %run_scoped3A = tpu.sem_alloc : memref<!tpu.dma_semaphore, #tpu.memory_space<semaphore_mem>>
      %dma_start3A = arith.constant 0 : i32
      %dma_start3A_81 = tpu.memref_slice %arg14[%add3A_12, %dma_start3A] : memref<10240x128xf32, #tpu.memory_space<vmem_shared>> -> memref<80x128xf32, #tpu.memory_space<vmem_shared>>
      %dma_start3A_82 = arith.constant 0 : i32
      %dma_start3A_83 = tpu.memref_slice %arg14[%add3A_12, %dma_start3A_82] : memref<10240x128xf32, #tpu.memory_space<vmem_shared>> -> memref<80x128xf32, #tpu.memory_space<vmem_shared>>
      tpu.enqueue_dma source(%arg9 : memref<80x128xf32, #tpu.memory_space<vmem>>) target(%dma_start3A_83 : memref<80x128xf32, #tpu.memory_space<vmem_shared>>) target_semaphore(%run_scoped3A : memref<!tpu.dma_semaphore, #tpu.memory_space<semaphore_mem>>)
      %dma_wait3A = arith.constant 0 : i32
      %dma_wait3A_84 = tpu.memref_slice %arg14[%add3A_12, %dma_wait3A] : memref<10240x128xf32, #tpu.memory_space<vmem_shared>> -> memref<80x128xf32, #tpu.memory_space<vmem_shared>>
      %dma_wait3A_85 = arith.constant 0 : i32
      %dma_wait3A_86 = tpu.memref_slice %arg14[%add3A_12, %dma_wait3A_85] : memref<10240x128xf32, #tpu.memory_space<vmem_shared>> -> memref<80x128xf32, #tpu.memory_space<vmem_shared>>
      tpu.wait_dma2 semaphore(%run_scoped3A : memref<!tpu.dma_semaphore, #tpu.memory_space<semaphore_mem>>) src(%arg9 : memref<80x128xf32, #tpu.memory_space<vmem>>) dst(%dma_wait3A_86 : memref<80x128xf32, #tpu.memory_space<vmem_shared>>)
      tpu.yield
    }) : () -> ()
    %add3A_13 = arith.constant 400 : i32
    %add3A_14 = arith.addi %mul3A_2, %add3A_13 : i32
    "tpu.region"() ({
      %run_scoped3A = tpu.sem_alloc : memref<!tpu.dma_semaphore, #tpu.memory_space<semaphore_mem>>
      %dma_start3A = arith.constant 0 : i32
      %dma_start3A_81 = tpu.memref_slice %arg14[%add3A_14, %dma_start3A] : memref<10240x128xf32, #tpu.memory_space<vmem_shared>> -> memref<80x128xf32, #tpu.memory_space<vmem_shared>>
      %dma_start3A_82 = arith.constant 0 : i32
      %dma_start3A_83 = tpu.memref_slice %arg14[%add3A_14, %dma_start3A_82] : memref<10240x128xf32, #tpu.memory_space<vmem_shared>> -> memref<80x128xf32, #tpu.memory_space<vmem_shared>>
      tpu.enqueue_dma source(%arg9 : memref<80x128xf32, #tpu.memory_space<vmem>>) target(%dma_start3A_83 : memref<80x128xf32, #tpu.memory_space<vmem_shared>>) target_semaphore(%run_scoped3A : memref<!tpu.dma_semaphore, #tpu.memory_space<semaphore_mem>>)
      %dma_wait3A = arith.constant 0 : i32
      %dma_wait3A_84 = tpu.memref_slice %arg14[%add3A_14, %dma_wait3A] : memref<10240x128xf32, #tpu.memory_space<vmem_shared>> -> memref<80x128xf32, #tpu.memory_space<vmem_shared>>
      %dma_wait3A_85 = arith.constant 0 : i32
      %dma_wait3A_86 = tpu.memref_slice %arg14[%add3A_14, %dma_wait3A_85] : memref<10240x128xf32, #tpu.memory_space<vmem_shared>> -> memref<80x128xf32, #tpu.memory_space<vmem_shared>>
      tpu.wait_dma2 semaphore(%run_scoped3A : memref<!tpu.dma_semaphore, #tpu.memory_space<semaphore_mem>>) src(%arg9 : memref<80x128xf32, #tpu.memory_space<vmem>>) dst(%dma_wait3A_86 : memref<80x128xf32, #tpu.memory_space<vmem_shared>>)
      tpu.yield
    }) : () -> ()
    %add3A_15 = arith.constant 480 : i32
    %add3A_16 = arith.addi %mul3A_2, %add3A_15 : i32
    "tpu.region"() ({
      %run_scoped3A = tpu.sem_alloc : memref<!tpu.dma_semaphore, #tpu.memory_space<semaphore_mem>>
      %dma_start3A = arith.constant 0 : i32
      %dma_start3A_81 = tpu.memref_slice %arg14[%add3A_16, %dma_start3A] : memref<10240x128xf32, #tpu.memory_space<vmem_shared>> -> memref<80x128xf32, #tpu.memory_space<vmem_shared>>
      %dma_start3A_82 = arith.constant 0 : i32
      %dma_start3A_83 = tpu.memref_slice %arg14[%add3A_16, %dma_start3A_82] : memref<10240x128xf32, #tpu.memory_space<vmem_shared>> -> memref<80x128xf32, #tpu.memory_space<vmem_shared>>
      tpu.enqueue_dma source(%arg9 : memref<80x128xf32, #tpu.memory_space<vmem>>) target(%dma_start3A_83 : memref<80x128xf32, #tpu.memory_space<vmem_shared>>) target_semaphore(%run_scoped3A : memref<!tpu.dma_semaphore, #tpu.memory_space<semaphore_mem>>)
      %dma_wait3A = arith.constant 0 : i32
      %dma_wait3A_84 = tpu.memref_slice %arg14[%add3A_16, %dma_wait3A] : memref<10240x128xf32, #tpu.memory_space<vmem_shared>> -> memref<80x128xf32, #tpu.memory_space<vmem_shared>>
      %dma_wait3A_85 = arith.constant 0 : i32
      %dma_wait3A_86 = tpu.memref_slice %arg14[%add3A_16, %dma_wait3A_85] : memref<10240x128xf32, #tpu.memory_space<vmem_shared>> -> memref<80x128xf32, #tpu.memory_space<vmem_shared>>
      tpu.wait_dma2 semaphore(%run_scoped3A : memref<!tpu.dma_semaphore, #tpu.memory_space<semaphore_mem>>) src(%arg9 : memref<80x128xf32, #tpu.memory_space<vmem>>) dst(%dma_wait3A_86 : memref<80x128xf32, #tpu.memory_space<vmem_shared>>)
      tpu.yield
    }) : () -> ()
    %add3A_17 = arith.constant 560 : i32
    %add3A_18 = arith.addi %mul3A_2, %add3A_17 : i32
    "tpu.region"() ({
      %run_scoped3A = tpu.sem_alloc : memref<!tpu.dma_semaphore, #tpu.memory_space<semaphore_mem>>
      %dma_start3A = arith.constant 0 : i32
      %dma_start3A_81 = tpu.memref_slice %arg14[%add3A_18, %dma_start3A] : memref<10240x128xf32, #tpu.memory_space<vmem_shared>> -> memref<80x128xf32, #tpu.memory_space<vmem_shared>>
      %dma_start3A_82 = arith.constant 0 : i32
      %dma_start3A_83 = tpu.memref_slice %arg14[%add3A_18, %dma_start3A_82] : memref<10240x128xf32, #tpu.memory_space<vmem_shared>> -> memref<80x128xf32, #tpu.memory_space<vmem_shared>>
      tpu.enqueue_dma source(%arg9 : memref<80x128xf32, #tpu.memory_space<vmem>>) target(%dma_start3A_83 : memref<80x128xf32, #tpu.memory_space<vmem_shared>>) target_semaphore(%run_scoped3A : memref<!tpu.dma_semaphore, #tpu.memory_space<semaphore_mem>>)
      %dma_wait3A = arith.constant 0 : i32
      %dma_wait3A_84 = tpu.memref_slice %arg14[%add3A_18, %dma_wait3A] : memref<10240x128xf32, #tpu.memory_space<vmem_shared>> -> memref<80x128xf32, #tpu.memory_space<vmem_shared>>
      %dma_wait3A_85 = arith.constant 0 : i32
      %dma_wait3A_86 = tpu.memref_slice %arg14[%add3A_18, %dma_wait3A_85] : memref<10240x128xf32, #tpu.memory_space<vmem_shared>> -> memref<80x128xf32, #tpu.memory_space<vmem_shared>>
      tpu.wait_dma2 semaphore(%run_scoped3A : memref<!tpu.dma_semaphore, #tpu.memory_space<semaphore_mem>>) src(%arg9 : memref<80x128xf32, #tpu.memory_space<vmem>>) dst(%dma_wait3A_86 : memref<80x128xf32, #tpu.memory_space<vmem_shared>>)
      tpu.yield
    }) : () -> ()
    %barrier3A = arith.constant 0 : index
    tpu.barrier barrier_id(%barrier3A)
    %scan3A = arith.constant 0 : i32
    %scan3A_19 = arith.constant 0 : i32
    %scan3A_20 = arith.constant 5 : i32
    %scan3A_21 = arith.addi %scan3A_19, %scan3A_20 : i32
    %scan3A_22 = arith.constant 1 : i32
    scf.for %scan3A_81 = %scan3A_19 to %scan3A_21 step %scan3A_22  : i32 {
      %mul3A_82 = arith.constant 5 : i32
      %mul3A_83 = arith.muli %add3A, %mul3A_82 : i32
      %add3A_84 = arith.addi %mul3A_83, %scan3A_81 : i32
      "tpu.region"() ({
        %run_scoped3A = tpu.sem_alloc : memref<!tpu.dma_semaphore, #tpu.memory_space<semaphore_mem>>
        %dma_start3A_114 = arith.constant 0 : i32
        %dma_start3A_115 = arith.constant 0 : i32
        %dma_start3A_116 = tpu.memref_slice %arg3[%add3A_84, %dma_start3A_114, %dma_start3A_115] : memref<160x40x50xi32, #tpu.memory_space<hbm>> -> memref<1x40x50xi32, #tpu.memory_space<hbm>>
        %dma_start3A_117 = tpu.memref_squeeze %dma_start3A_116 : memref<1x40x50xi32, #tpu.memory_space<hbm>> -> memref<40x50xi32, #tpu.memory_space<hbm>>
        %dma_start3A_118 = arith.constant 0 : i32
        %dma_start3A_119 = arith.constant 0 : i32
        %dma_start3A_120 = tpu.memref_slice %arg3[%add3A_84, %dma_start3A_118, %dma_start3A_119] : memref<160x40x50xi32, #tpu.memory_space<hbm>> -> memref<1x40x50xi32, #tpu.memory_space<hbm>>
        %dma_start3A_121 = tpu.memref_squeeze %dma_start3A_120 : memref<1x40x50xi32, #tpu.memory_space<hbm>> -> memref<40x50xi32, #tpu.memory_space<hbm>>
        tpu.enqueue_dma source(%dma_start3A_121 : memref<40x50xi32, #tpu.memory_space<hbm>>) target(%arg7 : memref<40x50xi32, #tpu.memory_space<vmem>>) target_semaphore(%run_scoped3A : memref<!tpu.dma_semaphore, #tpu.memory_space<semaphore_mem>>)
        %dma_wait3A = arith.constant 0 : i32
        %dma_wait3A_122 = arith.constant 0 : i32
        %dma_wait3A_123 = tpu.memref_slice %arg3[%add3A_84, %dma_wait3A, %dma_wait3A_122] : memref<160x40x50xi32, #tpu.memory_space<hbm>> -> memref<1x40x50xi32, #tpu.memory_space<hbm>>
        %dma_wait3A_124 = tpu.memref_squeeze %dma_wait3A_123 : memref<1x40x50xi32, #tpu.memory_space<hbm>> -> memref<40x50xi32, #tpu.memory_space<hbm>>
        %dma_wait3A_125 = arith.constant 0 : i32
        %dma_wait3A_126 = arith.constant 0 : i32
        %dma_wait3A_127 = tpu.memref_slice %arg3[%add3A_84, %dma_wait3A_125, %dma_wait3A_126] : memref<160x40x50xi32, #tpu.memory_space<hbm>> -> memref<1x40x50xi32, #tpu.memory_space<hbm>>
        %dma_wait3A_128 = tpu.memref_squeeze %dma_wait3A_127 : memref<1x40x50xi32, #tpu.memory_space<hbm>> -> memref<40x50xi32, #tpu.memory_space<hbm>>
        tpu.wait_dma2 semaphore(%run_scoped3A : memref<!tpu.dma_semaphore, #tpu.memory_space<semaphore_mem>>) src(%dma_wait3A_128 : memref<40x50xi32, #tpu.memory_space<hbm>>) dst(%arg7 : memref<40x50xi32, #tpu.memory_space<vmem>>)
        tpu.yield
      }) : () -> ()
      %mul3A_85 = arith.constant 5 : i32
      %mul3A_86 = arith.muli %add3A, %mul3A_85 : i32
      %add3A_87 = arith.addi %mul3A_86, %scan3A_81 : i32
      "tpu.region"() ({
        %run_scoped3A = tpu.sem_alloc : memref<!tpu.dma_semaphore, #tpu.memory_space<semaphore_mem>>
        %dma_start3A_114 = arith.constant 0 : i32
        %dma_start3A_115 = arith.constant 0 : i32
        %dma_start3A_116 = tpu.memref_slice %arg4[%add3A_87, %dma_start3A_114, %dma_start3A_115] : memref<160x40x50xi32, #tpu.memory_space<hbm>> -> memref<1x40x50xi32, #tpu.memory_space<hbm>>
        %dma_start3A_117 = tpu.memref_squeeze %dma_start3A_116 : memref<1x40x50xi32, #tpu.memory_space<hbm>> -> memref<40x50xi32, #tpu.memory_space<hbm>>
        %dma_start3A_118 = arith.constant 0 : i32
        %dma_start3A_119 = arith.constant 0 : i32
        %dma_start3A_120 = tpu.memref_slice %arg4[%add3A_87, %dma_start3A_118, %dma_start3A_119] : memref<160x40x50xi32, #tpu.memory_space<hbm>> -> memref<1x40x50xi32, #tpu.memory_space<hbm>>
        %dma_start3A_121 = tpu.memref_squeeze %dma_start3A_120 : memref<1x40x50xi32, #tpu.memory_space<hbm>> -> memref<40x50xi32, #tpu.memory_space<hbm>>
        tpu.enqueue_dma source(%dma_start3A_121 : memref<40x50xi32, #tpu.memory_space<hbm>>) target(%arg8 : memref<40x50xi32, #tpu.memory_space<vmem>>) target_semaphore(%run_scoped3A : memref<!tpu.dma_semaphore, #tpu.memory_space<semaphore_mem>>)
        %dma_wait3A = arith.constant 0 : i32
        %dma_wait3A_122 = arith.constant 0 : i32
        %dma_wait3A_123 = tpu.memref_slice %arg4[%add3A_87, %dma_wait3A, %dma_wait3A_122] : memref<160x40x50xi32, #tpu.memory_space<hbm>> -> memref<1x40x50xi32, #tpu.memory_space<hbm>>
        %dma_wait3A_124 = tpu.memref_squeeze %dma_wait3A_123 : memref<1x40x50xi32, #tpu.memory_space<hbm>> -> memref<40x50xi32, #tpu.memory_space<hbm>>
        %dma_wait3A_125 = arith.constant 0 : i32
        %dma_wait3A_126 = arith.constant 0 : i32
        %dma_wait3A_127 = tpu.memref_slice %arg4[%add3A_87, %dma_wait3A_125, %dma_wait3A_126] : memref<160x40x50xi32, #tpu.memory_space<hbm>> -> memref<1x40x50xi32, #tpu.memory_space<hbm>>
        %dma_wait3A_128 = tpu.memref_squeeze %dma_wait3A_127 : memref<1x40x50xi32, #tpu.memory_space<hbm>> -> memref<40x50xi32, #tpu.memory_space<hbm>>
        tpu.wait_dma2 semaphore(%run_scoped3A : memref<!tpu.dma_semaphore, #tpu.memory_space<semaphore_mem>>) src(%dma_wait3A_128 : memref<40x50xi32, #tpu.memory_space<hbm>>) dst(%arg8 : memref<40x50xi32, #tpu.memory_space<vmem>>)
        tpu.yield
      }) : () -> ()
      %dma_start3A = arith.constant 0 : i32
      %dma_start3A_88 = arith.constant 0 : i32
      %dma_start3A_89 = tpu.memref_slice %arg7[%dma_start3A, %dma_start3A_88] : memref<40x50xi32, #tpu.memory_space<vmem>> -> memref<1x50xi32, #tpu.memory_space<vmem>>
      %dma_start3A_90 = tpu.memref_squeeze %dma_start3A_89 : memref<1x50xi32, #tpu.memory_space<vmem>> -> memref<50xi32, #tpu.memory_space<vmem>>
      %dma_start3A_91 = arith.constant 0 : i32
      %dma_start3A_92 = arith.constant 0 : i32
      %dma_start3A_93 = tpu.memref_slice %arg2[%dma_start3A_91, %dma_start3A_92] : memref<10240x128xf32, #tpu.memory_space<hbm>> -> memref<10240x128xf32, #tpu.memory_space<hbm>>
      tpu.enqueue_indirect_dma source(%dma_start3A_93 : memref<10240x128xf32, #tpu.memory_space<hbm>>) target(%arg10 : memref<50x128xf32, #tpu.memory_space<vmem>>) offsets(%dma_start3A_90 : memref<50xi32, #tpu.memory_space<vmem>>) semaphore(%arg15 : memref<!tpu.dma_semaphore, #tpu.memory_space<semaphore_mem>>)
      %dma_start3A_94 = arith.constant 1 : i32
      %dma_start3A_95 = arith.constant 0 : i32
      %dma_start3A_96 = tpu.memref_slice %arg7[%dma_start3A_94, %dma_start3A_95] : memref<40x50xi32, #tpu.memory_space<vmem>> -> memref<1x50xi32, #tpu.memory_space<vmem>>
      %dma_start3A_97 = tpu.memref_squeeze %dma_start3A_96 : memref<1x50xi32, #tpu.memory_space<vmem>> -> memref<50xi32, #tpu.memory_space<vmem>>
      %dma_start3A_98 = arith.constant 0 : i32
      %dma_start3A_99 = arith.constant 0 : i32
      %dma_start3A_100 = tpu.memref_slice %arg2[%dma_start3A_98, %dma_start3A_99] : memref<10240x128xf32, #tpu.memory_space<hbm>> -> memref<10240x128xf32, #tpu.memory_space<hbm>>
      tpu.enqueue_indirect_dma source(%dma_start3A_100 : memref<10240x128xf32, #tpu.memory_space<hbm>>) target(%arg11 : memref<50x128xf32, #tpu.memory_space<vmem>>) offsets(%dma_start3A_97 : memref<50xi32, #tpu.memory_space<vmem>>) semaphore(%arg16 : memref<!tpu.dma_semaphore, #tpu.memory_space<semaphore_mem>>)
      %dma_start3A_101 = arith.constant 2 : i32
      %dma_start3A_102 = arith.constant 0 : i32
      %dma_start3A_103 = tpu.memref_slice %arg7[%dma_start3A_101, %dma_start3A_102] : memref<40x50xi32, #tpu.memory_space<vmem>> -> memref<1x50xi32, #tpu.memory_space<vmem>>
      %dma_start3A_104 = tpu.memref_squeeze %dma_start3A_103 : memref<1x50xi32, #tpu.memory_space<vmem>> -> memref<50xi32, #tpu.memory_space<vmem>>
      %dma_start3A_105 = arith.constant 0 : i32
      %dma_start3A_106 = arith.constant 0 : i32
      %dma_start3A_107 = tpu.memref_slice %arg2[%dma_start3A_105, %dma_start3A_106] : memref<10240x128xf32, #tpu.memory_space<hbm>> -> memref<10240x128xf32, #tpu.memory_space<hbm>>
      tpu.enqueue_indirect_dma source(%dma_start3A_107 : memref<10240x128xf32, #tpu.memory_space<hbm>>) target(%arg12 : memref<50x128xf32, #tpu.memory_space<vmem>>) offsets(%dma_start3A_104 : memref<50xi32, #tpu.memory_space<vmem>>) semaphore(%arg17 : memref<!tpu.dma_semaphore, #tpu.memory_space<semaphore_mem>>)
      %scan3A_108 = arith.constant 0 : i32
      %scan3A_109 = arith.constant 0 : i32
      %scan3A_110 = arith.constant 10 : i32
      %scan3A_111 = arith.addi %scan3A_109, %scan3A_110 : i32
      %scan3A_112 = arith.constant 1 : i32
      scf.for %scan3A_114 = %scan3A_109 to %scan3A_111 step %scan3A_112  : i32 {
        %mul3A_115 = arith.constant 4 : i32
        %mul3A_116 = arith.muli %mul3A_115, %scan3A_114 : i32
        %add3A_117 = arith.constant 0 : i32
        %add3A_118 = arith.addi %mul3A_116, %add3A_117 : i32
        %dma_wait3A = arith.constant 0 : i32
        %dma_wait3A_119 = tpu.memref_slice %arg7[%add3A_118, %dma_wait3A] : memref<40x50xi32, #tpu.memory_space<vmem>> -> memref<1x50xi32, #tpu.memory_space<vmem>>
        %dma_wait3A_120 = tpu.memref_squeeze %dma_wait3A_119 : memref<1x50xi32, #tpu.memory_space<vmem>> -> memref<50xi32, #tpu.memory_space<vmem>>
        %dma_wait3A_121 = arith.constant 0 : i32
        %dma_wait3A_122 = arith.constant 0 : i32
        %dma_wait3A_123 = tpu.memref_slice %arg2[%dma_wait3A_121, %dma_wait3A_122] : memref<10240x128xf32, #tpu.memory_space<hbm>> -> memref<10240x128xf32, #tpu.memory_space<hbm>>
        tpu.wait_indirect_dma semaphore(%arg15 : memref<!tpu.dma_semaphore, #tpu.memory_space<semaphore_mem>>) src(%dma_wait3A_123 : memref<10240x128xf32, #tpu.memory_space<hbm>>) dst(%arg10 : memref<50x128xf32, #tpu.memory_space<vmem>>)
        "tpu.region"() ({
          %run_scoped3A = tpu.sem_alloc : memref<!tpu.dma_semaphore, #tpu.memory_space<semaphore_mem>>
          %dma_start3A_173 = arith.constant 0 : i32
          %dma_start3A_174 = tpu.memref_slice %arg8[%add3A_118, %dma_start3A_173] : memref<40x50xi32, #tpu.memory_space<vmem>> -> memref<1x50xi32, #tpu.memory_space<vmem>>
          %dma_start3A_175 = tpu.memref_squeeze %dma_start3A_174 : memref<1x50xi32, #tpu.memory_space<vmem>> -> memref<50xi32, #tpu.memory_space<vmem>>
          %dma_start3A_176 = arith.constant 0 : i32
          %dma_start3A_177 = arith.constant 0 : i32
          %dma_start3A_178 = tpu.memref_slice %arg14[%dma_start3A_176, %dma_start3A_177] : memref<10240x128xf32, #tpu.memory_space<vmem_shared>> -> memref<10240x128xf32, #tpu.memory_space<vmem_shared>>
          tpu.enqueue_indirect_dma source(%arg10 : memref<50x128xf32, #tpu.memory_space<vmem>>) target(%dma_start3A_178 : memref<10240x128xf32, #tpu.memory_space<vmem_shared>>) offsets(%dma_start3A_175 : memref<50xi32, #tpu.memory_space<vmem>>) semaphore(%run_scoped3A : memref<!tpu.dma_semaphore, #tpu.memory_space<semaphore_mem>>) {add = true}
          %dma_wait3A_179 = arith.constant 0 : i32
          %dma_wait3A_180 = tpu.memref_slice %arg8[%add3A_118, %dma_wait3A_179] : memref<40x50xi32, #tpu.memory_space<vmem>> -> memref<1x50xi32, #tpu.memory_space<vmem>>
          %dma_wait3A_181 = tpu.memref_squeeze %dma_wait3A_180 : memref<1x50xi32, #tpu.memory_space<vmem>> -> memref<50xi32, #tpu.memory_space<vmem>>
          %dma_wait3A_182 = arith.constant 0 : i32
          %dma_wait3A_183 = arith.constant 0 : i32
          %dma_wait3A_184 = tpu.memref_slice %arg14[%dma_wait3A_182, %dma_wait3A_183] : memref<10240x128xf32, #tpu.memory_space<vmem_shared>> -> memref<10240x128xf32, #tpu.memory_space<vmem_shared>>
          tpu.wait_indirect_dma semaphore(%run_scoped3A : memref<!tpu.dma_semaphore, #tpu.memory_space<semaphore_mem>>) src(%arg10 : memref<50x128xf32, #tpu.memory_space<vmem>>) dst(%dma_wait3A_184 : memref<10240x128xf32, #tpu.memory_space<vmem_shared>>)
          tpu.yield
        }) : () -> ()
        %add3A_124 = arith.constant 3 : i32
        %add3A_125 = arith.addi %add3A_118, %add3A_124 : i32
        %lt3A = arith.constant 40 : i32
        %lt3A_126 = arith.cmpi slt, %add3A_125, %lt3A : i32
        %convert_element_type3A = arith.extui %lt3A_126 : i1 to i32
        %cond3A = arith.constant 0 : i32
        %cond3A_127 = arith.cmpi ne, %convert_element_type3A, %cond3A : i32
        scf.if %cond3A_127 {
          %add3A_173 = arith.constant 3 : i32
          %add3A_174 = arith.addi %add3A_118, %add3A_173 : i32
          %dma_start3A_175 = arith.constant 0 : i32
          %dma_start3A_176 = tpu.memref_slice %arg7[%add3A_174, %dma_start3A_175] : memref<40x50xi32, #tpu.memory_space<vmem>> -> memref<1x50xi32, #tpu.memory_space<vmem>>
          %dma_start3A_177 = tpu.memref_squeeze %dma_start3A_176 : memref<1x50xi32, #tpu.memory_space<vmem>> -> memref<50xi32, #tpu.memory_space<vmem>>
          %dma_start3A_178 = arith.constant 0 : i32
          %dma_start3A_179 = arith.constant 0 : i32
          %dma_start3A_180 = tpu.memref_slice %arg2[%dma_start3A_178, %dma_start3A_179] : memref<10240x128xf32, #tpu.memory_space<hbm>> -> memref<10240x128xf32, #tpu.memory_space<hbm>>
          tpu.enqueue_indirect_dma source(%dma_start3A_180 : memref<10240x128xf32, #tpu.memory_space<hbm>>) target(%arg13 : memref<50x128xf32, #tpu.memory_space<vmem>>) offsets(%dma_start3A_177 : memref<50xi32, #tpu.memory_space<vmem>>) semaphore(%arg18 : memref<!tpu.dma_semaphore, #tpu.memory_space<semaphore_mem>>)
        } else {
        }
        %add3A_128 = arith.constant 1 : i32
        %add3A_129 = arith.addi %mul3A_116, %add3A_128 : i32
        %dma_wait3A_130 = arith.constant 0 : i32
        %dma_wait3A_131 = tpu.memref_slice %arg7[%add3A_129, %dma_wait3A_130] : memref<40x50xi32, #tpu.memory_space<vmem>> -> memref<1x50xi32, #tpu.memory_space<vmem>>
        %dma_wait3A_132 = tpu.memref_squeeze %dma_wait3A_131 : memref<1x50xi32, #tpu.memory_space<vmem>> -> memref<50xi32, #tpu.memory_space<vmem>>
        %dma_wait3A_133 = arith.constant 0 : i32
        %dma_wait3A_134 = arith.constant 0 : i32
        %dma_wait3A_135 = tpu.memref_slice %arg2[%dma_wait3A_133, %dma_wait3A_134] : memref<10240x128xf32, #tpu.memory_space<hbm>> -> memref<10240x128xf32, #tpu.memory_space<hbm>>
        tpu.wait_indirect_dma semaphore(%arg16 : memref<!tpu.dma_semaphore, #tpu.memory_space<semaphore_mem>>) src(%dma_wait3A_135 : memref<10240x128xf32, #tpu.memory_space<hbm>>) dst(%arg11 : memref<50x128xf32, #tpu.memory_space<vmem>>)
        "tpu.region"() ({
          %run_scoped3A = tpu.sem_alloc : memref<!tpu.dma_semaphore, #tpu.memory_space<semaphore_mem>>
          %dma_start3A_173 = arith.constant 0 : i32
          %dma_start3A_174 = tpu.memref_slice %arg8[%add3A_129, %dma_start3A_173] : memref<40x50xi32, #tpu.memory_space<vmem>> -> memref<1x50xi32, #tpu.memory_space<vmem>>
          %dma_start3A_175 = tpu.memref_squeeze %dma_start3A_174 : memref<1x50xi32, #tpu.memory_space<vmem>> -> memref<50xi32, #tpu.memory_space<vmem>>
          %dma_start3A_176 = arith.constant 0 : i32
          %dma_start3A_177 = arith.constant 0 : i32
          %dma_start3A_178 = tpu.memref_slice %arg14[%dma_start3A_176, %dma_start3A_177] : memref<10240x128xf32, #tpu.memory_space<vmem_shared>> -> memref<10240x128xf32, #tpu.memory_space<vmem_shared>>
          tpu.enqueue_indirect_dma source(%arg11 : memref<50x128xf32, #tpu.memory_space<vmem>>) target(%dma_start3A_178 : memref<10240x128xf32, #tpu.memory_space<vmem_shared>>) offsets(%dma_start3A_175 : memref<50xi32, #tpu.memory_space<vmem>>) semaphore(%run_scoped3A : memref<!tpu.dma_semaphore, #tpu.memory_space<semaphore_mem>>) {add = true}
          %dma_wait3A_179 = arith.constant 0 : i32
          %dma_wait3A_180 = tpu.memref_slice %arg8[%add3A_129, %dma_wait3A_179] : memref<40x50xi32, #tpu.memory_space<vmem>> -> memref<1x50xi32, #tpu.memory_space<vmem>>
          %dma_wait3A_181 = tpu.memref_squeeze %dma_wait3A_180 : memref<1x50xi32, #tpu.memory_space<vmem>> -> memref<50xi32, #tpu.memory_space<vmem>>
          %dma_wait3A_182 = arith.constant 0 : i32
          %dma_wait3A_183 = arith.constant 0 : i32
          %dma_wait3A_184 = tpu.memref_slice %arg14[%dma_wait3A_182, %dma_wait3A_183] : memref<10240x128xf32, #tpu.memory_space<vmem_shared>> -> memref<10240x128xf32, #tpu.memory_space<vmem_shared>>
          tpu.wait_indirect_dma semaphore(%run_scoped3A : memref<!tpu.dma_semaphore, #tpu.memory_space<semaphore_mem>>) src(%arg11 : memref<50x128xf32, #tpu.memory_space<vmem>>) dst(%dma_wait3A_184 : memref<10240x128xf32, #tpu.memory_space<vmem_shared>>)
          tpu.yield
        }) : () -> ()
        %add3A_136 = arith.constant 3 : i32
        %add3A_137 = arith.addi %add3A_129, %add3A_136 : i32
        %lt3A_138 = arith.constant 40 : i32
        %lt3A_139 = arith.cmpi slt, %add3A_137, %lt3A_138 : i32
        %convert_element_type3A_140 = arith.extui %lt3A_139 : i1 to i32
        %cond3A_141 = arith.constant 0 : i32
        %cond3A_142 = arith.cmpi ne, %convert_element_type3A_140, %cond3A_141 : i32
        scf.if %cond3A_142 {
          %add3A_173 = arith.constant 3 : i32
          %add3A_174 = arith.addi %add3A_129, %add3A_173 : i32
          %dma_start3A_175 = arith.constant 0 : i32
          %dma_start3A_176 = tpu.memref_slice %arg7[%add3A_174, %dma_start3A_175] : memref<40x50xi32, #tpu.memory_space<vmem>> -> memref<1x50xi32, #tpu.memory_space<vmem>>
          %dma_start3A_177 = tpu.memref_squeeze %dma_start3A_176 : memref<1x50xi32, #tpu.memory_space<vmem>> -> memref<50xi32, #tpu.memory_space<vmem>>
          %dma_start3A_178 = arith.constant 0 : i32
          %dma_start3A_179 = arith.constant 0 : i32
          %dma_start3A_180 = tpu.memref_slice %arg2[%dma_start3A_178, %dma_start3A_179] : memref<10240x128xf32, #tpu.memory_space<hbm>> -> memref<10240x128xf32, #tpu.memory_space<hbm>>
          tpu.enqueue_indirect_dma source(%dma_start3A_180 : memref<10240x128xf32, #tpu.memory_space<hbm>>) target(%arg10 : memref<50x128xf32, #tpu.memory_space<vmem>>) offsets(%dma_start3A_177 : memref<50xi32, #tpu.memory_space<vmem>>) semaphore(%arg15 : memref<!tpu.dma_semaphore, #tpu.memory_space<semaphore_mem>>)
        } else {
        }
        %add3A_143 = arith.constant 2 : i32
        %add3A_144 = arith.addi %mul3A_116, %add3A_143 : i32
        %dma_wait3A_145 = arith.constant 0 : i32
        %dma_wait3A_146 = tpu.memref_slice %arg7[%add3A_144, %dma_wait3A_145] : memref<40x50xi32, #tpu.memory_space<vmem>> -> memref<1x50xi32, #tpu.memory_space<vmem>>
        %dma_wait3A_147 = tpu.memref_squeeze %dma_wait3A_146 : memref<1x50xi32, #tpu.memory_space<vmem>> -> memref<50xi32, #tpu.memory_space<vmem>>
        %dma_wait3A_148 = arith.constant 0 : i32
        %dma_wait3A_149 = arith.constant 0 : i32
        %dma_wait3A_150 = tpu.memref_slice %arg2[%dma_wait3A_148, %dma_wait3A_149] : memref<10240x128xf32, #tpu.memory_space<hbm>> -> memref<10240x128xf32, #tpu.memory_space<hbm>>
        tpu.wait_indirect_dma semaphore(%arg17 : memref<!tpu.dma_semaphore, #tpu.memory_space<semaphore_mem>>) src(%dma_wait3A_150 : memref<10240x128xf32, #tpu.memory_space<hbm>>) dst(%arg12 : memref<50x128xf32, #tpu.memory_space<vmem>>)
        "tpu.region"() ({
          %run_scoped3A = tpu.sem_alloc : memref<!tpu.dma_semaphore, #tpu.memory_space<semaphore_mem>>
          %dma_start3A_173 = arith.constant 0 : i32
          %dma_start3A_174 = tpu.memref_slice %arg8[%add3A_144, %dma_start3A_173] : memref<40x50xi32, #tpu.memory_space<vmem>> -> memref<1x50xi32, #tpu.memory_space<vmem>>
          %dma_start3A_175 = tpu.memref_squeeze %dma_start3A_174 : memref<1x50xi32, #tpu.memory_space<vmem>> -> memref<50xi32, #tpu.memory_space<vmem>>
          %dma_start3A_176 = arith.constant 0 : i32
          %dma_start3A_177 = arith.constant 0 : i32
          %dma_start3A_178 = tpu.memref_slice %arg14[%dma_start3A_176, %dma_start3A_177] : memref<10240x128xf32, #tpu.memory_space<vmem_shared>> -> memref<10240x128xf32, #tpu.memory_space<vmem_shared>>
          tpu.enqueue_indirect_dma source(%arg12 : memref<50x128xf32, #tpu.memory_space<vmem>>) target(%dma_start3A_178 : memref<10240x128xf32, #tpu.memory_space<vmem_shared>>) offsets(%dma_start3A_175 : memref<50xi32, #tpu.memory_space<vmem>>) semaphore(%run_scoped3A : memref<!tpu.dma_semaphore, #tpu.memory_space<semaphore_mem>>) {add = true}
          %dma_wait3A_179 = arith.constant 0 : i32
          %dma_wait3A_180 = tpu.memref_slice %arg8[%add3A_144, %dma_wait3A_179] : memref<40x50xi32, #tpu.memory_space<vmem>> -> memref<1x50xi32, #tpu.memory_space<vmem>>
          %dma_wait3A_181 = tpu.memref_squeeze %dma_wait3A_180 : memref<1x50xi32, #tpu.memory_space<vmem>> -> memref<50xi32, #tpu.memory_space<vmem>>
          %dma_wait3A_182 = arith.constant 0 : i32
          %dma_wait3A_183 = arith.constant 0 : i32
          %dma_wait3A_184 = tpu.memref_slice %arg14[%dma_wait3A_182, %dma_wait3A_183] : memref<10240x128xf32, #tpu.memory_space<vmem_shared>> -> memref<10240x128xf32, #tpu.memory_space<vmem_shared>>
          tpu.wait_indirect_dma semaphore(%run_scoped3A : memref<!tpu.dma_semaphore, #tpu.memory_space<semaphore_mem>>) src(%arg12 : memref<50x128xf32, #tpu.memory_space<vmem>>) dst(%dma_wait3A_184 : memref<10240x128xf32, #tpu.memory_space<vmem_shared>>)
          tpu.yield
        }) : () -> ()
        %add3A_151 = arith.constant 3 : i32
        %add3A_152 = arith.addi %add3A_144, %add3A_151 : i32
        %lt3A_153 = arith.constant 40 : i32
        %lt3A_154 = arith.cmpi slt, %add3A_152, %lt3A_153 : i32
        %convert_element_type3A_155 = arith.extui %lt3A_154 : i1 to i32
        %cond3A_156 = arith.constant 0 : i32
        %cond3A_157 = arith.cmpi ne, %convert_element_type3A_155, %cond3A_156 : i32
        scf.if %cond3A_157 {
          %add3A_173 = arith.constant 3 : i32
          %add3A_174 = arith.addi %add3A_144, %add3A_173 : i32
          %dma_start3A_175 = arith.constant 0 : i32
          %dma_start3A_176 = tpu.memref_slice %arg7[%add3A_174, %dma_start3A_175] : memref<40x50xi32, #tpu.memory_space<vmem>> -> memref<1x50xi32, #tpu.memory_space<vmem>>
          %dma_start3A_177 = tpu.memref_squeeze %dma_start3A_176 : memref<1x50xi32, #tpu.memory_space<vmem>> -> memref<50xi32, #tpu.memory_space<vmem>>
          %dma_start3A_178 = arith.constant 0 : i32
          %dma_start3A_179 = arith.constant 0 : i32
          %dma_start3A_180 = tpu.memref_slice %arg2[%dma_start3A_178, %dma_start3A_179] : memref<10240x128xf32, #tpu.memory_space<hbm>> -> memref<10240x128xf32, #tpu.memory_space<hbm>>
          tpu.enqueue_indirect_dma source(%dma_start3A_180 : memref<10240x128xf32, #tpu.memory_space<hbm>>) target(%arg11 : memref<50x128xf32, #tpu.memory_space<vmem>>) offsets(%dma_start3A_177 : memref<50xi32, #tpu.memory_space<vmem>>) semaphore(%arg16 : memref<!tpu.dma_semaphore, #tpu.memory_space<semaphore_mem>>)
        } else {
        }
        %add3A_158 = arith.constant 3 : i32
        %add3A_159 = arith.addi %mul3A_116, %add3A_158 : i32
        %dma_wait3A_160 = arith.constant 0 : i32
        %dma_wait3A_161 = tpu.memref_slice %arg7[%add3A_159, %dma_wait3A_160] : memref<40x50xi32, #tpu.memory_space<vmem>> -> memref<1x50xi32, #tpu.memory_space<vmem>>
        %dma_wait3A_162 = tpu.memref_squeeze %dma_wait3A_161 : memref<1x50xi32, #tpu.memory_space<vmem>> -> memref<50xi32, #tpu.memory_space<vmem>>
        %dma_wait3A_163 = arith.constant 0 : i32
        %dma_wait3A_164 = arith.constant 0 : i32
        %dma_wait3A_165 = tpu.memref_slice %arg2[%dma_wait3A_163, %dma_wait3A_164] : memref<10240x128xf32, #tpu.memory_space<hbm>> -> memref<10240x128xf32, #tpu.memory_space<hbm>>
        tpu.wait_indirect_dma semaphore(%arg18 : memref<!tpu.dma_semaphore, #tpu.memory_space<semaphore_mem>>) src(%dma_wait3A_165 : memref<10240x128xf32, #tpu.memory_space<hbm>>) dst(%arg13 : memref<50x128xf32, #tpu.memory_space<vmem>>)
        "tpu.region"() ({
          %run_scoped3A = tpu.sem_alloc : memref<!tpu.dma_semaphore, #tpu.memory_space<semaphore_mem>>
          %dma_start3A_173 = arith.constant 0 : i32
          %dma_start3A_174 = tpu.memref_slice %arg8[%add3A_159, %dma_start3A_173] : memref<40x50xi32, #tpu.memory_space<vmem>> -> memref<1x50xi32, #tpu.memory_space<vmem>>
          %dma_start3A_175 = tpu.memref_squeeze %dma_start3A_174 : memref<1x50xi32, #tpu.memory_space<vmem>> -> memref<50xi32, #tpu.memory_space<vmem>>
          %dma_start3A_176 = arith.constant 0 : i32
          %dma_start3A_177 = arith.constant 0 : i32
          %dma_start3A_178 = tpu.memref_slice %arg14[%dma_start3A_176, %dma_start3A_177] : memref<10240x128xf32, #tpu.memory_space<vmem_shared>> -> memref<10240x128xf32, #tpu.memory_space<vmem_shared>>
          tpu.enqueue_indirect_dma source(%arg13 : memref<50x128xf32, #tpu.memory_space<vmem>>) target(%dma_start3A_178 : memref<10240x128xf32, #tpu.memory_space<vmem_shared>>) offsets(%dma_start3A_175 : memref<50xi32, #tpu.memory_space<vmem>>) semaphore(%run_scoped3A : memref<!tpu.dma_semaphore, #tpu.memory_space<semaphore_mem>>) {add = true}
          %dma_wait3A_179 = arith.constant 0 : i32
          %dma_wait3A_180 = tpu.memref_slice %arg8[%add3A_159, %dma_wait3A_179] : memref<40x50xi32, #tpu.memory_space<vmem>> -> memref<1x50xi32, #tpu.memory_space<vmem>>
          %dma_wait3A_181 = tpu.memref_squeeze %dma_wait3A_180 : memref<1x50xi32, #tpu.memory_space<vmem>> -> memref<50xi32, #tpu.memory_space<vmem>>
          %dma_wait3A_182 = arith.constant 0 : i32
          %dma_wait3A_183 = arith.constant 0 : i32
          %dma_wait3A_184 = tpu.memref_slice %arg14[%dma_wait3A_182, %dma_wait3A_183] : memref<10240x128xf32, #tpu.memory_space<vmem_shared>> -> memref<10240x128xf32, #tpu.memory_space<vmem_shared>>
          tpu.wait_indirect_dma semaphore(%run_scoped3A : memref<!tpu.dma_semaphore, #tpu.memory_space<semaphore_mem>>) src(%arg13 : memref<50x128xf32, #tpu.memory_space<vmem>>) dst(%dma_wait3A_184 : memref<10240x128xf32, #tpu.memory_space<vmem_shared>>)
          tpu.yield
        }) : () -> ()
        %add3A_166 = arith.constant 3 : i32
        %add3A_167 = arith.addi %add3A_159, %add3A_166 : i32
        %lt3A_168 = arith.constant 40 : i32
        %lt3A_169 = arith.cmpi slt, %add3A_167, %lt3A_168 : i32
        %convert_element_type3A_170 = arith.extui %lt3A_169 : i1 to i32
        %cond3A_171 = arith.constant 0 : i32
        %cond3A_172 = arith.cmpi ne, %convert_element_type3A_170, %cond3A_171 : i32
        scf.if %cond3A_172 {
          %add3A_173 = arith.constant 3 : i32
          %add3A_174 = arith.addi %add3A_159, %add3A_173 : i32
          %dma_start3A_175 = arith.constant 0 : i32
          %dma_start3A_176 = tpu.memref_slice %arg7[%add3A_174, %dma_start3A_175] : memref<40x50xi32, #tpu.memory_space<vmem>> -> memref<1x50xi32, #tpu.memory_space<vmem>>
          %dma_start3A_177 = tpu.memref_squeeze %dma_start3A_176 : memref<1x50xi32, #tpu.memory_space<vmem>> -> memref<50xi32, #tpu.memory_space<vmem>>
          %dma_start3A_178 = arith.constant 0 : i32
          %dma_start3A_179 = arith.constant 0 : i32
          %dma_start3A_180 = tpu.memref_slice %arg2[%dma_start3A_178, %dma_start3A_179] : memref<10240x128xf32, #tpu.memory_space<hbm>> -> memref<10240x128xf32, #tpu.memory_space<hbm>>
          tpu.enqueue_indirect_dma source(%dma_start3A_180 : memref<10240x128xf32, #tpu.memory_space<hbm>>) target(%arg12 : memref<50x128xf32, #tpu.memory_space<vmem>>) offsets(%dma_start3A_177 : memref<50xi32, #tpu.memory_space<vmem>>) semaphore(%arg17 : memref<!tpu.dma_semaphore, #tpu.memory_space<semaphore_mem>>)
        } else {
        }
      }
      %scan3A_113 = arith.constant 10 : i32
    }
    %scan3A_23 = arith.constant 5 : i32
    %barrier3A_24 = arith.constant 0 : index
    tpu.barrier barrier_id(%barrier3A_24)
    %add3A_25 = arith.constant 0 : i32
    %add3A_26 = arith.addi %mul3A_2, %add3A_25 : i32
    "tpu.region"() ({
      %run_scoped3A = tpu.sem_alloc : memref<!tpu.dma_semaphore, #tpu.memory_space<semaphore_mem>>
      %dma_start3A = arith.constant 0 : i32
      %dma_start3A_81 = tpu.memref_slice %arg14[%add3A_26, %dma_start3A] : memref<10240x128xf32, #tpu.memory_space<vmem_shared>> -> memref<80x128xf32, #tpu.memory_space<vmem_shared>>
      %dma_start3A_82 = arith.constant 0 : i32
      %dma_start3A_83 = tpu.memref_slice %arg14[%add3A_26, %dma_start3A_82] : memref<10240x128xf32, #tpu.memory_space<vmem_shared>> -> memref<80x128xf32, #tpu.memory_space<vmem_shared>>
      tpu.enqueue_dma source(%dma_start3A_83 : memref<80x128xf32, #tpu.memory_space<vmem_shared>>) target(%arg9 : memref<80x128xf32, #tpu.memory_space<vmem>>) target_semaphore(%run_scoped3A : memref<!tpu.dma_semaphore, #tpu.memory_space<semaphore_mem>>)
      %dma_wait3A = arith.constant 0 : i32
      %dma_wait3A_84 = tpu.memref_slice %arg14[%add3A_26, %dma_wait3A] : memref<10240x128xf32, #tpu.memory_space<vmem_shared>> -> memref<80x128xf32, #tpu.memory_space<vmem_shared>>
      %dma_wait3A_85 = arith.constant 0 : i32
      %dma_wait3A_86 = tpu.memref_slice %arg14[%add3A_26, %dma_wait3A_85] : memref<10240x128xf32, #tpu.memory_space<vmem_shared>> -> memref<80x128xf32, #tpu.memory_space<vmem_shared>>
      tpu.wait_dma2 semaphore(%run_scoped3A : memref<!tpu.dma_semaphore, #tpu.memory_space<semaphore_mem>>) src(%dma_wait3A_86 : memref<80x128xf32, #tpu.memory_space<vmem_shared>>) dst(%arg9 : memref<80x128xf32, #tpu.memory_space<vmem>>)
      tpu.yield
    }) : () -> ()
    %mul3A_27 = arith.constant 10240 : i32
    %mul3A_28 = arith.muli %arg0, %mul3A_27 : i32
    %add3A_29 = arith.addi %mul3A_28, %mul3A_2 : i32
    %add3A_30 = arith.constant 0 : i32
    %add3A_31 = arith.addi %add3A_29, %add3A_30 : i32
    "tpu.region"() ({
      %run_scoped3A = tpu.sem_alloc : memref<!tpu.dma_semaphore, #tpu.memory_space<semaphore_mem>>
      %dma_start3A = arith.constant 0 : i32
      %dma_start3A_81 = tpu.memref_slice %arg6[%add3A_31, %dma_start3A] : memref<20480x128xf32, #tpu.memory_space<hbm>> -> memref<80x128xf32, #tpu.memory_space<hbm>>
      %dma_start3A_82 = arith.constant 0 : i32
      %dma_start3A_83 = tpu.memref_slice %arg6[%add3A_31, %dma_start3A_82] : memref<20480x128xf32, #tpu.memory_space<hbm>> -> memref<80x128xf32, #tpu.memory_space<hbm>>
      tpu.enqueue_dma source(%arg9 : memref<80x128xf32, #tpu.memory_space<vmem>>) target(%dma_start3A_83 : memref<80x128xf32, #tpu.memory_space<hbm>>) target_semaphore(%run_scoped3A : memref<!tpu.dma_semaphore, #tpu.memory_space<semaphore_mem>>)
      %dma_wait3A = arith.constant 0 : i32
      %dma_wait3A_84 = tpu.memref_slice %arg6[%add3A_31, %dma_wait3A] : memref<20480x128xf32, #tpu.memory_space<hbm>> -> memref<80x128xf32, #tpu.memory_space<hbm>>
      %dma_wait3A_85 = arith.constant 0 : i32
      %dma_wait3A_86 = tpu.memref_slice %arg6[%add3A_31, %dma_wait3A_85] : memref<20480x128xf32, #tpu.memory_space<hbm>> -> memref<80x128xf32, #tpu.memory_space<hbm>>
      tpu.wait_dma2 semaphore(%run_scoped3A : memref<!tpu.dma_semaphore, #tpu.memory_space<semaphore_mem>>) src(%arg9 : memref<80x128xf32, #tpu.memory_space<vmem>>) dst(%dma_wait3A_86 : memref<80x128xf32, #tpu.memory_space<hbm>>)
      tpu.yield
    }) : () -> ()
    %add3A_32 = arith.constant 80 : i32
    %add3A_33 = arith.addi %mul3A_2, %add3A_32 : i32
    "tpu.region"() ({
      %run_scoped3A = tpu.sem_alloc : memref<!tpu.dma_semaphore, #tpu.memory_space<semaphore_mem>>
      %dma_start3A = arith.constant 0 : i32
      %dma_start3A_81 = tpu.memref_slice %arg14[%add3A_33, %dma_start3A] : memref<10240x128xf32, #tpu.memory_space<vmem_shared>> -> memref<80x128xf32, #tpu.memory_space<vmem_shared>>
      %dma_start3A_82 = arith.constant 0 : i32
      %dma_start3A_83 = tpu.memref_slice %arg14[%add3A_33, %dma_start3A_82] : memref<10240x128xf32, #tpu.memory_space<vmem_shared>> -> memref<80x128xf32, #tpu.memory_space<vmem_shared>>
      tpu.enqueue_dma source(%dma_start3A_83 : memref<80x128xf32, #tpu.memory_space<vmem_shared>>) target(%arg9 : memref<80x128xf32, #tpu.memory_space<vmem>>) target_semaphore(%run_scoped3A : memref<!tpu.dma_semaphore, #tpu.memory_space<semaphore_mem>>)
      %dma_wait3A = arith.constant 0 : i32
      %dma_wait3A_84 = tpu.memref_slice %arg14[%add3A_33, %dma_wait3A] : memref<10240x128xf32, #tpu.memory_space<vmem_shared>> -> memref<80x128xf32, #tpu.memory_space<vmem_shared>>
      %dma_wait3A_85 = arith.constant 0 : i32
      %dma_wait3A_86 = tpu.memref_slice %arg14[%add3A_33, %dma_wait3A_85] : memref<10240x128xf32, #tpu.memory_space<vmem_shared>> -> memref<80x128xf32, #tpu.memory_space<vmem_shared>>
      tpu.wait_dma2 semaphore(%run_scoped3A : memref<!tpu.dma_semaphore, #tpu.memory_space<semaphore_mem>>) src(%dma_wait3A_86 : memref<80x128xf32, #tpu.memory_space<vmem_shared>>) dst(%arg9 : memref<80x128xf32, #tpu.memory_space<vmem>>)
      tpu.yield
    }) : () -> ()
    %mul3A_34 = arith.constant 10240 : i32
    %mul3A_35 = arith.muli %arg0, %mul3A_34 : i32
    %add3A_36 = arith.addi %mul3A_35, %mul3A_2 : i32
    %add3A_37 = arith.constant 80 : i32
    %add3A_38 = arith.addi %add3A_36, %add3A_37 : i32
    "tpu.region"() ({
      %run_scoped3A = tpu.sem_alloc : memref<!tpu.dma_semaphore, #tpu.memory_space<semaphore_mem>>
      %dma_start3A = arith.constant 0 : i32
      %dma_start3A_81 = tpu.memref_slice %arg6[%add3A_38, %dma_start3A] : memref<20480x128xf32, #tpu.memory_space<hbm>> -> memref<80x128xf32, #tpu.memory_space<hbm>>
      %dma_start3A_82 = arith.constant 0 : i32
      %dma_start3A_83 = tpu.memref_slice %arg6[%add3A_38, %dma_start3A_82] : memref<20480x128xf32, #tpu.memory_space<hbm>> -> memref<80x128xf32, #tpu.memory_space<hbm>>
      tpu.enqueue_dma source(%arg9 : memref<80x128xf32, #tpu.memory_space<vmem>>) target(%dma_start3A_83 : memref<80x128xf32, #tpu.memory_space<hbm>>) target_semaphore(%run_scoped3A : memref<!tpu.dma_semaphore, #tpu.memory_space<semaphore_mem>>)
      %dma_wait3A = arith.constant 0 : i32
      %dma_wait3A_84 = tpu.memref_slice %arg6[%add3A_38, %dma_wait3A] : memref<20480x128xf32, #tpu.memory_space<hbm>> -> memref<80x128xf32, #tpu.memory_space<hbm>>
      %dma_wait3A_85 = arith.constant 0 : i32
      %dma_wait3A_86 = tpu.memref_slice %arg6[%add3A_38, %dma_wait3A_85] : memref<20480x128xf32, #tpu.memory_space<hbm>> -> memref<80x128xf32, #tpu.memory_space<hbm>>
      tpu.wait_dma2 semaphore(%run_scoped3A : memref<!tpu.dma_semaphore, #tpu.memory_space<semaphore_mem>>) src(%arg9 : memref<80x128xf32, #tpu.memory_space<vmem>>) dst(%dma_wait3A_86 : memref<80x128xf32, #tpu.memory_space<hbm>>)
      tpu.yield
    }) : () -> ()
    %add3A_39 = arith.constant 160 : i32
    %add3A_40 = arith.addi %mul3A_2, %add3A_39 : i32
    "tpu.region"() ({
      %run_scoped3A = tpu.sem_alloc : memref<!tpu.dma_semaphore, #tpu.memory_space<semaphore_mem>>
      %dma_start3A = arith.constant 0 : i32
      %dma_start3A_81 = tpu.memref_slice %arg14[%add3A_40, %dma_start3A] : memref<10240x128xf32, #tpu.memory_space<vmem_shared>> -> memref<80x128xf32, #tpu.memory_space<vmem_shared>>
      %dma_start3A_82 = arith.constant 0 : i32
      %dma_start3A_83 = tpu.memref_slice %arg14[%add3A_40, %dma_start3A_82] : memref<10240x128xf32, #tpu.memory_space<vmem_shared>> -> memref<80x128xf32, #tpu.memory_space<vmem_shared>>
      tpu.enqueue_dma source(%dma_start3A_83 : memref<80x128xf32, #tpu.memory_space<vmem_shared>>) target(%arg9 : memref<80x128xf32, #tpu.memory_space<vmem>>) target_semaphore(%run_scoped3A : memref<!tpu.dma_semaphore, #tpu.memory_space<semaphore_mem>>)
      %dma_wait3A = arith.constant 0 : i32
      %dma_wait3A_84 = tpu.memref_slice %arg14[%add3A_40, %dma_wait3A] : memref<10240x128xf32, #tpu.memory_space<vmem_shared>> -> memref<80x128xf32, #tpu.memory_space<vmem_shared>>
      %dma_wait3A_85 = arith.constant 0 : i32
      %dma_wait3A_86 = tpu.memref_slice %arg14[%add3A_40, %dma_wait3A_85] : memref<10240x128xf32, #tpu.memory_space<vmem_shared>> -> memref<80x128xf32, #tpu.memory_space<vmem_shared>>
      tpu.wait_dma2 semaphore(%run_scoped3A : memref<!tpu.dma_semaphore, #tpu.memory_space<semaphore_mem>>) src(%dma_wait3A_86 : memref<80x128xf32, #tpu.memory_space<vmem_shared>>) dst(%arg9 : memref<80x128xf32, #tpu.memory_space<vmem>>)
      tpu.yield
    }) : () -> ()
    %mul3A_41 = arith.constant 10240 : i32
    %mul3A_42 = arith.muli %arg0, %mul3A_41 : i32
    %add3A_43 = arith.addi %mul3A_42, %mul3A_2 : i32
    %add3A_44 = arith.constant 160 : i32
    %add3A_45 = arith.addi %add3A_43, %add3A_44 : i32
    "tpu.region"() ({
      %run_scoped3A = tpu.sem_alloc : memref<!tpu.dma_semaphore, #tpu.memory_space<semaphore_mem>>
      %dma_start3A = arith.constant 0 : i32
      %dma_start3A_81 = tpu.memref_slice %arg6[%add3A_45, %dma_start3A] : memref<20480x128xf32, #tpu.memory_space<hbm>> -> memref<80x128xf32, #tpu.memory_space<hbm>>
      %dma_start3A_82 = arith.constant 0 : i32
      %dma_start3A_83 = tpu.memref_slice %arg6[%add3A_45, %dma_start3A_82] : memref<20480x128xf32, #tpu.memory_space<hbm>> -> memref<80x128xf32, #tpu.memory_space<hbm>>
      tpu.enqueue_dma source(%arg9 : memref<80x128xf32, #tpu.memory_space<vmem>>) target(%dma_start3A_83 : memref<80x128xf32, #tpu.memory_space<hbm>>) target_semaphore(%run_scoped3A : memref<!tpu.dma_semaphore, #tpu.memory_space<semaphore_mem>>)
      %dma_wait3A = arith.constant 0 : i32
      %dma_wait3A_84 = tpu.memref_slice %arg6[%add3A_45, %dma_wait3A] : memref<20480x128xf32, #tpu.memory_space<hbm>> -> memref<80x128xf32, #tpu.memory_space<hbm>>
      %dma_wait3A_85 = arith.constant 0 : i32
      %dma_wait3A_86 = tpu.memref_slice %arg6[%add3A_45, %dma_wait3A_85] : memref<20480x128xf32, #tpu.memory_space<hbm>> -> memref<80x128xf32, #tpu.memory_space<hbm>>
      tpu.wait_dma2 semaphore(%run_scoped3A : memref<!tpu.dma_semaphore, #tpu.memory_space<semaphore_mem>>) src(%arg9 : memref<80x128xf32, #tpu.memory_space<vmem>>) dst(%dma_wait3A_86 : memref<80x128xf32, #tpu.memory_space<hbm>>)
      tpu.yield
    }) : () -> ()
    %add3A_46 = arith.constant 240 : i32
    %add3A_47 = arith.addi %mul3A_2, %add3A_46 : i32
    "tpu.region"() ({
      %run_scoped3A = tpu.sem_alloc : memref<!tpu.dma_semaphore, #tpu.memory_space<semaphore_mem>>
      %dma_start3A = arith.constant 0 : i32
      %dma_start3A_81 = tpu.memref_slice %arg14[%add3A_47, %dma_start3A] : memref<10240x128xf32, #tpu.memory_space<vmem_shared>> -> memref<80x128xf32, #tpu.memory_space<vmem_shared>>
      %dma_start3A_82 = arith.constant 0 : i32
      %dma_start3A_83 = tpu.memref_slice %arg14[%add3A_47, %dma_start3A_82] : memref<10240x128xf32, #tpu.memory_space<vmem_shared>> -> memref<80x128xf32, #tpu.memory_space<vmem_shared>>
      tpu.enqueue_dma source(%dma_start3A_83 : memref<80x128xf32, #tpu.memory_space<vmem_shared>>) target(%arg9 : memref<80x128xf32, #tpu.memory_space<vmem>>) target_semaphore(%run_scoped3A : memref<!tpu.dma_semaphore, #tpu.memory_space<semaphore_mem>>)
      %dma_wait3A = arith.constant 0 : i32
      %dma_wait3A_84 = tpu.memref_slice %arg14[%add3A_47, %dma_wait3A] : memref<10240x128xf32, #tpu.memory_space<vmem_shared>> -> memref<80x128xf32, #tpu.memory_space<vmem_shared>>
      %dma_wait3A_85 = arith.constant 0 : i32
      %dma_wait3A_86 = tpu.memref_slice %arg14[%add3A_47, %dma_wait3A_85] : memref<10240x128xf32, #tpu.memory_space<vmem_shared>> -> memref<80x128xf32, #tpu.memory_space<vmem_shared>>
      tpu.wait_dma2 semaphore(%run_scoped3A : memref<!tpu.dma_semaphore, #tpu.memory_space<semaphore_mem>>) src(%dma_wait3A_86 : memref<80x128xf32, #tpu.memory_space<vmem_shared>>) dst(%arg9 : memref<80x128xf32, #tpu.memory_space<vmem>>)
      tpu.yield
    }) : () -> ()
    %mul3A_48 = arith.constant 10240 : i32
    %mul3A_49 = arith.muli %arg0, %mul3A_48 : i32
    %add3A_50 = arith.addi %mul3A_49, %mul3A_2 : i32
    %add3A_51 = arith.constant 240 : i32
    %add3A_52 = arith.addi %add3A_50, %add3A_51 : i32
    "tpu.region"() ({
      %run_scoped3A = tpu.sem_alloc : memref<!tpu.dma_semaphore, #tpu.memory_space<semaphore_mem>>
      %dma_start3A = arith.constant 0 : i32
      %dma_start3A_81 = tpu.memref_slice %arg6[%add3A_52, %dma_start3A] : memref<20480x128xf32, #tpu.memory_space<hbm>> -> memref<80x128xf32, #tpu.memory_space<hbm>>
      %dma_start3A_82 = arith.constant 0 : i32
      %dma_start3A_83 = tpu.memref_slice %arg6[%add3A_52, %dma_start3A_82] : memref<20480x128xf32, #tpu.memory_space<hbm>> -> memref<80x128xf32, #tpu.memory_space<hbm>>
      tpu.enqueue_dma source(%arg9 : memref<80x128xf32, #tpu.memory_space<vmem>>) target(%dma_start3A_83 : memref<80x128xf32, #tpu.memory_space<hbm>>) target_semaphore(%run_scoped3A : memref<!tpu.dma_semaphore, #tpu.memory_space<semaphore_mem>>)
      %dma_wait3A = arith.constant 0 : i32
      %dma_wait3A_84 = tpu.memref_slice %arg6[%add3A_52, %dma_wait3A] : memref<20480x128xf32, #tpu.memory_space<hbm>> -> memref<80x128xf32, #tpu.memory_space<hbm>>
      %dma_wait3A_85 = arith.constant 0 : i32
      %dma_wait3A_86 = tpu.memref_slice %arg6[%add3A_52, %dma_wait3A_85] : memref<20480x128xf32, #tpu.memory_space<hbm>> -> memref<80x128xf32, #tpu.memory_space<hbm>>
      tpu.wait_dma2 semaphore(%run_scoped3A : memref<!tpu.dma_semaphore, #tpu.memory_space<semaphore_mem>>) src(%arg9 : memref<80x128xf32, #tpu.memory_space<vmem>>) dst(%dma_wait3A_86 : memref<80x128xf32, #tpu.memory_space<hbm>>)
      tpu.yield
    }) : () -> ()
    %add3A_53 = arith.constant 320 : i32
    %add3A_54 = arith.addi %mul3A_2, %add3A_53 : i32
    "tpu.region"() ({
      %run_scoped3A = tpu.sem_alloc : memref<!tpu.dma_semaphore, #tpu.memory_space<semaphore_mem>>
      %dma_start3A = arith.constant 0 : i32
      %dma_start3A_81 = tpu.memref_slice %arg14[%add3A_54, %dma_start3A] : memref<10240x128xf32, #tpu.memory_space<vmem_shared>> -> memref<80x128xf32, #tpu.memory_space<vmem_shared>>
      %dma_start3A_82 = arith.constant 0 : i32
      %dma_start3A_83 = tpu.memref_slice %arg14[%add3A_54, %dma_start3A_82] : memref<10240x128xf32, #tpu.memory_space<vmem_shared>> -> memref<80x128xf32, #tpu.memory_space<vmem_shared>>
      tpu.enqueue_dma source(%dma_start3A_83 : memref<80x128xf32, #tpu.memory_space<vmem_shared>>) target(%arg9 : memref<80x128xf32, #tpu.memory_space<vmem>>) target_semaphore(%run_scoped3A : memref<!tpu.dma_semaphore, #tpu.memory_space<semaphore_mem>>)
      %dma_wait3A = arith.constant 0 : i32
      %dma_wait3A_84 = tpu.memref_slice %arg14[%add3A_54, %dma_wait3A] : memref<10240x128xf32, #tpu.memory_space<vmem_shared>> -> memref<80x128xf32, #tpu.memory_space<vmem_shared>>
      %dma_wait3A_85 = arith.constant 0 : i32
      %dma_wait3A_86 = tpu.memref_slice %arg14[%add3A_54, %dma_wait3A_85] : memref<10240x128xf32, #tpu.memory_space<vmem_shared>> -> memref<80x128xf32, #tpu.memory_space<vmem_shared>>
      tpu.wait_dma2 semaphore(%run_scoped3A : memref<!tpu.dma_semaphore, #tpu.memory_space<semaphore_mem>>) src(%dma_wait3A_86 : memref<80x128xf32, #tpu.memory_space<vmem_shared>>) dst(%arg9 : memref<80x128xf32, #tpu.memory_space<vmem>>)
      tpu.yield
    }) : () -> ()
    %mul3A_55 = arith.constant 10240 : i32
    %mul3A_56 = arith.muli %arg0, %mul3A_55 : i32
    %add3A_57 = arith.addi %mul3A_56, %mul3A_2 : i32
    %add3A_58 = arith.constant 320 : i32
    %add3A_59 = arith.addi %add3A_57, %add3A_58 : i32
    "tpu.region"() ({
      %run_scoped3A = tpu.sem_alloc : memref<!tpu.dma_semaphore, #tpu.memory_space<semaphore_mem>>
      %dma_start3A = arith.constant 0 : i32
      %dma_start3A_81 = tpu.memref_slice %arg6[%add3A_59, %dma_start3A] : memref<20480x128xf32, #tpu.memory_space<hbm>> -> memref<80x128xf32, #tpu.memory_space<hbm>>
      %dma_start3A_82 = arith.constant 0 : i32
      %dma_start3A_83 = tpu.memref_slice %arg6[%add3A_59, %dma_start3A_82] : memref<20480x128xf32, #tpu.memory_space<hbm>> -> memref<80x128xf32, #tpu.memory_space<hbm>>
      tpu.enqueue_dma source(%arg9 : memref<80x128xf32, #tpu.memory_space<vmem>>) target(%dma_start3A_83 : memref<80x128xf32, #tpu.memory_space<hbm>>) target_semaphore(%run_scoped3A : memref<!tpu.dma_semaphore, #tpu.memory_space<semaphore_mem>>)
      %dma_wait3A = arith.constant 0 : i32
      %dma_wait3A_84 = tpu.memref_slice %arg6[%add3A_59, %dma_wait3A] : memref<20480x128xf32, #tpu.memory_space<hbm>> -> memref<80x128xf32, #tpu.memory_space<hbm>>
      %dma_wait3A_85 = arith.constant 0 : i32
      %dma_wait3A_86 = tpu.memref_slice %arg6[%add3A_59, %dma_wait3A_85] : memref<20480x128xf32, #tpu.memory_space<hbm>> -> memref<80x128xf32, #tpu.memory_space<hbm>>
      tpu.wait_dma2 semaphore(%run_scoped3A : memref<!tpu.dma_semaphore, #tpu.memory_space<semaphore_mem>>) src(%arg9 : memref<80x128xf32, #tpu.memory_space<vmem>>) dst(%dma_wait3A_86 : memref<80x128xf32, #tpu.memory_space<hbm>>)
      tpu.yield
    }) : () -> ()
    %add3A_60 = arith.constant 400 : i32
    %add3A_61 = arith.addi %mul3A_2, %add3A_60 : i32
    "tpu.region"() ({
      %run_scoped3A = tpu.sem_alloc : memref<!tpu.dma_semaphore, #tpu.memory_space<semaphore_mem>>
      %dma_start3A = arith.constant 0 : i32
      %dma_start3A_81 = tpu.memref_slice %arg14[%add3A_61, %dma_start3A] : memref<10240x128xf32, #tpu.memory_space<vmem_shared>> -> memref<80x128xf32, #tpu.memory_space<vmem_shared>>
      %dma_start3A_82 = arith.constant 0 : i32
      %dma_start3A_83 = tpu.memref_slice %arg14[%add3A_61, %dma_start3A_82] : memref<10240x128xf32, #tpu.memory_space<vmem_shared>> -> memref<80x128xf32, #tpu.memory_space<vmem_shared>>
      tpu.enqueue_dma source(%dma_start3A_83 : memref<80x128xf32, #tpu.memory_space<vmem_shared>>) target(%arg9 : memref<80x128xf32, #tpu.memory_space<vmem>>) target_semaphore(%run_scoped3A : memref<!tpu.dma_semaphore, #tpu.memory_space<semaphore_mem>>)
      %dma_wait3A = arith.constant 0 : i32
      %dma_wait3A_84 = tpu.memref_slice %arg14[%add3A_61, %dma_wait3A] : memref<10240x128xf32, #tpu.memory_space<vmem_shared>> -> memref<80x128xf32, #tpu.memory_space<vmem_shared>>
      %dma_wait3A_85 = arith.constant 0 : i32
      %dma_wait3A_86 = tpu.memref_slice %arg14[%add3A_61, %dma_wait3A_85] : memref<10240x128xf32, #tpu.memory_space<vmem_shared>> -> memref<80x128xf32, #tpu.memory_space<vmem_shared>>
      tpu.wait_dma2 semaphore(%run_scoped3A : memref<!tpu.dma_semaphore, #tpu.memory_space<semaphore_mem>>) src(%dma_wait3A_86 : memref<80x128xf32, #tpu.memory_space<vmem_shared>>) dst(%arg9 : memref<80x128xf32, #tpu.memory_space<vmem>>)
      tpu.yield
    }) : () -> ()
    %mul3A_62 = arith.constant 10240 : i32
    %mul3A_63 = arith.muli %arg0, %mul3A_62 : i32
    %add3A_64 = arith.addi %mul3A_63, %mul3A_2 : i32
    %add3A_65 = arith.constant 400 : i32
    %add3A_66 = arith.addi %add3A_64, %add3A_65 : i32
    "tpu.region"() ({
      %run_scoped3A = tpu.sem_alloc : memref<!tpu.dma_semaphore, #tpu.memory_space<semaphore_mem>>
      %dma_start3A = arith.constant 0 : i32
      %dma_start3A_81 = tpu.memref_slice %arg6[%add3A_66, %dma_start3A] : memref<20480x128xf32, #tpu.memory_space<hbm>> -> memref<80x128xf32, #tpu.memory_space<hbm>>
      %dma_start3A_82 = arith.constant 0 : i32
      %dma_start3A_83 = tpu.memref_slice %arg6[%add3A_66, %dma_start3A_82] : memref<20480x128xf32, #tpu.memory_space<hbm>> -> memref<80x128xf32, #tpu.memory_space<hbm>>
      tpu.enqueue_dma source(%arg9 : memref<80x128xf32, #tpu.memory_space<vmem>>) target(%dma_start3A_83 : memref<80x128xf32, #tpu.memory_space<hbm>>) target_semaphore(%run_scoped3A : memref<!tpu.dma_semaphore, #tpu.memory_space<semaphore_mem>>)
      %dma_wait3A = arith.constant 0 : i32
      %dma_wait3A_84 = tpu.memref_slice %arg6[%add3A_66, %dma_wait3A] : memref<20480x128xf32, #tpu.memory_space<hbm>> -> memref<80x128xf32, #tpu.memory_space<hbm>>
      %dma_wait3A_85 = arith.constant 0 : i32
      %dma_wait3A_86 = tpu.memref_slice %arg6[%add3A_66, %dma_wait3A_85] : memref<20480x128xf32, #tpu.memory_space<hbm>> -> memref<80x128xf32, #tpu.memory_space<hbm>>
      tpu.wait_dma2 semaphore(%run_scoped3A : memref<!tpu.dma_semaphore, #tpu.memory_space<semaphore_mem>>) src(%arg9 : memref<80x128xf32, #tpu.memory_space<vmem>>) dst(%dma_wait3A_86 : memref<80x128xf32, #tpu.memory_space<hbm>>)
      tpu.yield
    }) : () -> ()
    %add3A_67 = arith.constant 480 : i32
    %add3A_68 = arith.addi %mul3A_2, %add3A_67 : i32
    "tpu.region"() ({
      %run_scoped3A = tpu.sem_alloc : memref<!tpu.dma_semaphore, #tpu.memory_space<semaphore_mem>>
      %dma_start3A = arith.constant 0 : i32
      %dma_start3A_81 = tpu.memref_slice %arg14[%add3A_68, %dma_start3A] : memref<10240x128xf32, #tpu.memory_space<vmem_shared>> -> memref<80x128xf32, #tpu.memory_space<vmem_shared>>
      %dma_start3A_82 = arith.constant 0 : i32
      %dma_start3A_83 = tpu.memref_slice %arg14[%add3A_68, %dma_start3A_82] : memref<10240x128xf32, #tpu.memory_space<vmem_shared>> -> memref<80x128xf32, #tpu.memory_space<vmem_shared>>
      tpu.enqueue_dma source(%dma_start3A_83 : memref<80x128xf32, #tpu.memory_space<vmem_shared>>) target(%arg9 : memref<80x128xf32, #tpu.memory_space<vmem>>) target_semaphore(%run_scoped3A : memref<!tpu.dma_semaphore, #tpu.memory_space<semaphore_mem>>)
      %dma_wait3A = arith.constant 0 : i32
      %dma_wait3A_84 = tpu.memref_slice %arg14[%add3A_68, %dma_wait3A] : memref<10240x128xf32, #tpu.memory_space<vmem_shared>> -> memref<80x128xf32, #tpu.memory_space<vmem_shared>>
      %dma_wait3A_85 = arith.constant 0 : i32
      %dma_wait3A_86 = tpu.memref_slice %arg14[%add3A_68, %dma_wait3A_85] : memref<10240x128xf32, #tpu.memory_space<vmem_shared>> -> memref<80x128xf32, #tpu.memory_space<vmem_shared>>
      tpu.wait_dma2 semaphore(%run_scoped3A : memref<!tpu.dma_semaphore, #tpu.memory_space<semaphore_mem>>) src(%dma_wait3A_86 : memref<80x128xf32, #tpu.memory_space<vmem_shared>>) dst(%arg9 : memref<80x128xf32, #tpu.memory_space<vmem>>)
      tpu.yield
    }) : () -> ()
    %mul3A_69 = arith.constant 10240 : i32
    %mul3A_70 = arith.muli %arg0, %mul3A_69 : i32
    %add3A_71 = arith.addi %mul3A_70, %mul3A_2 : i32
    %add3A_72 = arith.constant 480 : i32
    %add3A_73 = arith.addi %add3A_71, %add3A_72 : i32
    "tpu.region"() ({
      %run_scoped3A = tpu.sem_alloc : memref<!tpu.dma_semaphore, #tpu.memory_space<semaphore_mem>>
      %dma_start3A = arith.constant 0 : i32
      %dma_start3A_81 = tpu.memref_slice %arg6[%add3A_73, %dma_start3A] : memref<20480x128xf32, #tpu.memory_space<hbm>> -> memref<80x128xf32, #tpu.memory_space<hbm>>
      %dma_start3A_82 = arith.constant 0 : i32
      %dma_start3A_83 = tpu.memref_slice %arg6[%add3A_73, %dma_start3A_82] : memref<20480x128xf32, #tpu.memory_space<hbm>> -> memref<80x128xf32, #tpu.memory_space<hbm>>
      tpu.enqueue_dma source(%arg9 : memref<80x128xf32, #tpu.memory_space<vmem>>) target(%dma_start3A_83 : memref<80x128xf32, #tpu.memory_space<hbm>>) target_semaphore(%run_scoped3A : memref<!tpu.dma_semaphore, #tpu.memory_space<semaphore_mem>>)
      %dma_wait3A = arith.constant 0 : i32
      %dma_wait3A_84 = tpu.memref_slice %arg6[%add3A_73, %dma_wait3A] : memref<20480x128xf32, #tpu.memory_space<hbm>> -> memref<80x128xf32, #tpu.memory_space<hbm>>
      %dma_wait3A_85 = arith.constant 0 : i32
      %dma_wait3A_86 = tpu.memref_slice %arg6[%add3A_73, %dma_wait3A_85] : memref<20480x128xf32, #tpu.memory_space<hbm>> -> memref<80x128xf32, #tpu.memory_space<hbm>>
      tpu.wait_dma2 semaphore(%run_scoped3A : memref<!tpu.dma_semaphore, #tpu.memory_space<semaphore_mem>>) src(%arg9 : memref<80x128xf32, #tpu.memory_space<vmem>>) dst(%dma_wait3A_86 : memref<80x128xf32, #tpu.memory_space<hbm>>)
      tpu.yield
    }) : () -> ()
    %add3A_74 = arith.constant 560 : i32
    %add3A_75 = arith.addi %mul3A_2, %add3A_74 : i32
    "tpu.region"() ({
      %run_scoped3A = tpu.sem_alloc : memref<!tpu.dma_semaphore, #tpu.memory_space<semaphore_mem>>
      %dma_start3A = arith.constant 0 : i32
      %dma_start3A_81 = tpu.memref_slice %arg14[%add3A_75, %dma_start3A] : memref<10240x128xf32, #tpu.memory_space<vmem_shared>> -> memref<80x128xf32, #tpu.memory_space<vmem_shared>>
      %dma_start3A_82 = arith.constant 0 : i32
      %dma_start3A_83 = tpu.memref_slice %arg14[%add3A_75, %dma_start3A_82] : memref<10240x128xf32, #tpu.memory_space<vmem_shared>> -> memref<80x128xf32, #tpu.memory_space<vmem_shared>>
      tpu.enqueue_dma source(%dma_start3A_83 : memref<80x128xf32, #tpu.memory_space<vmem_shared>>) target(%arg9 : memref<80x128xf32, #tpu.memory_space<vmem>>) target_semaphore(%run_scoped3A : memref<!tpu.dma_semaphore, #tpu.memory_space<semaphore_mem>>)
      %dma_wait3A = arith.constant 0 : i32
      %dma_wait3A_84 = tpu.memref_slice %arg14[%add3A_75, %dma_wait3A] : memref<10240x128xf32, #tpu.memory_space<vmem_shared>> -> memref<80x128xf32, #tpu.memory_space<vmem_shared>>
      %dma_wait3A_85 = arith.constant 0 : i32
      %dma_wait3A_86 = tpu.memref_slice %arg14[%add3A_75, %dma_wait3A_85] : memref<10240x128xf32, #tpu.memory_space<vmem_shared>> -> memref<80x128xf32, #tpu.memory_space<vmem_shared>>
      tpu.wait_dma2 semaphore(%run_scoped3A : memref<!tpu.dma_semaphore, #tpu.memory_space<semaphore_mem>>) src(%dma_wait3A_86 : memref<80x128xf32, #tpu.memory_space<vmem_shared>>) dst(%arg9 : memref<80x128xf32, #tpu.memory_space<vmem>>)
      tpu.yield
    }) : () -> ()
    %mul3A_76 = arith.constant 10240 : i32
    %mul3A_77 = arith.muli %arg0, %mul3A_76 : i32
    %add3A_78 = arith.addi %mul3A_77, %mul3A_2 : i32
    %add3A_79 = arith.constant 560 : i32
    %add3A_80 = arith.addi %add3A_78, %add3A_79 : i32
    "tpu.region"() ({
      %run_scoped3A = tpu.sem_alloc : memref<!tpu.dma_semaphore, #tpu.memory_space<semaphore_mem>>
      %dma_start3A = arith.constant 0 : i32
      %dma_start3A_81 = tpu.memref_slice %arg6[%add3A_80, %dma_start3A] : memref<20480x128xf32, #tpu.memory_space<hbm>> -> memref<80x128xf32, #tpu.memory_space<hbm>>
      %dma_start3A_82 = arith.constant 0 : i32
      %dma_start3A_83 = tpu.memref_slice %arg6[%add3A_80, %dma_start3A_82] : memref<20480x128xf32, #tpu.memory_space<hbm>> -> memref<80x128xf32, #tpu.memory_space<hbm>>
      tpu.enqueue_dma source(%arg9 : memref<80x128xf32, #tpu.memory_space<vmem>>) target(%dma_start3A_83 : memref<80x128xf32, #tpu.memory_space<hbm>>) target_semaphore(%run_scoped3A : memref<!tpu.dma_semaphore, #tpu.memory_space<semaphore_mem>>)
      %dma_wait3A = arith.constant 0 : i32
      %dma_wait3A_84 = tpu.memref_slice %arg6[%add3A_80, %dma_wait3A] : memref<20480x128xf32, #tpu.memory_space<hbm>> -> memref<80x128xf32, #tpu.memory_space<hbm>>
      %dma_wait3A_85 = arith.constant 0 : i32
      %dma_wait3A_86 = tpu.memref_slice %arg6[%add3A_80, %dma_wait3A_85] : memref<20480x128xf32, #tpu.memory_space<hbm>> -> memref<80x128xf32, #tpu.memory_space<hbm>>
      tpu.wait_dma2 semaphore(%run_scoped3A : memref<!tpu.dma_semaphore, #tpu.memory_space<semaphore_mem>>) src(%arg9 : memref<80x128xf32, #tpu.memory_space<vmem>>) dst(%dma_wait3A_86 : memref<80x128xf32, #tpu.memory_space<hbm>>)
      tpu.yield
    }) : () -> ()
    return
  }
}

#map = affine_map<(d0, d1) -> (0, 0, 0)>
#map1 = affine_map<(d0, d1) -> (0, 0)>
module attributes {stable_mosaic.version = 14 : i64} {
  func.func @_deg_kernel(%arg0: i32, %arg1: i32, %arg2: memref<128x25x100xi32, #tpu.memory_space<hbm>>, %arg3: memref<100x128xf32, #tpu.memory_space<hbm>>, %arg4: memref<80x128xf32, #tpu.memory_space<hbm>>, %arg5: memref<20480x128xf32, #tpu.memory_space<hbm>>, %arg6: memref<25x100xi32, #tpu.memory_space<vmem>>, %arg7: memref<100x128xf32, #tpu.memory_space<vmem>>, %arg8: memref<80x128xf32, #tpu.memory_space<vmem>>, %arg9: memref<10240x128xf32, #tpu.memory_space<vmem_shared>>) attributes {dimension_semantics = [#tpu.dimension_semantics<core_parallel>, #tpu.dimension_semantics<subcore_parallel>], iteration_bounds = array<i64: 2, 16>, scalar_prefetch = 0 : i64, scratch_operands = 4 : i64, tpu.core_type = #tpu.core_type<sc_vector_subcore>, window_params = [{transform_indices = #map}, {transform_indices = #map1}, {transform_indices = #map1}, {transform_indices = #map1}]} {
    %mul3A = arith.constant 16 : i32
    %mul3A_0 = arith.muli %arg0, %mul3A : i32
    %add3A = arith.addi %mul3A_0, %arg1 : i32
    "tpu.region"() ({
      %run_scoped3A = tpu.sem_alloc : memref<!tpu.dma_semaphore, #tpu.memory_space<semaphore_mem>>
      tpu.enqueue_dma source(%arg3 : memref<100x128xf32, #tpu.memory_space<hbm>>) target(%arg7 : memref<100x128xf32, #tpu.memory_space<vmem>>) target_semaphore(%run_scoped3A : memref<!tpu.dma_semaphore, #tpu.memory_space<semaphore_mem>>)
      tpu.wait_dma2 semaphore(%run_scoped3A : memref<!tpu.dma_semaphore, #tpu.memory_space<semaphore_mem>>) src(%arg3 : memref<100x128xf32, #tpu.memory_space<hbm>>) dst(%arg7 : memref<100x128xf32, #tpu.memory_space<vmem>>)
      tpu.yield
    }) : () -> ()
    "tpu.region"() ({
      %run_scoped3A = tpu.sem_alloc : memref<!tpu.dma_semaphore, #tpu.memory_space<semaphore_mem>>
      tpu.enqueue_dma source(%arg4 : memref<80x128xf32, #tpu.memory_space<hbm>>) target(%arg8 : memref<80x128xf32, #tpu.memory_space<vmem>>) target_semaphore(%run_scoped3A : memref<!tpu.dma_semaphore, #tpu.memory_space<semaphore_mem>>)
      tpu.wait_dma2 semaphore(%run_scoped3A : memref<!tpu.dma_semaphore, #tpu.memory_space<semaphore_mem>>) src(%arg4 : memref<80x128xf32, #tpu.memory_space<hbm>>) dst(%arg8 : memref<80x128xf32, #tpu.memory_space<vmem>>)
      tpu.yield
    }) : () -> ()
    %mul3A_1 = arith.constant 640 : i32
    %mul3A_2 = arith.muli %arg1, %mul3A_1 : i32
    %add3A_3 = arith.constant 0 : i32
    %add3A_4 = arith.addi %mul3A_2, %add3A_3 : i32
    "tpu.region"() ({
      %run_scoped3A = tpu.sem_alloc : memref<!tpu.dma_semaphore, #tpu.memory_space<semaphore_mem>>
      %dma_start3A = arith.constant 0 : i32
      %dma_start3A_81 = tpu.memref_slice %arg9[%add3A_4, %dma_start3A] : memref<10240x128xf32, #tpu.memory_space<vmem_shared>> -> memref<80x128xf32, #tpu.memory_space<vmem_shared>>
      %dma_start3A_82 = arith.constant 0 : i32
      %dma_start3A_83 = tpu.memref_slice %arg9[%add3A_4, %dma_start3A_82] : memref<10240x128xf32, #tpu.memory_space<vmem_shared>> -> memref<80x128xf32, #tpu.memory_space<vmem_shared>>
      tpu.enqueue_dma source(%arg8 : memref<80x128xf32, #tpu.memory_space<vmem>>) target(%dma_start3A_83 : memref<80x128xf32, #tpu.memory_space<vmem_shared>>) target_semaphore(%run_scoped3A : memref<!tpu.dma_semaphore, #tpu.memory_space<semaphore_mem>>)
      %dma_wait3A = arith.constant 0 : i32
      %dma_wait3A_84 = tpu.memref_slice %arg9[%add3A_4, %dma_wait3A] : memref<10240x128xf32, #tpu.memory_space<vmem_shared>> -> memref<80x128xf32, #tpu.memory_space<vmem_shared>>
      %dma_wait3A_85 = arith.constant 0 : i32
      %dma_wait3A_86 = tpu.memref_slice %arg9[%add3A_4, %dma_wait3A_85] : memref<10240x128xf32, #tpu.memory_space<vmem_shared>> -> memref<80x128xf32, #tpu.memory_space<vmem_shared>>
      tpu.wait_dma2 semaphore(%run_scoped3A : memref<!tpu.dma_semaphore, #tpu.memory_space<semaphore_mem>>) src(%arg8 : memref<80x128xf32, #tpu.memory_space<vmem>>) dst(%dma_wait3A_86 : memref<80x128xf32, #tpu.memory_space<vmem_shared>>)
      tpu.yield
    }) : () -> ()
    %add3A_5 = arith.constant 80 : i32
    %add3A_6 = arith.addi %mul3A_2, %add3A_5 : i32
    "tpu.region"() ({
      %run_scoped3A = tpu.sem_alloc : memref<!tpu.dma_semaphore, #tpu.memory_space<semaphore_mem>>
      %dma_start3A = arith.constant 0 : i32
      %dma_start3A_81 = tpu.memref_slice %arg9[%add3A_6, %dma_start3A] : memref<10240x128xf32, #tpu.memory_space<vmem_shared>> -> memref<80x128xf32, #tpu.memory_space<vmem_shared>>
      %dma_start3A_82 = arith.constant 0 : i32
      %dma_start3A_83 = tpu.memref_slice %arg9[%add3A_6, %dma_start3A_82] : memref<10240x128xf32, #tpu.memory_space<vmem_shared>> -> memref<80x128xf32, #tpu.memory_space<vmem_shared>>
      tpu.enqueue_dma source(%arg8 : memref<80x128xf32, #tpu.memory_space<vmem>>) target(%dma_start3A_83 : memref<80x128xf32, #tpu.memory_space<vmem_shared>>) target_semaphore(%run_scoped3A : memref<!tpu.dma_semaphore, #tpu.memory_space<semaphore_mem>>)
      %dma_wait3A = arith.constant 0 : i32
      %dma_wait3A_84 = tpu.memref_slice %arg9[%add3A_6, %dma_wait3A] : memref<10240x128xf32, #tpu.memory_space<vmem_shared>> -> memref<80x128xf32, #tpu.memory_space<vmem_shared>>
      %dma_wait3A_85 = arith.constant 0 : i32
      %dma_wait3A_86 = tpu.memref_slice %arg9[%add3A_6, %dma_wait3A_85] : memref<10240x128xf32, #tpu.memory_space<vmem_shared>> -> memref<80x128xf32, #tpu.memory_space<vmem_shared>>
      tpu.wait_dma2 semaphore(%run_scoped3A : memref<!tpu.dma_semaphore, #tpu.memory_space<semaphore_mem>>) src(%arg8 : memref<80x128xf32, #tpu.memory_space<vmem>>) dst(%dma_wait3A_86 : memref<80x128xf32, #tpu.memory_space<vmem_shared>>)
      tpu.yield
    }) : () -> ()
    %add3A_7 = arith.constant 160 : i32
    %add3A_8 = arith.addi %mul3A_2, %add3A_7 : i32
    "tpu.region"() ({
      %run_scoped3A = tpu.sem_alloc : memref<!tpu.dma_semaphore, #tpu.memory_space<semaphore_mem>>
      %dma_start3A = arith.constant 0 : i32
      %dma_start3A_81 = tpu.memref_slice %arg9[%add3A_8, %dma_start3A] : memref<10240x128xf32, #tpu.memory_space<vmem_shared>> -> memref<80x128xf32, #tpu.memory_space<vmem_shared>>
      %dma_start3A_82 = arith.constant 0 : i32
      %dma_start3A_83 = tpu.memref_slice %arg9[%add3A_8, %dma_start3A_82] : memref<10240x128xf32, #tpu.memory_space<vmem_shared>> -> memref<80x128xf32, #tpu.memory_space<vmem_shared>>
      tpu.enqueue_dma source(%arg8 : memref<80x128xf32, #tpu.memory_space<vmem>>) target(%dma_start3A_83 : memref<80x128xf32, #tpu.memory_space<vmem_shared>>) target_semaphore(%run_scoped3A : memref<!tpu.dma_semaphore, #tpu.memory_space<semaphore_mem>>)
      %dma_wait3A = arith.constant 0 : i32
      %dma_wait3A_84 = tpu.memref_slice %arg9[%add3A_8, %dma_wait3A] : memref<10240x128xf32, #tpu.memory_space<vmem_shared>> -> memref<80x128xf32, #tpu.memory_space<vmem_shared>>
      %dma_wait3A_85 = arith.constant 0 : i32
      %dma_wait3A_86 = tpu.memref_slice %arg9[%add3A_8, %dma_wait3A_85] : memref<10240x128xf32, #tpu.memory_space<vmem_shared>> -> memref<80x128xf32, #tpu.memory_space<vmem_shared>>
      tpu.wait_dma2 semaphore(%run_scoped3A : memref<!tpu.dma_semaphore, #tpu.memory_space<semaphore_mem>>) src(%arg8 : memref<80x128xf32, #tpu.memory_space<vmem>>) dst(%dma_wait3A_86 : memref<80x128xf32, #tpu.memory_space<vmem_shared>>)
      tpu.yield
    }) : () -> ()
    %add3A_9 = arith.constant 240 : i32
    %add3A_10 = arith.addi %mul3A_2, %add3A_9 : i32
    "tpu.region"() ({
      %run_scoped3A = tpu.sem_alloc : memref<!tpu.dma_semaphore, #tpu.memory_space<semaphore_mem>>
      %dma_start3A = arith.constant 0 : i32
      %dma_start3A_81 = tpu.memref_slice %arg9[%add3A_10, %dma_start3A] : memref<10240x128xf32, #tpu.memory_space<vmem_shared>> -> memref<80x128xf32, #tpu.memory_space<vmem_shared>>
      %dma_start3A_82 = arith.constant 0 : i32
      %dma_start3A_83 = tpu.memref_slice %arg9[%add3A_10, %dma_start3A_82] : memref<10240x128xf32, #tpu.memory_space<vmem_shared>> -> memref<80x128xf32, #tpu.memory_space<vmem_shared>>
      tpu.enqueue_dma source(%arg8 : memref<80x128xf32, #tpu.memory_space<vmem>>) target(%dma_start3A_83 : memref<80x128xf32, #tpu.memory_space<vmem_shared>>) target_semaphore(%run_scoped3A : memref<!tpu.dma_semaphore, #tpu.memory_space<semaphore_mem>>)
      %dma_wait3A = arith.constant 0 : i32
      %dma_wait3A_84 = tpu.memref_slice %arg9[%add3A_10, %dma_wait3A] : memref<10240x128xf32, #tpu.memory_space<vmem_shared>> -> memref<80x128xf32, #tpu.memory_space<vmem_shared>>
      %dma_wait3A_85 = arith.constant 0 : i32
      %dma_wait3A_86 = tpu.memref_slice %arg9[%add3A_10, %dma_wait3A_85] : memref<10240x128xf32, #tpu.memory_space<vmem_shared>> -> memref<80x128xf32, #tpu.memory_space<vmem_shared>>
      tpu.wait_dma2 semaphore(%run_scoped3A : memref<!tpu.dma_semaphore, #tpu.memory_space<semaphore_mem>>) src(%arg8 : memref<80x128xf32, #tpu.memory_space<vmem>>) dst(%dma_wait3A_86 : memref<80x128xf32, #tpu.memory_space<vmem_shared>>)
      tpu.yield
    }) : () -> ()
    %add3A_11 = arith.constant 320 : i32
    %add3A_12 = arith.addi %mul3A_2, %add3A_11 : i32
    "tpu.region"() ({
      %run_scoped3A = tpu.sem_alloc : memref<!tpu.dma_semaphore, #tpu.memory_space<semaphore_mem>>
      %dma_start3A = arith.constant 0 : i32
      %dma_start3A_81 = tpu.memref_slice %arg9[%add3A_12, %dma_start3A] : memref<10240x128xf32, #tpu.memory_space<vmem_shared>> -> memref<80x128xf32, #tpu.memory_space<vmem_shared>>
      %dma_start3A_82 = arith.constant 0 : i32
      %dma_start3A_83 = tpu.memref_slice %arg9[%add3A_12, %dma_start3A_82] : memref<10240x128xf32, #tpu.memory_space<vmem_shared>> -> memref<80x128xf32, #tpu.memory_space<vmem_shared>>
      tpu.enqueue_dma source(%arg8 : memref<80x128xf32, #tpu.memory_space<vmem>>) target(%dma_start3A_83 : memref<80x128xf32, #tpu.memory_space<vmem_shared>>) target_semaphore(%run_scoped3A : memref<!tpu.dma_semaphore, #tpu.memory_space<semaphore_mem>>)
      %dma_wait3A = arith.constant 0 : i32
      %dma_wait3A_84 = tpu.memref_slice %arg9[%add3A_12, %dma_wait3A] : memref<10240x128xf32, #tpu.memory_space<vmem_shared>> -> memref<80x128xf32, #tpu.memory_space<vmem_shared>>
      %dma_wait3A_85 = arith.constant 0 : i32
      %dma_wait3A_86 = tpu.memref_slice %arg9[%add3A_12, %dma_wait3A_85] : memref<10240x128xf32, #tpu.memory_space<vmem_shared>> -> memref<80x128xf32, #tpu.memory_space<vmem_shared>>
      tpu.wait_dma2 semaphore(%run_scoped3A : memref<!tpu.dma_semaphore, #tpu.memory_space<semaphore_mem>>) src(%arg8 : memref<80x128xf32, #tpu.memory_space<vmem>>) dst(%dma_wait3A_86 : memref<80x128xf32, #tpu.memory_space<vmem_shared>>)
      tpu.yield
    }) : () -> ()
    %add3A_13 = arith.constant 400 : i32
    %add3A_14 = arith.addi %mul3A_2, %add3A_13 : i32
    "tpu.region"() ({
      %run_scoped3A = tpu.sem_alloc : memref<!tpu.dma_semaphore, #tpu.memory_space<semaphore_mem>>
      %dma_start3A = arith.constant 0 : i32
      %dma_start3A_81 = tpu.memref_slice %arg9[%add3A_14, %dma_start3A] : memref<10240x128xf32, #tpu.memory_space<vmem_shared>> -> memref<80x128xf32, #tpu.memory_space<vmem_shared>>
      %dma_start3A_82 = arith.constant 0 : i32
      %dma_start3A_83 = tpu.memref_slice %arg9[%add3A_14, %dma_start3A_82] : memref<10240x128xf32, #tpu.memory_space<vmem_shared>> -> memref<80x128xf32, #tpu.memory_space<vmem_shared>>
      tpu.enqueue_dma source(%arg8 : memref<80x128xf32, #tpu.memory_space<vmem>>) target(%dma_start3A_83 : memref<80x128xf32, #tpu.memory_space<vmem_shared>>) target_semaphore(%run_scoped3A : memref<!tpu.dma_semaphore, #tpu.memory_space<semaphore_mem>>)
      %dma_wait3A = arith.constant 0 : i32
      %dma_wait3A_84 = tpu.memref_slice %arg9[%add3A_14, %dma_wait3A] : memref<10240x128xf32, #tpu.memory_space<vmem_shared>> -> memref<80x128xf32, #tpu.memory_space<vmem_shared>>
      %dma_wait3A_85 = arith.constant 0 : i32
      %dma_wait3A_86 = tpu.memref_slice %arg9[%add3A_14, %dma_wait3A_85] : memref<10240x128xf32, #tpu.memory_space<vmem_shared>> -> memref<80x128xf32, #tpu.memory_space<vmem_shared>>
      tpu.wait_dma2 semaphore(%run_scoped3A : memref<!tpu.dma_semaphore, #tpu.memory_space<semaphore_mem>>) src(%arg8 : memref<80x128xf32, #tpu.memory_space<vmem>>) dst(%dma_wait3A_86 : memref<80x128xf32, #tpu.memory_space<vmem_shared>>)
      tpu.yield
    }) : () -> ()
    %add3A_15 = arith.constant 480 : i32
    %add3A_16 = arith.addi %mul3A_2, %add3A_15 : i32
    "tpu.region"() ({
      %run_scoped3A = tpu.sem_alloc : memref<!tpu.dma_semaphore, #tpu.memory_space<semaphore_mem>>
      %dma_start3A = arith.constant 0 : i32
      %dma_start3A_81 = tpu.memref_slice %arg9[%add3A_16, %dma_start3A] : memref<10240x128xf32, #tpu.memory_space<vmem_shared>> -> memref<80x128xf32, #tpu.memory_space<vmem_shared>>
      %dma_start3A_82 = arith.constant 0 : i32
      %dma_start3A_83 = tpu.memref_slice %arg9[%add3A_16, %dma_start3A_82] : memref<10240x128xf32, #tpu.memory_space<vmem_shared>> -> memref<80x128xf32, #tpu.memory_space<vmem_shared>>
      tpu.enqueue_dma source(%arg8 : memref<80x128xf32, #tpu.memory_space<vmem>>) target(%dma_start3A_83 : memref<80x128xf32, #tpu.memory_space<vmem_shared>>) target_semaphore(%run_scoped3A : memref<!tpu.dma_semaphore, #tpu.memory_space<semaphore_mem>>)
      %dma_wait3A = arith.constant 0 : i32
      %dma_wait3A_84 = tpu.memref_slice %arg9[%add3A_16, %dma_wait3A] : memref<10240x128xf32, #tpu.memory_space<vmem_shared>> -> memref<80x128xf32, #tpu.memory_space<vmem_shared>>
      %dma_wait3A_85 = arith.constant 0 : i32
      %dma_wait3A_86 = tpu.memref_slice %arg9[%add3A_16, %dma_wait3A_85] : memref<10240x128xf32, #tpu.memory_space<vmem_shared>> -> memref<80x128xf32, #tpu.memory_space<vmem_shared>>
      tpu.wait_dma2 semaphore(%run_scoped3A : memref<!tpu.dma_semaphore, #tpu.memory_space<semaphore_mem>>) src(%arg8 : memref<80x128xf32, #tpu.memory_space<vmem>>) dst(%dma_wait3A_86 : memref<80x128xf32, #tpu.memory_space<vmem_shared>>)
      tpu.yield
    }) : () -> ()
    %add3A_17 = arith.constant 560 : i32
    %add3A_18 = arith.addi %mul3A_2, %add3A_17 : i32
    "tpu.region"() ({
      %run_scoped3A = tpu.sem_alloc : memref<!tpu.dma_semaphore, #tpu.memory_space<semaphore_mem>>
      %dma_start3A = arith.constant 0 : i32
      %dma_start3A_81 = tpu.memref_slice %arg9[%add3A_18, %dma_start3A] : memref<10240x128xf32, #tpu.memory_space<vmem_shared>> -> memref<80x128xf32, #tpu.memory_space<vmem_shared>>
      %dma_start3A_82 = arith.constant 0 : i32
      %dma_start3A_83 = tpu.memref_slice %arg9[%add3A_18, %dma_start3A_82] : memref<10240x128xf32, #tpu.memory_space<vmem_shared>> -> memref<80x128xf32, #tpu.memory_space<vmem_shared>>
      tpu.enqueue_dma source(%arg8 : memref<80x128xf32, #tpu.memory_space<vmem>>) target(%dma_start3A_83 : memref<80x128xf32, #tpu.memory_space<vmem_shared>>) target_semaphore(%run_scoped3A : memref<!tpu.dma_semaphore, #tpu.memory_space<semaphore_mem>>)
      %dma_wait3A = arith.constant 0 : i32
      %dma_wait3A_84 = tpu.memref_slice %arg9[%add3A_18, %dma_wait3A] : memref<10240x128xf32, #tpu.memory_space<vmem_shared>> -> memref<80x128xf32, #tpu.memory_space<vmem_shared>>
      %dma_wait3A_85 = arith.constant 0 : i32
      %dma_wait3A_86 = tpu.memref_slice %arg9[%add3A_18, %dma_wait3A_85] : memref<10240x128xf32, #tpu.memory_space<vmem_shared>> -> memref<80x128xf32, #tpu.memory_space<vmem_shared>>
      tpu.wait_dma2 semaphore(%run_scoped3A : memref<!tpu.dma_semaphore, #tpu.memory_space<semaphore_mem>>) src(%arg8 : memref<80x128xf32, #tpu.memory_space<vmem>>) dst(%dma_wait3A_86 : memref<80x128xf32, #tpu.memory_space<vmem_shared>>)
      tpu.yield
    }) : () -> ()
    %barrier3A = arith.constant 0 : index
    tpu.barrier barrier_id(%barrier3A)
    %scan3A = arith.constant 0 : i32
    %scan3A_19 = arith.constant 0 : i32
    %scan3A_20 = arith.constant 4 : i32
    %scan3A_21 = arith.addi %scan3A_19, %scan3A_20 : i32
    %scan3A_22 = arith.constant 1 : i32
    scf.for %scan3A_81 = %scan3A_19 to %scan3A_21 step %scan3A_22  : i32 {
      %mul3A_82 = arith.constant 4 : i32
      %mul3A_83 = arith.muli %add3A, %mul3A_82 : i32
      %add3A_84 = arith.addi %mul3A_83, %scan3A_81 : i32
      "tpu.region"() ({
        %run_scoped3A = tpu.sem_alloc : memref<!tpu.dma_semaphore, #tpu.memory_space<semaphore_mem>>
        %dma_start3A = arith.constant 0 : i32
        %dma_start3A_91 = arith.constant 0 : i32
        %dma_start3A_92 = tpu.memref_slice %arg2[%add3A_84, %dma_start3A, %dma_start3A_91] : memref<128x25x100xi32, #tpu.memory_space<hbm>> -> memref<1x25x100xi32, #tpu.memory_space<hbm>>
        %dma_start3A_93 = tpu.memref_squeeze %dma_start3A_92 : memref<1x25x100xi32, #tpu.memory_space<hbm>> -> memref<25x100xi32, #tpu.memory_space<hbm>>
        %dma_start3A_94 = arith.constant 0 : i32
        %dma_start3A_95 = arith.constant 0 : i32
        %dma_start3A_96 = tpu.memref_slice %arg2[%add3A_84, %dma_start3A_94, %dma_start3A_95] : memref<128x25x100xi32, #tpu.memory_space<hbm>> -> memref<1x25x100xi32, #tpu.memory_space<hbm>>
        %dma_start3A_97 = tpu.memref_squeeze %dma_start3A_96 : memref<1x25x100xi32, #tpu.memory_space<hbm>> -> memref<25x100xi32, #tpu.memory_space<hbm>>
        tpu.enqueue_dma source(%dma_start3A_97 : memref<25x100xi32, #tpu.memory_space<hbm>>) target(%arg6 : memref<25x100xi32, #tpu.memory_space<vmem>>) target_semaphore(%run_scoped3A : memref<!tpu.dma_semaphore, #tpu.memory_space<semaphore_mem>>)
        %dma_wait3A = arith.constant 0 : i32
        %dma_wait3A_98 = arith.constant 0 : i32
        %dma_wait3A_99 = tpu.memref_slice %arg2[%add3A_84, %dma_wait3A, %dma_wait3A_98] : memref<128x25x100xi32, #tpu.memory_space<hbm>> -> memref<1x25x100xi32, #tpu.memory_space<hbm>>
        %dma_wait3A_100 = tpu.memref_squeeze %dma_wait3A_99 : memref<1x25x100xi32, #tpu.memory_space<hbm>> -> memref<25x100xi32, #tpu.memory_space<hbm>>
        %dma_wait3A_101 = arith.constant 0 : i32
        %dma_wait3A_102 = arith.constant 0 : i32
        %dma_wait3A_103 = tpu.memref_slice %arg2[%add3A_84, %dma_wait3A_101, %dma_wait3A_102] : memref<128x25x100xi32, #tpu.memory_space<hbm>> -> memref<1x25x100xi32, #tpu.memory_space<hbm>>
        %dma_wait3A_104 = tpu.memref_squeeze %dma_wait3A_103 : memref<1x25x100xi32, #tpu.memory_space<hbm>> -> memref<25x100xi32, #tpu.memory_space<hbm>>
        tpu.wait_dma2 semaphore(%run_scoped3A : memref<!tpu.dma_semaphore, #tpu.memory_space<semaphore_mem>>) src(%dma_wait3A_104 : memref<25x100xi32, #tpu.memory_space<hbm>>) dst(%arg6 : memref<25x100xi32, #tpu.memory_space<vmem>>)
        tpu.yield
      }) : () -> ()
      %scan3A_85 = arith.constant 0 : i32
      %scan3A_86 = arith.constant 0 : i32
      %scan3A_87 = arith.constant 25 : i32
      %scan3A_88 = arith.addi %scan3A_86, %scan3A_87 : i32
      %scan3A_89 = arith.constant 1 : i32
      scf.for %scan3A_91 = %scan3A_86 to %scan3A_88 step %scan3A_89  : i32 {
        "tpu.region"() ({
          %run_scoped3A = tpu.sem_alloc : memref<!tpu.dma_semaphore, #tpu.memory_space<semaphore_mem>>
          %dma_start3A = arith.constant 0 : i32
          %dma_start3A_92 = tpu.memref_slice %arg6[%scan3A_91, %dma_start3A] : memref<25x100xi32, #tpu.memory_space<vmem>> -> memref<1x100xi32, #tpu.memory_space<vmem>>
          %dma_start3A_93 = tpu.memref_squeeze %dma_start3A_92 : memref<1x100xi32, #tpu.memory_space<vmem>> -> memref<100xi32, #tpu.memory_space<vmem>>
          %dma_start3A_94 = arith.constant 0 : i32
          %dma_start3A_95 = arith.constant 0 : i32
          %dma_start3A_96 = tpu.memref_slice %arg9[%dma_start3A_94, %dma_start3A_95] : memref<10240x128xf32, #tpu.memory_space<vmem_shared>> -> memref<10240x128xf32, #tpu.memory_space<vmem_shared>>
          tpu.enqueue_indirect_dma source(%arg7 : memref<100x128xf32, #tpu.memory_space<vmem>>) target(%dma_start3A_96 : memref<10240x128xf32, #tpu.memory_space<vmem_shared>>) offsets(%dma_start3A_93 : memref<100xi32, #tpu.memory_space<vmem>>) semaphore(%run_scoped3A : memref<!tpu.dma_semaphore, #tpu.memory_space<semaphore_mem>>) {add = true}
          %dma_wait3A = arith.constant 0 : i32
          %dma_wait3A_97 = tpu.memref_slice %arg6[%scan3A_91, %dma_wait3A] : memref<25x100xi32, #tpu.memory_space<vmem>> -> memref<1x100xi32, #tpu.memory_space<vmem>>
          %dma_wait3A_98 = tpu.memref_squeeze %dma_wait3A_97 : memref<1x100xi32, #tpu.memory_space<vmem>> -> memref<100xi32, #tpu.memory_space<vmem>>
          %dma_wait3A_99 = arith.constant 0 : i32
          %dma_wait3A_100 = arith.constant 0 : i32
          %dma_wait3A_101 = tpu.memref_slice %arg9[%dma_wait3A_99, %dma_wait3A_100] : memref<10240x128xf32, #tpu.memory_space<vmem_shared>> -> memref<10240x128xf32, #tpu.memory_space<vmem_shared>>
          tpu.wait_indirect_dma semaphore(%run_scoped3A : memref<!tpu.dma_semaphore, #tpu.memory_space<semaphore_mem>>) src(%arg7 : memref<100x128xf32, #tpu.memory_space<vmem>>) dst(%dma_wait3A_101 : memref<10240x128xf32, #tpu.memory_space<vmem_shared>>)
          tpu.yield
        }) : () -> ()
      }
      %scan3A_90 = arith.constant 25 : i32
    }
    %scan3A_23 = arith.constant 4 : i32
    %barrier3A_24 = arith.constant 0 : index
    tpu.barrier barrier_id(%barrier3A_24)
    %add3A_25 = arith.constant 0 : i32
    %add3A_26 = arith.addi %mul3A_2, %add3A_25 : i32
    "tpu.region"() ({
      %run_scoped3A = tpu.sem_alloc : memref<!tpu.dma_semaphore, #tpu.memory_space<semaphore_mem>>
      %dma_start3A = arith.constant 0 : i32
      %dma_start3A_81 = tpu.memref_slice %arg9[%add3A_26, %dma_start3A] : memref<10240x128xf32, #tpu.memory_space<vmem_shared>> -> memref<80x128xf32, #tpu.memory_space<vmem_shared>>
      %dma_start3A_82 = arith.constant 0 : i32
      %dma_start3A_83 = tpu.memref_slice %arg9[%add3A_26, %dma_start3A_82] : memref<10240x128xf32, #tpu.memory_space<vmem_shared>> -> memref<80x128xf32, #tpu.memory_space<vmem_shared>>
      tpu.enqueue_dma source(%dma_start3A_83 : memref<80x128xf32, #tpu.memory_space<vmem_shared>>) target(%arg8 : memref<80x128xf32, #tpu.memory_space<vmem>>) target_semaphore(%run_scoped3A : memref<!tpu.dma_semaphore, #tpu.memory_space<semaphore_mem>>)
      %dma_wait3A = arith.constant 0 : i32
      %dma_wait3A_84 = tpu.memref_slice %arg9[%add3A_26, %dma_wait3A] : memref<10240x128xf32, #tpu.memory_space<vmem_shared>> -> memref<80x128xf32, #tpu.memory_space<vmem_shared>>
      %dma_wait3A_85 = arith.constant 0 : i32
      %dma_wait3A_86 = tpu.memref_slice %arg9[%add3A_26, %dma_wait3A_85] : memref<10240x128xf32, #tpu.memory_space<vmem_shared>> -> memref<80x128xf32, #tpu.memory_space<vmem_shared>>
      tpu.wait_dma2 semaphore(%run_scoped3A : memref<!tpu.dma_semaphore, #tpu.memory_space<semaphore_mem>>) src(%dma_wait3A_86 : memref<80x128xf32, #tpu.memory_space<vmem_shared>>) dst(%arg8 : memref<80x128xf32, #tpu.memory_space<vmem>>)
      tpu.yield
    }) : () -> ()
    %mul3A_27 = arith.constant 10240 : i32
    %mul3A_28 = arith.muli %arg0, %mul3A_27 : i32
    %add3A_29 = arith.addi %mul3A_28, %mul3A_2 : i32
    %add3A_30 = arith.constant 0 : i32
    %add3A_31 = arith.addi %add3A_29, %add3A_30 : i32
    "tpu.region"() ({
      %run_scoped3A = tpu.sem_alloc : memref<!tpu.dma_semaphore, #tpu.memory_space<semaphore_mem>>
      %dma_start3A = arith.constant 0 : i32
      %dma_start3A_81 = tpu.memref_slice %arg5[%add3A_31, %dma_start3A] : memref<20480x128xf32, #tpu.memory_space<hbm>> -> memref<80x128xf32, #tpu.memory_space<hbm>>
      %dma_start3A_82 = arith.constant 0 : i32
      %dma_start3A_83 = tpu.memref_slice %arg5[%add3A_31, %dma_start3A_82] : memref<20480x128xf32, #tpu.memory_space<hbm>> -> memref<80x128xf32, #tpu.memory_space<hbm>>
      tpu.enqueue_dma source(%arg8 : memref<80x128xf32, #tpu.memory_space<vmem>>) target(%dma_start3A_83 : memref<80x128xf32, #tpu.memory_space<hbm>>) target_semaphore(%run_scoped3A : memref<!tpu.dma_semaphore, #tpu.memory_space<semaphore_mem>>)
      %dma_wait3A = arith.constant 0 : i32
      %dma_wait3A_84 = tpu.memref_slice %arg5[%add3A_31, %dma_wait3A] : memref<20480x128xf32, #tpu.memory_space<hbm>> -> memref<80x128xf32, #tpu.memory_space<hbm>>
      %dma_wait3A_85 = arith.constant 0 : i32
      %dma_wait3A_86 = tpu.memref_slice %arg5[%add3A_31, %dma_wait3A_85] : memref<20480x128xf32, #tpu.memory_space<hbm>> -> memref<80x128xf32, #tpu.memory_space<hbm>>
      tpu.wait_dma2 semaphore(%run_scoped3A : memref<!tpu.dma_semaphore, #tpu.memory_space<semaphore_mem>>) src(%arg8 : memref<80x128xf32, #tpu.memory_space<vmem>>) dst(%dma_wait3A_86 : memref<80x128xf32, #tpu.memory_space<hbm>>)
      tpu.yield
    }) : () -> ()
    %add3A_32 = arith.constant 80 : i32
    %add3A_33 = arith.addi %mul3A_2, %add3A_32 : i32
    "tpu.region"() ({
      %run_scoped3A = tpu.sem_alloc : memref<!tpu.dma_semaphore, #tpu.memory_space<semaphore_mem>>
      %dma_start3A = arith.constant 0 : i32
      %dma_start3A_81 = tpu.memref_slice %arg9[%add3A_33, %dma_start3A] : memref<10240x128xf32, #tpu.memory_space<vmem_shared>> -> memref<80x128xf32, #tpu.memory_space<vmem_shared>>
      %dma_start3A_82 = arith.constant 0 : i32
      %dma_start3A_83 = tpu.memref_slice %arg9[%add3A_33, %dma_start3A_82] : memref<10240x128xf32, #tpu.memory_space<vmem_shared>> -> memref<80x128xf32, #tpu.memory_space<vmem_shared>>
      tpu.enqueue_dma source(%dma_start3A_83 : memref<80x128xf32, #tpu.memory_space<vmem_shared>>) target(%arg8 : memref<80x128xf32, #tpu.memory_space<vmem>>) target_semaphore(%run_scoped3A : memref<!tpu.dma_semaphore, #tpu.memory_space<semaphore_mem>>)
      %dma_wait3A = arith.constant 0 : i32
      %dma_wait3A_84 = tpu.memref_slice %arg9[%add3A_33, %dma_wait3A] : memref<10240x128xf32, #tpu.memory_space<vmem_shared>> -> memref<80x128xf32, #tpu.memory_space<vmem_shared>>
      %dma_wait3A_85 = arith.constant 0 : i32
      %dma_wait3A_86 = tpu.memref_slice %arg9[%add3A_33, %dma_wait3A_85] : memref<10240x128xf32, #tpu.memory_space<vmem_shared>> -> memref<80x128xf32, #tpu.memory_space<vmem_shared>>
      tpu.wait_dma2 semaphore(%run_scoped3A : memref<!tpu.dma_semaphore, #tpu.memory_space<semaphore_mem>>) src(%dma_wait3A_86 : memref<80x128xf32, #tpu.memory_space<vmem_shared>>) dst(%arg8 : memref<80x128xf32, #tpu.memory_space<vmem>>)
      tpu.yield
    }) : () -> ()
    %mul3A_34 = arith.constant 10240 : i32
    %mul3A_35 = arith.muli %arg0, %mul3A_34 : i32
    %add3A_36 = arith.addi %mul3A_35, %mul3A_2 : i32
    %add3A_37 = arith.constant 80 : i32
    %add3A_38 = arith.addi %add3A_36, %add3A_37 : i32
    "tpu.region"() ({
      %run_scoped3A = tpu.sem_alloc : memref<!tpu.dma_semaphore, #tpu.memory_space<semaphore_mem>>
      %dma_start3A = arith.constant 0 : i32
      %dma_start3A_81 = tpu.memref_slice %arg5[%add3A_38, %dma_start3A] : memref<20480x128xf32, #tpu.memory_space<hbm>> -> memref<80x128xf32, #tpu.memory_space<hbm>>
      %dma_start3A_82 = arith.constant 0 : i32
      %dma_start3A_83 = tpu.memref_slice %arg5[%add3A_38, %dma_start3A_82] : memref<20480x128xf32, #tpu.memory_space<hbm>> -> memref<80x128xf32, #tpu.memory_space<hbm>>
      tpu.enqueue_dma source(%arg8 : memref<80x128xf32, #tpu.memory_space<vmem>>) target(%dma_start3A_83 : memref<80x128xf32, #tpu.memory_space<hbm>>) target_semaphore(%run_scoped3A : memref<!tpu.dma_semaphore, #tpu.memory_space<semaphore_mem>>)
      %dma_wait3A = arith.constant 0 : i32
      %dma_wait3A_84 = tpu.memref_slice %arg5[%add3A_38, %dma_wait3A] : memref<20480x128xf32, #tpu.memory_space<hbm>> -> memref<80x128xf32, #tpu.memory_space<hbm>>
      %dma_wait3A_85 = arith.constant 0 : i32
      %dma_wait3A_86 = tpu.memref_slice %arg5[%add3A_38, %dma_wait3A_85] : memref<20480x128xf32, #tpu.memory_space<hbm>> -> memref<80x128xf32, #tpu.memory_space<hbm>>
      tpu.wait_dma2 semaphore(%run_scoped3A : memref<!tpu.dma_semaphore, #tpu.memory_space<semaphore_mem>>) src(%arg8 : memref<80x128xf32, #tpu.memory_space<vmem>>) dst(%dma_wait3A_86 : memref<80x128xf32, #tpu.memory_space<hbm>>)
      tpu.yield
    }) : () -> ()
    %add3A_39 = arith.constant 160 : i32
    %add3A_40 = arith.addi %mul3A_2, %add3A_39 : i32
    "tpu.region"() ({
      %run_scoped3A = tpu.sem_alloc : memref<!tpu.dma_semaphore, #tpu.memory_space<semaphore_mem>>
      %dma_start3A = arith.constant 0 : i32
      %dma_start3A_81 = tpu.memref_slice %arg9[%add3A_40, %dma_start3A] : memref<10240x128xf32, #tpu.memory_space<vmem_shared>> -> memref<80x128xf32, #tpu.memory_space<vmem_shared>>
      %dma_start3A_82 = arith.constant 0 : i32
      %dma_start3A_83 = tpu.memref_slice %arg9[%add3A_40, %dma_start3A_82] : memref<10240x128xf32, #tpu.memory_space<vmem_shared>> -> memref<80x128xf32, #tpu.memory_space<vmem_shared>>
      tpu.enqueue_dma source(%dma_start3A_83 : memref<80x128xf32, #tpu.memory_space<vmem_shared>>) target(%arg8 : memref<80x128xf32, #tpu.memory_space<vmem>>) target_semaphore(%run_scoped3A : memref<!tpu.dma_semaphore, #tpu.memory_space<semaphore_mem>>)
      %dma_wait3A = arith.constant 0 : i32
      %dma_wait3A_84 = tpu.memref_slice %arg9[%add3A_40, %dma_wait3A] : memref<10240x128xf32, #tpu.memory_space<vmem_shared>> -> memref<80x128xf32, #tpu.memory_space<vmem_shared>>
      %dma_wait3A_85 = arith.constant 0 : i32
      %dma_wait3A_86 = tpu.memref_slice %arg9[%add3A_40, %dma_wait3A_85] : memref<10240x128xf32, #tpu.memory_space<vmem_shared>> -> memref<80x128xf32, #tpu.memory_space<vmem_shared>>
      tpu.wait_dma2 semaphore(%run_scoped3A : memref<!tpu.dma_semaphore, #tpu.memory_space<semaphore_mem>>) src(%dma_wait3A_86 : memref<80x128xf32, #tpu.memory_space<vmem_shared>>) dst(%arg8 : memref<80x128xf32, #tpu.memory_space<vmem>>)
      tpu.yield
    }) : () -> ()
    %mul3A_41 = arith.constant 10240 : i32
    %mul3A_42 = arith.muli %arg0, %mul3A_41 : i32
    %add3A_43 = arith.addi %mul3A_42, %mul3A_2 : i32
    %add3A_44 = arith.constant 160 : i32
    %add3A_45 = arith.addi %add3A_43, %add3A_44 : i32
    "tpu.region"() ({
      %run_scoped3A = tpu.sem_alloc : memref<!tpu.dma_semaphore, #tpu.memory_space<semaphore_mem>>
      %dma_start3A = arith.constant 0 : i32
      %dma_start3A_81 = tpu.memref_slice %arg5[%add3A_45, %dma_start3A] : memref<20480x128xf32, #tpu.memory_space<hbm>> -> memref<80x128xf32, #tpu.memory_space<hbm>>
      %dma_start3A_82 = arith.constant 0 : i32
      %dma_start3A_83 = tpu.memref_slice %arg5[%add3A_45, %dma_start3A_82] : memref<20480x128xf32, #tpu.memory_space<hbm>> -> memref<80x128xf32, #tpu.memory_space<hbm>>
      tpu.enqueue_dma source(%arg8 : memref<80x128xf32, #tpu.memory_space<vmem>>) target(%dma_start3A_83 : memref<80x128xf32, #tpu.memory_space<hbm>>) target_semaphore(%run_scoped3A : memref<!tpu.dma_semaphore, #tpu.memory_space<semaphore_mem>>)
      %dma_wait3A = arith.constant 0 : i32
      %dma_wait3A_84 = tpu.memref_slice %arg5[%add3A_45, %dma_wait3A] : memref<20480x128xf32, #tpu.memory_space<hbm>> -> memref<80x128xf32, #tpu.memory_space<hbm>>
      %dma_wait3A_85 = arith.constant 0 : i32
      %dma_wait3A_86 = tpu.memref_slice %arg5[%add3A_45, %dma_wait3A_85] : memref<20480x128xf32, #tpu.memory_space<hbm>> -> memref<80x128xf32, #tpu.memory_space<hbm>>
      tpu.wait_dma2 semaphore(%run_scoped3A : memref<!tpu.dma_semaphore, #tpu.memory_space<semaphore_mem>>) src(%arg8 : memref<80x128xf32, #tpu.memory_space<vmem>>) dst(%dma_wait3A_86 : memref<80x128xf32, #tpu.memory_space<hbm>>)
      tpu.yield
    }) : () -> ()
    %add3A_46 = arith.constant 240 : i32
    %add3A_47 = arith.addi %mul3A_2, %add3A_46 : i32
    "tpu.region"() ({
      %run_scoped3A = tpu.sem_alloc : memref<!tpu.dma_semaphore, #tpu.memory_space<semaphore_mem>>
      %dma_start3A = arith.constant 0 : i32
      %dma_start3A_81 = tpu.memref_slice %arg9[%add3A_47, %dma_start3A] : memref<10240x128xf32, #tpu.memory_space<vmem_shared>> -> memref<80x128xf32, #tpu.memory_space<vmem_shared>>
      %dma_start3A_82 = arith.constant 0 : i32
      %dma_start3A_83 = tpu.memref_slice %arg9[%add3A_47, %dma_start3A_82] : memref<10240x128xf32, #tpu.memory_space<vmem_shared>> -> memref<80x128xf32, #tpu.memory_space<vmem_shared>>
      tpu.enqueue_dma source(%dma_start3A_83 : memref<80x128xf32, #tpu.memory_space<vmem_shared>>) target(%arg8 : memref<80x128xf32, #tpu.memory_space<vmem>>) target_semaphore(%run_scoped3A : memref<!tpu.dma_semaphore, #tpu.memory_space<semaphore_mem>>)
      %dma_wait3A = arith.constant 0 : i32
      %dma_wait3A_84 = tpu.memref_slice %arg9[%add3A_47, %dma_wait3A] : memref<10240x128xf32, #tpu.memory_space<vmem_shared>> -> memref<80x128xf32, #tpu.memory_space<vmem_shared>>
      %dma_wait3A_85 = arith.constant 0 : i32
      %dma_wait3A_86 = tpu.memref_slice %arg9[%add3A_47, %dma_wait3A_85] : memref<10240x128xf32, #tpu.memory_space<vmem_shared>> -> memref<80x128xf32, #tpu.memory_space<vmem_shared>>
      tpu.wait_dma2 semaphore(%run_scoped3A : memref<!tpu.dma_semaphore, #tpu.memory_space<semaphore_mem>>) src(%dma_wait3A_86 : memref<80x128xf32, #tpu.memory_space<vmem_shared>>) dst(%arg8 : memref<80x128xf32, #tpu.memory_space<vmem>>)
      tpu.yield
    }) : () -> ()
    %mul3A_48 = arith.constant 10240 : i32
    %mul3A_49 = arith.muli %arg0, %mul3A_48 : i32
    %add3A_50 = arith.addi %mul3A_49, %mul3A_2 : i32
    %add3A_51 = arith.constant 240 : i32
    %add3A_52 = arith.addi %add3A_50, %add3A_51 : i32
    "tpu.region"() ({
      %run_scoped3A = tpu.sem_alloc : memref<!tpu.dma_semaphore, #tpu.memory_space<semaphore_mem>>
      %dma_start3A = arith.constant 0 : i32
      %dma_start3A_81 = tpu.memref_slice %arg5[%add3A_52, %dma_start3A] : memref<20480x128xf32, #tpu.memory_space<hbm>> -> memref<80x128xf32, #tpu.memory_space<hbm>>
      %dma_start3A_82 = arith.constant 0 : i32
      %dma_start3A_83 = tpu.memref_slice %arg5[%add3A_52, %dma_start3A_82] : memref<20480x128xf32, #tpu.memory_space<hbm>> -> memref<80x128xf32, #tpu.memory_space<hbm>>
      tpu.enqueue_dma source(%arg8 : memref<80x128xf32, #tpu.memory_space<vmem>>) target(%dma_start3A_83 : memref<80x128xf32, #tpu.memory_space<hbm>>) target_semaphore(%run_scoped3A : memref<!tpu.dma_semaphore, #tpu.memory_space<semaphore_mem>>)
      %dma_wait3A = arith.constant 0 : i32
      %dma_wait3A_84 = tpu.memref_slice %arg5[%add3A_52, %dma_wait3A] : memref<20480x128xf32, #tpu.memory_space<hbm>> -> memref<80x128xf32, #tpu.memory_space<hbm>>
      %dma_wait3A_85 = arith.constant 0 : i32
      %dma_wait3A_86 = tpu.memref_slice %arg5[%add3A_52, %dma_wait3A_85] : memref<20480x128xf32, #tpu.memory_space<hbm>> -> memref<80x128xf32, #tpu.memory_space<hbm>>
      tpu.wait_dma2 semaphore(%run_scoped3A : memref<!tpu.dma_semaphore, #tpu.memory_space<semaphore_mem>>) src(%arg8 : memref<80x128xf32, #tpu.memory_space<vmem>>) dst(%dma_wait3A_86 : memref<80x128xf32, #tpu.memory_space<hbm>>)
      tpu.yield
    }) : () -> ()
    %add3A_53 = arith.constant 320 : i32
    %add3A_54 = arith.addi %mul3A_2, %add3A_53 : i32
    "tpu.region"() ({
      %run_scoped3A = tpu.sem_alloc : memref<!tpu.dma_semaphore, #tpu.memory_space<semaphore_mem>>
      %dma_start3A = arith.constant 0 : i32
      %dma_start3A_81 = tpu.memref_slice %arg9[%add3A_54, %dma_start3A] : memref<10240x128xf32, #tpu.memory_space<vmem_shared>> -> memref<80x128xf32, #tpu.memory_space<vmem_shared>>
      %dma_start3A_82 = arith.constant 0 : i32
      %dma_start3A_83 = tpu.memref_slice %arg9[%add3A_54, %dma_start3A_82] : memref<10240x128xf32, #tpu.memory_space<vmem_shared>> -> memref<80x128xf32, #tpu.memory_space<vmem_shared>>
      tpu.enqueue_dma source(%dma_start3A_83 : memref<80x128xf32, #tpu.memory_space<vmem_shared>>) target(%arg8 : memref<80x128xf32, #tpu.memory_space<vmem>>) target_semaphore(%run_scoped3A : memref<!tpu.dma_semaphore, #tpu.memory_space<semaphore_mem>>)
      %dma_wait3A = arith.constant 0 : i32
      %dma_wait3A_84 = tpu.memref_slice %arg9[%add3A_54, %dma_wait3A] : memref<10240x128xf32, #tpu.memory_space<vmem_shared>> -> memref<80x128xf32, #tpu.memory_space<vmem_shared>>
      %dma_wait3A_85 = arith.constant 0 : i32
      %dma_wait3A_86 = tpu.memref_slice %arg9[%add3A_54, %dma_wait3A_85] : memref<10240x128xf32, #tpu.memory_space<vmem_shared>> -> memref<80x128xf32, #tpu.memory_space<vmem_shared>>
      tpu.wait_dma2 semaphore(%run_scoped3A : memref<!tpu.dma_semaphore, #tpu.memory_space<semaphore_mem>>) src(%dma_wait3A_86 : memref<80x128xf32, #tpu.memory_space<vmem_shared>>) dst(%arg8 : memref<80x128xf32, #tpu.memory_space<vmem>>)
      tpu.yield
    }) : () -> ()
    %mul3A_55 = arith.constant 10240 : i32
    %mul3A_56 = arith.muli %arg0, %mul3A_55 : i32
    %add3A_57 = arith.addi %mul3A_56, %mul3A_2 : i32
    %add3A_58 = arith.constant 320 : i32
    %add3A_59 = arith.addi %add3A_57, %add3A_58 : i32
    "tpu.region"() ({
      %run_scoped3A = tpu.sem_alloc : memref<!tpu.dma_semaphore, #tpu.memory_space<semaphore_mem>>
      %dma_start3A = arith.constant 0 : i32
      %dma_start3A_81 = tpu.memref_slice %arg5[%add3A_59, %dma_start3A] : memref<20480x128xf32, #tpu.memory_space<hbm>> -> memref<80x128xf32, #tpu.memory_space<hbm>>
      %dma_start3A_82 = arith.constant 0 : i32
      %dma_start3A_83 = tpu.memref_slice %arg5[%add3A_59, %dma_start3A_82] : memref<20480x128xf32, #tpu.memory_space<hbm>> -> memref<80x128xf32, #tpu.memory_space<hbm>>
      tpu.enqueue_dma source(%arg8 : memref<80x128xf32, #tpu.memory_space<vmem>>) target(%dma_start3A_83 : memref<80x128xf32, #tpu.memory_space<hbm>>) target_semaphore(%run_scoped3A : memref<!tpu.dma_semaphore, #tpu.memory_space<semaphore_mem>>)
      %dma_wait3A = arith.constant 0 : i32
      %dma_wait3A_84 = tpu.memref_slice %arg5[%add3A_59, %dma_wait3A] : memref<20480x128xf32, #tpu.memory_space<hbm>> -> memref<80x128xf32, #tpu.memory_space<hbm>>
      %dma_wait3A_85 = arith.constant 0 : i32
      %dma_wait3A_86 = tpu.memref_slice %arg5[%add3A_59, %dma_wait3A_85] : memref<20480x128xf32, #tpu.memory_space<hbm>> -> memref<80x128xf32, #tpu.memory_space<hbm>>
      tpu.wait_dma2 semaphore(%run_scoped3A : memref<!tpu.dma_semaphore, #tpu.memory_space<semaphore_mem>>) src(%arg8 : memref<80x128xf32, #tpu.memory_space<vmem>>) dst(%dma_wait3A_86 : memref<80x128xf32, #tpu.memory_space<hbm>>)
      tpu.yield
    }) : () -> ()
    %add3A_60 = arith.constant 400 : i32
    %add3A_61 = arith.addi %mul3A_2, %add3A_60 : i32
    "tpu.region"() ({
      %run_scoped3A = tpu.sem_alloc : memref<!tpu.dma_semaphore, #tpu.memory_space<semaphore_mem>>
      %dma_start3A = arith.constant 0 : i32
      %dma_start3A_81 = tpu.memref_slice %arg9[%add3A_61, %dma_start3A] : memref<10240x128xf32, #tpu.memory_space<vmem_shared>> -> memref<80x128xf32, #tpu.memory_space<vmem_shared>>
      %dma_start3A_82 = arith.constant 0 : i32
      %dma_start3A_83 = tpu.memref_slice %arg9[%add3A_61, %dma_start3A_82] : memref<10240x128xf32, #tpu.memory_space<vmem_shared>> -> memref<80x128xf32, #tpu.memory_space<vmem_shared>>
      tpu.enqueue_dma source(%dma_start3A_83 : memref<80x128xf32, #tpu.memory_space<vmem_shared>>) target(%arg8 : memref<80x128xf32, #tpu.memory_space<vmem>>) target_semaphore(%run_scoped3A : memref<!tpu.dma_semaphore, #tpu.memory_space<semaphore_mem>>)
      %dma_wait3A = arith.constant 0 : i32
      %dma_wait3A_84 = tpu.memref_slice %arg9[%add3A_61, %dma_wait3A] : memref<10240x128xf32, #tpu.memory_space<vmem_shared>> -> memref<80x128xf32, #tpu.memory_space<vmem_shared>>
      %dma_wait3A_85 = arith.constant 0 : i32
      %dma_wait3A_86 = tpu.memref_slice %arg9[%add3A_61, %dma_wait3A_85] : memref<10240x128xf32, #tpu.memory_space<vmem_shared>> -> memref<80x128xf32, #tpu.memory_space<vmem_shared>>
      tpu.wait_dma2 semaphore(%run_scoped3A : memref<!tpu.dma_semaphore, #tpu.memory_space<semaphore_mem>>) src(%dma_wait3A_86 : memref<80x128xf32, #tpu.memory_space<vmem_shared>>) dst(%arg8 : memref<80x128xf32, #tpu.memory_space<vmem>>)
      tpu.yield
    }) : () -> ()
    %mul3A_62 = arith.constant 10240 : i32
    %mul3A_63 = arith.muli %arg0, %mul3A_62 : i32
    %add3A_64 = arith.addi %mul3A_63, %mul3A_2 : i32
    %add3A_65 = arith.constant 400 : i32
    %add3A_66 = arith.addi %add3A_64, %add3A_65 : i32
    "tpu.region"() ({
      %run_scoped3A = tpu.sem_alloc : memref<!tpu.dma_semaphore, #tpu.memory_space<semaphore_mem>>
      %dma_start3A = arith.constant 0 : i32
      %dma_start3A_81 = tpu.memref_slice %arg5[%add3A_66, %dma_start3A] : memref<20480x128xf32, #tpu.memory_space<hbm>> -> memref<80x128xf32, #tpu.memory_space<hbm>>
      %dma_start3A_82 = arith.constant 0 : i32
      %dma_start3A_83 = tpu.memref_slice %arg5[%add3A_66, %dma_start3A_82] : memref<20480x128xf32, #tpu.memory_space<hbm>> -> memref<80x128xf32, #tpu.memory_space<hbm>>
      tpu.enqueue_dma source(%arg8 : memref<80x128xf32, #tpu.memory_space<vmem>>) target(%dma_start3A_83 : memref<80x128xf32, #tpu.memory_space<hbm>>) target_semaphore(%run_scoped3A : memref<!tpu.dma_semaphore, #tpu.memory_space<semaphore_mem>>)
      %dma_wait3A = arith.constant 0 : i32
      %dma_wait3A_84 = tpu.memref_slice %arg5[%add3A_66, %dma_wait3A] : memref<20480x128xf32, #tpu.memory_space<hbm>> -> memref<80x128xf32, #tpu.memory_space<hbm>>
      %dma_wait3A_85 = arith.constant 0 : i32
      %dma_wait3A_86 = tpu.memref_slice %arg5[%add3A_66, %dma_wait3A_85] : memref<20480x128xf32, #tpu.memory_space<hbm>> -> memref<80x128xf32, #tpu.memory_space<hbm>>
      tpu.wait_dma2 semaphore(%run_scoped3A : memref<!tpu.dma_semaphore, #tpu.memory_space<semaphore_mem>>) src(%arg8 : memref<80x128xf32, #tpu.memory_space<vmem>>) dst(%dma_wait3A_86 : memref<80x128xf32, #tpu.memory_space<hbm>>)
      tpu.yield
    }) : () -> ()
    %add3A_67 = arith.constant 480 : i32
    %add3A_68 = arith.addi %mul3A_2, %add3A_67 : i32
    "tpu.region"() ({
      %run_scoped3A = tpu.sem_alloc : memref<!tpu.dma_semaphore, #tpu.memory_space<semaphore_mem>>
      %dma_start3A = arith.constant 0 : i32
      %dma_start3A_81 = tpu.memref_slice %arg9[%add3A_68, %dma_start3A] : memref<10240x128xf32, #tpu.memory_space<vmem_shared>> -> memref<80x128xf32, #tpu.memory_space<vmem_shared>>
      %dma_start3A_82 = arith.constant 0 : i32
      %dma_start3A_83 = tpu.memref_slice %arg9[%add3A_68, %dma_start3A_82] : memref<10240x128xf32, #tpu.memory_space<vmem_shared>> -> memref<80x128xf32, #tpu.memory_space<vmem_shared>>
      tpu.enqueue_dma source(%dma_start3A_83 : memref<80x128xf32, #tpu.memory_space<vmem_shared>>) target(%arg8 : memref<80x128xf32, #tpu.memory_space<vmem>>) target_semaphore(%run_scoped3A : memref<!tpu.dma_semaphore, #tpu.memory_space<semaphore_mem>>)
      %dma_wait3A = arith.constant 0 : i32
      %dma_wait3A_84 = tpu.memref_slice %arg9[%add3A_68, %dma_wait3A] : memref<10240x128xf32, #tpu.memory_space<vmem_shared>> -> memref<80x128xf32, #tpu.memory_space<vmem_shared>>
      %dma_wait3A_85 = arith.constant 0 : i32
      %dma_wait3A_86 = tpu.memref_slice %arg9[%add3A_68, %dma_wait3A_85] : memref<10240x128xf32, #tpu.memory_space<vmem_shared>> -> memref<80x128xf32, #tpu.memory_space<vmem_shared>>
      tpu.wait_dma2 semaphore(%run_scoped3A : memref<!tpu.dma_semaphore, #tpu.memory_space<semaphore_mem>>) src(%dma_wait3A_86 : memref<80x128xf32, #tpu.memory_space<vmem_shared>>) dst(%arg8 : memref<80x128xf32, #tpu.memory_space<vmem>>)
      tpu.yield
    }) : () -> ()
    %mul3A_69 = arith.constant 10240 : i32
    %mul3A_70 = arith.muli %arg0, %mul3A_69 : i32
    %add3A_71 = arith.addi %mul3A_70, %mul3A_2 : i32
    %add3A_72 = arith.constant 480 : i32
    %add3A_73 = arith.addi %add3A_71, %add3A_72 : i32
    "tpu.region"() ({
      %run_scoped3A = tpu.sem_alloc : memref<!tpu.dma_semaphore, #tpu.memory_space<semaphore_mem>>
      %dma_start3A = arith.constant 0 : i32
      %dma_start3A_81 = tpu.memref_slice %arg5[%add3A_73, %dma_start3A] : memref<20480x128xf32, #tpu.memory_space<hbm>> -> memref<80x128xf32, #tpu.memory_space<hbm>>
      %dma_start3A_82 = arith.constant 0 : i32
      %dma_start3A_83 = tpu.memref_slice %arg5[%add3A_73, %dma_start3A_82] : memref<20480x128xf32, #tpu.memory_space<hbm>> -> memref<80x128xf32, #tpu.memory_space<hbm>>
      tpu.enqueue_dma source(%arg8 : memref<80x128xf32, #tpu.memory_space<vmem>>) target(%dma_start3A_83 : memref<80x128xf32, #tpu.memory_space<hbm>>) target_semaphore(%run_scoped3A : memref<!tpu.dma_semaphore, #tpu.memory_space<semaphore_mem>>)
      %dma_wait3A = arith.constant 0 : i32
      %dma_wait3A_84 = tpu.memref_slice %arg5[%add3A_73, %dma_wait3A] : memref<20480x128xf32, #tpu.memory_space<hbm>> -> memref<80x128xf32, #tpu.memory_space<hbm>>
      %dma_wait3A_85 = arith.constant 0 : i32
      %dma_wait3A_86 = tpu.memref_slice %arg5[%add3A_73, %dma_wait3A_85] : memref<20480x128xf32, #tpu.memory_space<hbm>> -> memref<80x128xf32, #tpu.memory_space<hbm>>
      tpu.wait_dma2 semaphore(%run_scoped3A : memref<!tpu.dma_semaphore, #tpu.memory_space<semaphore_mem>>) src(%arg8 : memref<80x128xf32, #tpu.memory_space<vmem>>) dst(%dma_wait3A_86 : memref<80x128xf32, #tpu.memory_space<hbm>>)
      tpu.yield
    }) : () -> ()
    %add3A_74 = arith.constant 560 : i32
    %add3A_75 = arith.addi %mul3A_2, %add3A_74 : i32
    "tpu.region"() ({
      %run_scoped3A = tpu.sem_alloc : memref<!tpu.dma_semaphore, #tpu.memory_space<semaphore_mem>>
      %dma_start3A = arith.constant 0 : i32
      %dma_start3A_81 = tpu.memref_slice %arg9[%add3A_75, %dma_start3A] : memref<10240x128xf32, #tpu.memory_space<vmem_shared>> -> memref<80x128xf32, #tpu.memory_space<vmem_shared>>
      %dma_start3A_82 = arith.constant 0 : i32
      %dma_start3A_83 = tpu.memref_slice %arg9[%add3A_75, %dma_start3A_82] : memref<10240x128xf32, #tpu.memory_space<vmem_shared>> -> memref<80x128xf32, #tpu.memory_space<vmem_shared>>
      tpu.enqueue_dma source(%dma_start3A_83 : memref<80x128xf32, #tpu.memory_space<vmem_shared>>) target(%arg8 : memref<80x128xf32, #tpu.memory_space<vmem>>) target_semaphore(%run_scoped3A : memref<!tpu.dma_semaphore, #tpu.memory_space<semaphore_mem>>)
      %dma_wait3A = arith.constant 0 : i32
      %dma_wait3A_84 = tpu.memref_slice %arg9[%add3A_75, %dma_wait3A] : memref<10240x128xf32, #tpu.memory_space<vmem_shared>> -> memref<80x128xf32, #tpu.memory_space<vmem_shared>>
      %dma_wait3A_85 = arith.constant 0 : i32
      %dma_wait3A_86 = tpu.memref_slice %arg9[%add3A_75, %dma_wait3A_85] : memref<10240x128xf32, #tpu.memory_space<vmem_shared>> -> memref<80x128xf32, #tpu.memory_space<vmem_shared>>
      tpu.wait_dma2 semaphore(%run_scoped3A : memref<!tpu.dma_semaphore, #tpu.memory_space<semaphore_mem>>) src(%dma_wait3A_86 : memref<80x128xf32, #tpu.memory_space<vmem_shared>>) dst(%arg8 : memref<80x128xf32, #tpu.memory_space<vmem>>)
      tpu.yield
    }) : () -> ()
    %mul3A_76 = arith.constant 10240 : i32
    %mul3A_77 = arith.muli %arg0, %mul3A_76 : i32
    %add3A_78 = arith.addi %mul3A_77, %mul3A_2 : i32
    %add3A_79 = arith.constant 560 : i32
    %add3A_80 = arith.addi %add3A_78, %add3A_79 : i32
    "tpu.region"() ({
      %run_scoped3A = tpu.sem_alloc : memref<!tpu.dma_semaphore, #tpu.memory_space<semaphore_mem>>
      %dma_start3A = arith.constant 0 : i32
      %dma_start3A_81 = tpu.memref_slice %arg5[%add3A_80, %dma_start3A] : memref<20480x128xf32, #tpu.memory_space<hbm>> -> memref<80x128xf32, #tpu.memory_space<hbm>>
      %dma_start3A_82 = arith.constant 0 : i32
      %dma_start3A_83 = tpu.memref_slice %arg5[%add3A_80, %dma_start3A_82] : memref<20480x128xf32, #tpu.memory_space<hbm>> -> memref<80x128xf32, #tpu.memory_space<hbm>>
      tpu.enqueue_dma source(%arg8 : memref<80x128xf32, #tpu.memory_space<vmem>>) target(%dma_start3A_83 : memref<80x128xf32, #tpu.memory_space<hbm>>) target_semaphore(%run_scoped3A : memref<!tpu.dma_semaphore, #tpu.memory_space<semaphore_mem>>)
      %dma_wait3A = arith.constant 0 : i32
      %dma_wait3A_84 = tpu.memref_slice %arg5[%add3A_80, %dma_wait3A] : memref<20480x128xf32, #tpu.memory_space<hbm>> -> memref<80x128xf32, #tpu.memory_space<hbm>>
      %dma_wait3A_85 = arith.constant 0 : i32
      %dma_wait3A_86 = tpu.memref_slice %arg5[%add3A_80, %dma_wait3A_85] : memref<20480x128xf32, #tpu.memory_space<hbm>> -> memref<80x128xf32, #tpu.memory_space<hbm>>
      tpu.wait_dma2 semaphore(%run_scoped3A : memref<!tpu.dma_semaphore, #tpu.memory_space<semaphore_mem>>) src(%arg8 : memref<80x128xf32, #tpu.memory_space<vmem>>) dst(%dma_wait3A_86 : memref<80x128xf32, #tpu.memory_space<hbm>>)
      tpu.yield
    }) : () -> ()
    return
  }
}

#map = affine_map<(d0, d1) -> (0, 0)>
#map1 = affine_map<(d0, d1) -> (0, 0, 0)>
module attributes {stable_mosaic.version = 14 : i64} {
  func.func @_agg_kernel(%arg0: i32, %arg1: i32, %arg2: memref<10240x128xf32, #tpu.memory_space<hbm>>, %arg3: memref<160x40x50xi32, #tpu.memory_space<hbm>>, %arg4: memref<160x40x50xi32, #tpu.memory_space<hbm>>, %arg5: memref<80x128xf32, #tpu.memory_space<hbm>>, %arg6: memref<20480x128xf32, #tpu.memory_space<hbm>>, %arg7: memref<40x50xi32, #tpu.memory_space<vmem>>, %arg8: memref<40x50xi32, #tpu.memory_space<vmem>>, %arg9: memref<80x128xf32, #tpu.memory_space<vmem>>, %arg10: memref<50x128xf32, #tpu.memory_space<vmem>>, %arg11: memref<50x128xf32, #tpu.memory_space<vmem>>, %arg12: memref<50x128xf32, #tpu.memory_space<vmem>>, %arg13: memref<50x128xf32, #tpu.memory_space<vmem>>, %arg14: memref<10240x128xf32, #tpu.memory_space<vmem_shared>>, %arg15: memref<!tpu.dma_semaphore, #tpu.memory_space<semaphore_mem>>, %arg16: memref<!tpu.dma_semaphore, #tpu.memory_space<semaphore_mem>>, %arg17: memref<!tpu.dma_semaphore, #tpu.memory_space<semaphore_mem>>, %arg18: memref<!tpu.dma_semaphore, #tpu.memory_space<semaphore_mem>>) attributes {dimension_semantics = [#tpu.dimension_semantics<core_parallel>, #tpu.dimension_semantics<subcore_parallel>], iteration_bounds = array<i64: 2, 16>, scalar_prefetch = 0 : i64, scratch_operands = 12 : i64, tpu.core_type = #tpu.core_type<sc_vector_subcore>, window_params = [{transform_indices = #map}, {transform_indices = #map1}, {transform_indices = #map1}, {transform_indices = #map}, {transform_indices = #map}]} {
    %mul3A = arith.constant 16 : i32
    %mul3A_0 = arith.muli %arg0, %mul3A : i32
    %add3A = arith.addi %mul3A_0, %arg1 : i32
    %mul3A_1 = arith.constant 640 : i32
    %mul3A_2 = arith.muli %arg1, %mul3A_1 : i32
    "tpu.region"() ({
      %run_scoped3A = tpu.sem_alloc : memref<!tpu.dma_semaphore, #tpu.memory_space<semaphore_mem>>
      tpu.enqueue_dma source(%arg5 : memref<80x128xf32, #tpu.memory_space<hbm>>) target(%arg9 : memref<80x128xf32, #tpu.memory_space<vmem>>) target_semaphore(%run_scoped3A : memref<!tpu.dma_semaphore, #tpu.memory_space<semaphore_mem>>)
      tpu.wait_dma2 semaphore(%run_scoped3A : memref<!tpu.dma_semaphore, #tpu.memory_space<semaphore_mem>>) src(%arg5 : memref<80x128xf32, #tpu.memory_space<hbm>>) dst(%arg9 : memref<80x128xf32, #tpu.memory_space<vmem>>)
      tpu.yield
    }) : () -> ()
    %add3A_3 = arith.constant 0 : i32
    %add3A_4 = arith.addi %mul3A_2, %add3A_3 : i32
    "tpu.region"() ({
      %run_scoped3A = tpu.sem_alloc : memref<!tpu.dma_semaphore, #tpu.memory_space<semaphore_mem>>
      %dma_start3A = arith.constant 0 : i32
      %dma_start3A_81 = tpu.memref_slice %arg14[%add3A_4, %dma_start3A] : memref<10240x128xf32, #tpu.memory_space<vmem_shared>> -> memref<80x128xf32, #tpu.memory_space<vmem_shared>>
      %dma_start3A_82 = arith.constant 0 : i32
      %dma_start3A_83 = tpu.memref_slice %arg14[%add3A_4, %dma_start3A_82] : memref<10240x128xf32, #tpu.memory_space<vmem_shared>> -> memref<80x128xf32, #tpu.memory_space<vmem_shared>>
      tpu.enqueue_dma source(%arg9 : memref<80x128xf32, #tpu.memory_space<vmem>>) target(%dma_start3A_83 : memref<80x128xf32, #tpu.memory_space<vmem_shared>>) target_semaphore(%run_scoped3A : memref<!tpu.dma_semaphore, #tpu.memory_space<semaphore_mem>>)
      %dma_wait3A = arith.constant 0 : i32
      %dma_wait3A_84 = tpu.memref_slice %arg14[%add3A_4, %dma_wait3A] : memref<10240x128xf32, #tpu.memory_space<vmem_shared>> -> memref<80x128xf32, #tpu.memory_space<vmem_shared>>
      %dma_wait3A_85 = arith.constant 0 : i32
      %dma_wait3A_86 = tpu.memref_slice %arg14[%add3A_4, %dma_wait3A_85] : memref<10240x128xf32, #tpu.memory_space<vmem_shared>> -> memref<80x128xf32, #tpu.memory_space<vmem_shared>>
      tpu.wait_dma2 semaphore(%run_scoped3A : memref<!tpu.dma_semaphore, #tpu.memory_space<semaphore_mem>>) src(%arg9 : memref<80x128xf32, #tpu.memory_space<vmem>>) dst(%dma_wait3A_86 : memref<80x128xf32, #tpu.memory_space<vmem_shared>>)
      tpu.yield
    }) : () -> ()
    %add3A_5 = arith.constant 80 : i32
    %add3A_6 = arith.addi %mul3A_2, %add3A_5 : i32
    "tpu.region"() ({
      %run_scoped3A = tpu.sem_alloc : memref<!tpu.dma_semaphore, #tpu.memory_space<semaphore_mem>>
      %dma_start3A = arith.constant 0 : i32
      %dma_start3A_81 = tpu.memref_slice %arg14[%add3A_6, %dma_start3A] : memref<10240x128xf32, #tpu.memory_space<vmem_shared>> -> memref<80x128xf32, #tpu.memory_space<vmem_shared>>
      %dma_start3A_82 = arith.constant 0 : i32
      %dma_start3A_83 = tpu.memref_slice %arg14[%add3A_6, %dma_start3A_82] : memref<10240x128xf32, #tpu.memory_space<vmem_shared>> -> memref<80x128xf32, #tpu.memory_space<vmem_shared>>
      tpu.enqueue_dma source(%arg9 : memref<80x128xf32, #tpu.memory_space<vmem>>) target(%dma_start3A_83 : memref<80x128xf32, #tpu.memory_space<vmem_shared>>) target_semaphore(%run_scoped3A : memref<!tpu.dma_semaphore, #tpu.memory_space<semaphore_mem>>)
      %dma_wait3A = arith.constant 0 : i32
      %dma_wait3A_84 = tpu.memref_slice %arg14[%add3A_6, %dma_wait3A] : memref<10240x128xf32, #tpu.memory_space<vmem_shared>> -> memref<80x128xf32, #tpu.memory_space<vmem_shared>>
      %dma_wait3A_85 = arith.constant 0 : i32
      %dma_wait3A_86 = tpu.memref_slice %arg14[%add3A_6, %dma_wait3A_85] : memref<10240x128xf32, #tpu.memory_space<vmem_shared>> -> memref<80x128xf32, #tpu.memory_space<vmem_shared>>
      tpu.wait_dma2 semaphore(%run_scoped3A : memref<!tpu.dma_semaphore, #tpu.memory_space<semaphore_mem>>) src(%arg9 : memref<80x128xf32, #tpu.memory_space<vmem>>) dst(%dma_wait3A_86 : memref<80x128xf32, #tpu.memory_space<vmem_shared>>)
      tpu.yield
    }) : () -> ()
    %add3A_7 = arith.constant 160 : i32
    %add3A_8 = arith.addi %mul3A_2, %add3A_7 : i32
    "tpu.region"() ({
      %run_scoped3A = tpu.sem_alloc : memref<!tpu.dma_semaphore, #tpu.memory_space<semaphore_mem>>
      %dma_start3A = arith.constant 0 : i32
      %dma_start3A_81 = tpu.memref_slice %arg14[%add3A_8, %dma_start3A] : memref<10240x128xf32, #tpu.memory_space<vmem_shared>> -> memref<80x128xf32, #tpu.memory_space<vmem_shared>>
      %dma_start3A_82 = arith.constant 0 : i32
      %dma_start3A_83 = tpu.memref_slice %arg14[%add3A_8, %dma_start3A_82] : memref<10240x128xf32, #tpu.memory_space<vmem_shared>> -> memref<80x128xf32, #tpu.memory_space<vmem_shared>>
      tpu.enqueue_dma source(%arg9 : memref<80x128xf32, #tpu.memory_space<vmem>>) target(%dma_start3A_83 : memref<80x128xf32, #tpu.memory_space<vmem_shared>>) target_semaphore(%run_scoped3A : memref<!tpu.dma_semaphore, #tpu.memory_space<semaphore_mem>>)
      %dma_wait3A = arith.constant 0 : i32
      %dma_wait3A_84 = tpu.memref_slice %arg14[%add3A_8, %dma_wait3A] : memref<10240x128xf32, #tpu.memory_space<vmem_shared>> -> memref<80x128xf32, #tpu.memory_space<vmem_shared>>
      %dma_wait3A_85 = arith.constant 0 : i32
      %dma_wait3A_86 = tpu.memref_slice %arg14[%add3A_8, %dma_wait3A_85] : memref<10240x128xf32, #tpu.memory_space<vmem_shared>> -> memref<80x128xf32, #tpu.memory_space<vmem_shared>>
      tpu.wait_dma2 semaphore(%run_scoped3A : memref<!tpu.dma_semaphore, #tpu.memory_space<semaphore_mem>>) src(%arg9 : memref<80x128xf32, #tpu.memory_space<vmem>>) dst(%dma_wait3A_86 : memref<80x128xf32, #tpu.memory_space<vmem_shared>>)
      tpu.yield
    }) : () -> ()
    %add3A_9 = arith.constant 240 : i32
    %add3A_10 = arith.addi %mul3A_2, %add3A_9 : i32
    "tpu.region"() ({
      %run_scoped3A = tpu.sem_alloc : memref<!tpu.dma_semaphore, #tpu.memory_space<semaphore_mem>>
      %dma_start3A = arith.constant 0 : i32
      %dma_start3A_81 = tpu.memref_slice %arg14[%add3A_10, %dma_start3A] : memref<10240x128xf32, #tpu.memory_space<vmem_shared>> -> memref<80x128xf32, #tpu.memory_space<vmem_shared>>
      %dma_start3A_82 = arith.constant 0 : i32
      %dma_start3A_83 = tpu.memref_slice %arg14[%add3A_10, %dma_start3A_82] : memref<10240x128xf32, #tpu.memory_space<vmem_shared>> -> memref<80x128xf32, #tpu.memory_space<vmem_shared>>
      tpu.enqueue_dma source(%arg9 : memref<80x128xf32, #tpu.memory_space<vmem>>) target(%dma_start3A_83 : memref<80x128xf32, #tpu.memory_space<vmem_shared>>) target_semaphore(%run_scoped3A : memref<!tpu.dma_semaphore, #tpu.memory_space<semaphore_mem>>)
      %dma_wait3A = arith.constant 0 : i32
      %dma_wait3A_84 = tpu.memref_slice %arg14[%add3A_10, %dma_wait3A] : memref<10240x128xf32, #tpu.memory_space<vmem_shared>> -> memref<80x128xf32, #tpu.memory_space<vmem_shared>>
      %dma_wait3A_85 = arith.constant 0 : i32
      %dma_wait3A_86 = tpu.memref_slice %arg14[%add3A_10, %dma_wait3A_85] : memref<10240x128xf32, #tpu.memory_space<vmem_shared>> -> memref<80x128xf32, #tpu.memory_space<vmem_shared>>
      tpu.wait_dma2 semaphore(%run_scoped3A : memref<!tpu.dma_semaphore, #tpu.memory_space<semaphore_mem>>) src(%arg9 : memref<80x128xf32, #tpu.memory_space<vmem>>) dst(%dma_wait3A_86 : memref<80x128xf32, #tpu.memory_space<vmem_shared>>)
      tpu.yield
    }) : () -> ()
    %add3A_11 = arith.constant 320 : i32
    %add3A_12 = arith.addi %mul3A_2, %add3A_11 : i32
    "tpu.region"() ({
      %run_scoped3A = tpu.sem_alloc : memref<!tpu.dma_semaphore, #tpu.memory_space<semaphore_mem>>
      %dma_start3A = arith.constant 0 : i32
      %dma_start3A_81 = tpu.memref_slice %arg14[%add3A_12, %dma_start3A] : memref<10240x128xf32, #tpu.memory_space<vmem_shared>> -> memref<80x128xf32, #tpu.memory_space<vmem_shared>>
      %dma_start3A_82 = arith.constant 0 : i32
      %dma_start3A_83 = tpu.memref_slice %arg14[%add3A_12, %dma_start3A_82] : memref<10240x128xf32, #tpu.memory_space<vmem_shared>> -> memref<80x128xf32, #tpu.memory_space<vmem_shared>>
      tpu.enqueue_dma source(%arg9 : memref<80x128xf32, #tpu.memory_space<vmem>>) target(%dma_start3A_83 : memref<80x128xf32, #tpu.memory_space<vmem_shared>>) target_semaphore(%run_scoped3A : memref<!tpu.dma_semaphore, #tpu.memory_space<semaphore_mem>>)
      %dma_wait3A = arith.constant 0 : i32
      %dma_wait3A_84 = tpu.memref_slice %arg14[%add3A_12, %dma_wait3A] : memref<10240x128xf32, #tpu.memory_space<vmem_shared>> -> memref<80x128xf32, #tpu.memory_space<vmem_shared>>
      %dma_wait3A_85 = arith.constant 0 : i32
      %dma_wait3A_86 = tpu.memref_slice %arg14[%add3A_12, %dma_wait3A_85] : memref<10240x128xf32, #tpu.memory_space<vmem_shared>> -> memref<80x128xf32, #tpu.memory_space<vmem_shared>>
      tpu.wait_dma2 semaphore(%run_scoped3A : memref<!tpu.dma_semaphore, #tpu.memory_space<semaphore_mem>>) src(%arg9 : memref<80x128xf32, #tpu.memory_space<vmem>>) dst(%dma_wait3A_86 : memref<80x128xf32, #tpu.memory_space<vmem_shared>>)
      tpu.yield
    }) : () -> ()
    %add3A_13 = arith.constant 400 : i32
    %add3A_14 = arith.addi %mul3A_2, %add3A_13 : i32
    "tpu.region"() ({
      %run_scoped3A = tpu.sem_alloc : memref<!tpu.dma_semaphore, #tpu.memory_space<semaphore_mem>>
      %dma_start3A = arith.constant 0 : i32
      %dma_start3A_81 = tpu.memref_slice %arg14[%add3A_14, %dma_start3A] : memref<10240x128xf32, #tpu.memory_space<vmem_shared>> -> memref<80x128xf32, #tpu.memory_space<vmem_shared>>
      %dma_start3A_82 = arith.constant 0 : i32
      %dma_start3A_83 = tpu.memref_slice %arg14[%add3A_14, %dma_start3A_82] : memref<10240x128xf32, #tpu.memory_space<vmem_shared>> -> memref<80x128xf32, #tpu.memory_space<vmem_shared>>
      tpu.enqueue_dma source(%arg9 : memref<80x128xf32, #tpu.memory_space<vmem>>) target(%dma_start3A_83 : memref<80x128xf32, #tpu.memory_space<vmem_shared>>) target_semaphore(%run_scoped3A : memref<!tpu.dma_semaphore, #tpu.memory_space<semaphore_mem>>)
      %dma_wait3A = arith.constant 0 : i32
      %dma_wait3A_84 = tpu.memref_slice %arg14[%add3A_14, %dma_wait3A] : memref<10240x128xf32, #tpu.memory_space<vmem_shared>> -> memref<80x128xf32, #tpu.memory_space<vmem_shared>>
      %dma_wait3A_85 = arith.constant 0 : i32
      %dma_wait3A_86 = tpu.memref_slice %arg14[%add3A_14, %dma_wait3A_85] : memref<10240x128xf32, #tpu.memory_space<vmem_shared>> -> memref<80x128xf32, #tpu.memory_space<vmem_shared>>
      tpu.wait_dma2 semaphore(%run_scoped3A : memref<!tpu.dma_semaphore, #tpu.memory_space<semaphore_mem>>) src(%arg9 : memref<80x128xf32, #tpu.memory_space<vmem>>) dst(%dma_wait3A_86 : memref<80x128xf32, #tpu.memory_space<vmem_shared>>)
      tpu.yield
    }) : () -> ()
    %add3A_15 = arith.constant 480 : i32
    %add3A_16 = arith.addi %mul3A_2, %add3A_15 : i32
    "tpu.region"() ({
      %run_scoped3A = tpu.sem_alloc : memref<!tpu.dma_semaphore, #tpu.memory_space<semaphore_mem>>
      %dma_start3A = arith.constant 0 : i32
      %dma_start3A_81 = tpu.memref_slice %arg14[%add3A_16, %dma_start3A] : memref<10240x128xf32, #tpu.memory_space<vmem_shared>> -> memref<80x128xf32, #tpu.memory_space<vmem_shared>>
      %dma_start3A_82 = arith.constant 0 : i32
      %dma_start3A_83 = tpu.memref_slice %arg14[%add3A_16, %dma_start3A_82] : memref<10240x128xf32, #tpu.memory_space<vmem_shared>> -> memref<80x128xf32, #tpu.memory_space<vmem_shared>>
      tpu.enqueue_dma source(%arg9 : memref<80x128xf32, #tpu.memory_space<vmem>>) target(%dma_start3A_83 : memref<80x128xf32, #tpu.memory_space<vmem_shared>>) target_semaphore(%run_scoped3A : memref<!tpu.dma_semaphore, #tpu.memory_space<semaphore_mem>>)
      %dma_wait3A = arith.constant 0 : i32
      %dma_wait3A_84 = tpu.memref_slice %arg14[%add3A_16, %dma_wait3A] : memref<10240x128xf32, #tpu.memory_space<vmem_shared>> -> memref<80x128xf32, #tpu.memory_space<vmem_shared>>
      %dma_wait3A_85 = arith.constant 0 : i32
      %dma_wait3A_86 = tpu.memref_slice %arg14[%add3A_16, %dma_wait3A_85] : memref<10240x128xf32, #tpu.memory_space<vmem_shared>> -> memref<80x128xf32, #tpu.memory_space<vmem_shared>>
      tpu.wait_dma2 semaphore(%run_scoped3A : memref<!tpu.dma_semaphore, #tpu.memory_space<semaphore_mem>>) src(%arg9 : memref<80x128xf32, #tpu.memory_space<vmem>>) dst(%dma_wait3A_86 : memref<80x128xf32, #tpu.memory_space<vmem_shared>>)
      tpu.yield
    }) : () -> ()
    %add3A_17 = arith.constant 560 : i32
    %add3A_18 = arith.addi %mul3A_2, %add3A_17 : i32
    "tpu.region"() ({
      %run_scoped3A = tpu.sem_alloc : memref<!tpu.dma_semaphore, #tpu.memory_space<semaphore_mem>>
      %dma_start3A = arith.constant 0 : i32
      %dma_start3A_81 = tpu.memref_slice %arg14[%add3A_18, %dma_start3A] : memref<10240x128xf32, #tpu.memory_space<vmem_shared>> -> memref<80x128xf32, #tpu.memory_space<vmem_shared>>
      %dma_start3A_82 = arith.constant 0 : i32
      %dma_start3A_83 = tpu.memref_slice %arg14[%add3A_18, %dma_start3A_82] : memref<10240x128xf32, #tpu.memory_space<vmem_shared>> -> memref<80x128xf32, #tpu.memory_space<vmem_shared>>
      tpu.enqueue_dma source(%arg9 : memref<80x128xf32, #tpu.memory_space<vmem>>) target(%dma_start3A_83 : memref<80x128xf32, #tpu.memory_space<vmem_shared>>) target_semaphore(%run_scoped3A : memref<!tpu.dma_semaphore, #tpu.memory_space<semaphore_mem>>)
      %dma_wait3A = arith.constant 0 : i32
      %dma_wait3A_84 = tpu.memref_slice %arg14[%add3A_18, %dma_wait3A] : memref<10240x128xf32, #tpu.memory_space<vmem_shared>> -> memref<80x128xf32, #tpu.memory_space<vmem_shared>>
      %dma_wait3A_85 = arith.constant 0 : i32
      %dma_wait3A_86 = tpu.memref_slice %arg14[%add3A_18, %dma_wait3A_85] : memref<10240x128xf32, #tpu.memory_space<vmem_shared>> -> memref<80x128xf32, #tpu.memory_space<vmem_shared>>
      tpu.wait_dma2 semaphore(%run_scoped3A : memref<!tpu.dma_semaphore, #tpu.memory_space<semaphore_mem>>) src(%arg9 : memref<80x128xf32, #tpu.memory_space<vmem>>) dst(%dma_wait3A_86 : memref<80x128xf32, #tpu.memory_space<vmem_shared>>)
      tpu.yield
    }) : () -> ()
    %barrier3A = arith.constant 0 : index
    tpu.barrier barrier_id(%barrier3A)
    %scan3A = arith.constant 0 : i32
    %scan3A_19 = arith.constant 0 : i32
    %scan3A_20 = arith.constant 5 : i32
    %scan3A_21 = arith.addi %scan3A_19, %scan3A_20 : i32
    %scan3A_22 = arith.constant 1 : i32
    scf.for %scan3A_81 = %scan3A_19 to %scan3A_21 step %scan3A_22  : i32 {
      %mul3A_82 = arith.constant 5 : i32
      %mul3A_83 = arith.muli %add3A, %mul3A_82 : i32
      %add3A_84 = arith.addi %mul3A_83, %scan3A_81 : i32
      "tpu.region"() ({
        %run_scoped3A = tpu.sem_alloc : memref<!tpu.dma_semaphore, #tpu.memory_space<semaphore_mem>>
        %dma_start3A_114 = arith.constant 0 : i32
        %dma_start3A_115 = arith.constant 0 : i32
        %dma_start3A_116 = tpu.memref_slice %arg3[%add3A_84, %dma_start3A_114, %dma_start3A_115] : memref<160x40x50xi32, #tpu.memory_space<hbm>> -> memref<1x40x50xi32, #tpu.memory_space<hbm>>
        %dma_start3A_117 = tpu.memref_squeeze %dma_start3A_116 : memref<1x40x50xi32, #tpu.memory_space<hbm>> -> memref<40x50xi32, #tpu.memory_space<hbm>>
        %dma_start3A_118 = arith.constant 0 : i32
        %dma_start3A_119 = arith.constant 0 : i32
        %dma_start3A_120 = tpu.memref_slice %arg3[%add3A_84, %dma_start3A_118, %dma_start3A_119] : memref<160x40x50xi32, #tpu.memory_space<hbm>> -> memref<1x40x50xi32, #tpu.memory_space<hbm>>
        %dma_start3A_121 = tpu.memref_squeeze %dma_start3A_120 : memref<1x40x50xi32, #tpu.memory_space<hbm>> -> memref<40x50xi32, #tpu.memory_space<hbm>>
        tpu.enqueue_dma source(%dma_start3A_121 : memref<40x50xi32, #tpu.memory_space<hbm>>) target(%arg7 : memref<40x50xi32, #tpu.memory_space<vmem>>) target_semaphore(%run_scoped3A : memref<!tpu.dma_semaphore, #tpu.memory_space<semaphore_mem>>)
        %dma_wait3A = arith.constant 0 : i32
        %dma_wait3A_122 = arith.constant 0 : i32
        %dma_wait3A_123 = tpu.memref_slice %arg3[%add3A_84, %dma_wait3A, %dma_wait3A_122] : memref<160x40x50xi32, #tpu.memory_space<hbm>> -> memref<1x40x50xi32, #tpu.memory_space<hbm>>
        %dma_wait3A_124 = tpu.memref_squeeze %dma_wait3A_123 : memref<1x40x50xi32, #tpu.memory_space<hbm>> -> memref<40x50xi32, #tpu.memory_space<hbm>>
        %dma_wait3A_125 = arith.constant 0 : i32
        %dma_wait3A_126 = arith.constant 0 : i32
        %dma_wait3A_127 = tpu.memref_slice %arg3[%add3A_84, %dma_wait3A_125, %dma_wait3A_126] : memref<160x40x50xi32, #tpu.memory_space<hbm>> -> memref<1x40x50xi32, #tpu.memory_space<hbm>>
        %dma_wait3A_128 = tpu.memref_squeeze %dma_wait3A_127 : memref<1x40x50xi32, #tpu.memory_space<hbm>> -> memref<40x50xi32, #tpu.memory_space<hbm>>
        tpu.wait_dma2 semaphore(%run_scoped3A : memref<!tpu.dma_semaphore, #tpu.memory_space<semaphore_mem>>) src(%dma_wait3A_128 : memref<40x50xi32, #tpu.memory_space<hbm>>) dst(%arg7 : memref<40x50xi32, #tpu.memory_space<vmem>>)
        tpu.yield
      }) : () -> ()
      %mul3A_85 = arith.constant 5 : i32
      %mul3A_86 = arith.muli %add3A, %mul3A_85 : i32
      %add3A_87 = arith.addi %mul3A_86, %scan3A_81 : i32
      "tpu.region"() ({
        %run_scoped3A = tpu.sem_alloc : memref<!tpu.dma_semaphore, #tpu.memory_space<semaphore_mem>>
        %dma_start3A_114 = arith.constant 0 : i32
        %dma_start3A_115 = arith.constant 0 : i32
        %dma_start3A_116 = tpu.memref_slice %arg4[%add3A_87, %dma_start3A_114, %dma_start3A_115] : memref<160x40x50xi32, #tpu.memory_space<hbm>> -> memref<1x40x50xi32, #tpu.memory_space<hbm>>
        %dma_start3A_117 = tpu.memref_squeeze %dma_start3A_116 : memref<1x40x50xi32, #tpu.memory_space<hbm>> -> memref<40x50xi32, #tpu.memory_space<hbm>>
        %dma_start3A_118 = arith.constant 0 : i32
        %dma_start3A_119 = arith.constant 0 : i32
        %dma_start3A_120 = tpu.memref_slice %arg4[%add3A_87, %dma_start3A_118, %dma_start3A_119] : memref<160x40x50xi32, #tpu.memory_space<hbm>> -> memref<1x40x50xi32, #tpu.memory_space<hbm>>
        %dma_start3A_121 = tpu.memref_squeeze %dma_start3A_120 : memref<1x40x50xi32, #tpu.memory_space<hbm>> -> memref<40x50xi32, #tpu.memory_space<hbm>>
        tpu.enqueue_dma source(%dma_start3A_121 : memref<40x50xi32, #tpu.memory_space<hbm>>) target(%arg8 : memref<40x50xi32, #tpu.memory_space<vmem>>) target_semaphore(%run_scoped3A : memref<!tpu.dma_semaphore, #tpu.memory_space<semaphore_mem>>)
        %dma_wait3A = arith.constant 0 : i32
        %dma_wait3A_122 = arith.constant 0 : i32
        %dma_wait3A_123 = tpu.memref_slice %arg4[%add3A_87, %dma_wait3A, %dma_wait3A_122] : memref<160x40x50xi32, #tpu.memory_space<hbm>> -> memref<1x40x50xi32, #tpu.memory_space<hbm>>
        %dma_wait3A_124 = tpu.memref_squeeze %dma_wait3A_123 : memref<1x40x50xi32, #tpu.memory_space<hbm>> -> memref<40x50xi32, #tpu.memory_space<hbm>>
        %dma_wait3A_125 = arith.constant 0 : i32
        %dma_wait3A_126 = arith.constant 0 : i32
        %dma_wait3A_127 = tpu.memref_slice %arg4[%add3A_87, %dma_wait3A_125, %dma_wait3A_126] : memref<160x40x50xi32, #tpu.memory_space<hbm>> -> memref<1x40x50xi32, #tpu.memory_space<hbm>>
        %dma_wait3A_128 = tpu.memref_squeeze %dma_wait3A_127 : memref<1x40x50xi32, #tpu.memory_space<hbm>> -> memref<40x50xi32, #tpu.memory_space<hbm>>
        tpu.wait_dma2 semaphore(%run_scoped3A : memref<!tpu.dma_semaphore, #tpu.memory_space<semaphore_mem>>) src(%dma_wait3A_128 : memref<40x50xi32, #tpu.memory_space<hbm>>) dst(%arg8 : memref<40x50xi32, #tpu.memory_space<vmem>>)
        tpu.yield
      }) : () -> ()
      %dma_start3A = arith.constant 0 : i32
      %dma_start3A_88 = arith.constant 0 : i32
      %dma_start3A_89 = tpu.memref_slice %arg7[%dma_start3A, %dma_start3A_88] : memref<40x50xi32, #tpu.memory_space<vmem>> -> memref<1x50xi32, #tpu.memory_space<vmem>>
      %dma_start3A_90 = tpu.memref_squeeze %dma_start3A_89 : memref<1x50xi32, #tpu.memory_space<vmem>> -> memref<50xi32, #tpu.memory_space<vmem>>
      %dma_start3A_91 = arith.constant 0 : i32
      %dma_start3A_92 = arith.constant 0 : i32
      %dma_start3A_93 = tpu.memref_slice %arg2[%dma_start3A_91, %dma_start3A_92] : memref<10240x128xf32, #tpu.memory_space<hbm>> -> memref<10240x128xf32, #tpu.memory_space<hbm>>
      tpu.enqueue_indirect_dma source(%dma_start3A_93 : memref<10240x128xf32, #tpu.memory_space<hbm>>) target(%arg10 : memref<50x128xf32, #tpu.memory_space<vmem>>) offsets(%dma_start3A_90 : memref<50xi32, #tpu.memory_space<vmem>>) semaphore(%arg15 : memref<!tpu.dma_semaphore, #tpu.memory_space<semaphore_mem>>)
      %dma_start3A_94 = arith.constant 1 : i32
      %dma_start3A_95 = arith.constant 0 : i32
      %dma_start3A_96 = tpu.memref_slice %arg7[%dma_start3A_94, %dma_start3A_95] : memref<40x50xi32, #tpu.memory_space<vmem>> -> memref<1x50xi32, #tpu.memory_space<vmem>>
      %dma_start3A_97 = tpu.memref_squeeze %dma_start3A_96 : memref<1x50xi32, #tpu.memory_space<vmem>> -> memref<50xi32, #tpu.memory_space<vmem>>
      %dma_start3A_98 = arith.constant 0 : i32
      %dma_start3A_99 = arith.constant 0 : i32
      %dma_start3A_100 = tpu.memref_slice %arg2[%dma_start3A_98, %dma_start3A_99] : memref<10240x128xf32, #tpu.memory_space<hbm>> -> memref<10240x128xf32, #tpu.memory_space<hbm>>
      tpu.enqueue_indirect_dma source(%dma_start3A_100 : memref<10240x128xf32, #tpu.memory_space<hbm>>) target(%arg11 : memref<50x128xf32, #tpu.memory_space<vmem>>) offsets(%dma_start3A_97 : memref<50xi32, #tpu.memory_space<vmem>>) semaphore(%arg16 : memref<!tpu.dma_semaphore, #tpu.memory_space<semaphore_mem>>)
      %dma_start3A_101 = arith.constant 2 : i32
      %dma_start3A_102 = arith.constant 0 : i32
      %dma_start3A_103 = tpu.memref_slice %arg7[%dma_start3A_101, %dma_start3A_102] : memref<40x50xi32, #tpu.memory_space<vmem>> -> memref<1x50xi32, #tpu.memory_space<vmem>>
      %dma_start3A_104 = tpu.memref_squeeze %dma_start3A_103 : memref<1x50xi32, #tpu.memory_space<vmem>> -> memref<50xi32, #tpu.memory_space<vmem>>
      %dma_start3A_105 = arith.constant 0 : i32
      %dma_start3A_106 = arith.constant 0 : i32
      %dma_start3A_107 = tpu.memref_slice %arg2[%dma_start3A_105, %dma_start3A_106] : memref<10240x128xf32, #tpu.memory_space<hbm>> -> memref<10240x128xf32, #tpu.memory_space<hbm>>
      tpu.enqueue_indirect_dma source(%dma_start3A_107 : memref<10240x128xf32, #tpu.memory_space<hbm>>) target(%arg12 : memref<50x128xf32, #tpu.memory_space<vmem>>) offsets(%dma_start3A_104 : memref<50xi32, #tpu.memory_space<vmem>>) semaphore(%arg17 : memref<!tpu.dma_semaphore, #tpu.memory_space<semaphore_mem>>)
      %scan3A_108 = arith.constant 0 : i32
      %scan3A_109 = arith.constant 0 : i32
      %scan3A_110 = arith.constant 10 : i32
      %scan3A_111 = arith.addi %scan3A_109, %scan3A_110 : i32
      %scan3A_112 = arith.constant 1 : i32
      scf.for %scan3A_114 = %scan3A_109 to %scan3A_111 step %scan3A_112  : i32 {
        %mul3A_115 = arith.constant 4 : i32
        %mul3A_116 = arith.muli %mul3A_115, %scan3A_114 : i32
        %add3A_117 = arith.constant 0 : i32
        %add3A_118 = arith.addi %mul3A_116, %add3A_117 : i32
        %dma_wait3A = arith.constant 0 : i32
        %dma_wait3A_119 = tpu.memref_slice %arg7[%add3A_118, %dma_wait3A] : memref<40x50xi32, #tpu.memory_space<vmem>> -> memref<1x50xi32, #tpu.memory_space<vmem>>
        %dma_wait3A_120 = tpu.memref_squeeze %dma_wait3A_119 : memref<1x50xi32, #tpu.memory_space<vmem>> -> memref<50xi32, #tpu.memory_space<vmem>>
        %dma_wait3A_121 = arith.constant 0 : i32
        %dma_wait3A_122 = arith.constant 0 : i32
        %dma_wait3A_123 = tpu.memref_slice %arg2[%dma_wait3A_121, %dma_wait3A_122] : memref<10240x128xf32, #tpu.memory_space<hbm>> -> memref<10240x128xf32, #tpu.memory_space<hbm>>
        tpu.wait_indirect_dma semaphore(%arg15 : memref<!tpu.dma_semaphore, #tpu.memory_space<semaphore_mem>>) src(%dma_wait3A_123 : memref<10240x128xf32, #tpu.memory_space<hbm>>) dst(%arg10 : memref<50x128xf32, #tpu.memory_space<vmem>>)
        "tpu.region"() ({
          %run_scoped3A = tpu.sem_alloc : memref<!tpu.dma_semaphore, #tpu.memory_space<semaphore_mem>>
          %dma_start3A_173 = arith.constant 0 : i32
          %dma_start3A_174 = tpu.memref_slice %arg8[%add3A_118, %dma_start3A_173] : memref<40x50xi32, #tpu.memory_space<vmem>> -> memref<1x50xi32, #tpu.memory_space<vmem>>
          %dma_start3A_175 = tpu.memref_squeeze %dma_start3A_174 : memref<1x50xi32, #tpu.memory_space<vmem>> -> memref<50xi32, #tpu.memory_space<vmem>>
          %dma_start3A_176 = arith.constant 0 : i32
          %dma_start3A_177 = arith.constant 0 : i32
          %dma_start3A_178 = tpu.memref_slice %arg14[%dma_start3A_176, %dma_start3A_177] : memref<10240x128xf32, #tpu.memory_space<vmem_shared>> -> memref<10240x128xf32, #tpu.memory_space<vmem_shared>>
          tpu.enqueue_indirect_dma source(%arg10 : memref<50x128xf32, #tpu.memory_space<vmem>>) target(%dma_start3A_178 : memref<10240x128xf32, #tpu.memory_space<vmem_shared>>) offsets(%dma_start3A_175 : memref<50xi32, #tpu.memory_space<vmem>>) semaphore(%run_scoped3A : memref<!tpu.dma_semaphore, #tpu.memory_space<semaphore_mem>>) {add = true}
          %dma_wait3A_179 = arith.constant 0 : i32
          %dma_wait3A_180 = tpu.memref_slice %arg8[%add3A_118, %dma_wait3A_179] : memref<40x50xi32, #tpu.memory_space<vmem>> -> memref<1x50xi32, #tpu.memory_space<vmem>>
          %dma_wait3A_181 = tpu.memref_squeeze %dma_wait3A_180 : memref<1x50xi32, #tpu.memory_space<vmem>> -> memref<50xi32, #tpu.memory_space<vmem>>
          %dma_wait3A_182 = arith.constant 0 : i32
          %dma_wait3A_183 = arith.constant 0 : i32
          %dma_wait3A_184 = tpu.memref_slice %arg14[%dma_wait3A_182, %dma_wait3A_183] : memref<10240x128xf32, #tpu.memory_space<vmem_shared>> -> memref<10240x128xf32, #tpu.memory_space<vmem_shared>>
          tpu.wait_indirect_dma semaphore(%run_scoped3A : memref<!tpu.dma_semaphore, #tpu.memory_space<semaphore_mem>>) src(%arg10 : memref<50x128xf32, #tpu.memory_space<vmem>>) dst(%dma_wait3A_184 : memref<10240x128xf32, #tpu.memory_space<vmem_shared>>)
          tpu.yield
        }) : () -> ()
        %add3A_124 = arith.constant 3 : i32
        %add3A_125 = arith.addi %add3A_118, %add3A_124 : i32
        %lt3A = arith.constant 40 : i32
        %lt3A_126 = arith.cmpi slt, %add3A_125, %lt3A : i32
        %convert_element_type3A = arith.extui %lt3A_126 : i1 to i32
        %cond3A = arith.constant 0 : i32
        %cond3A_127 = arith.cmpi ne, %convert_element_type3A, %cond3A : i32
        scf.if %cond3A_127 {
          %add3A_173 = arith.constant 3 : i32
          %add3A_174 = arith.addi %add3A_118, %add3A_173 : i32
          %dma_start3A_175 = arith.constant 0 : i32
          %dma_start3A_176 = tpu.memref_slice %arg7[%add3A_174, %dma_start3A_175] : memref<40x50xi32, #tpu.memory_space<vmem>> -> memref<1x50xi32, #tpu.memory_space<vmem>>
          %dma_start3A_177 = tpu.memref_squeeze %dma_start3A_176 : memref<1x50xi32, #tpu.memory_space<vmem>> -> memref<50xi32, #tpu.memory_space<vmem>>
          %dma_start3A_178 = arith.constant 0 : i32
          %dma_start3A_179 = arith.constant 0 : i32
          %dma_start3A_180 = tpu.memref_slice %arg2[%dma_start3A_178, %dma_start3A_179] : memref<10240x128xf32, #tpu.memory_space<hbm>> -> memref<10240x128xf32, #tpu.memory_space<hbm>>
          tpu.enqueue_indirect_dma source(%dma_start3A_180 : memref<10240x128xf32, #tpu.memory_space<hbm>>) target(%arg13 : memref<50x128xf32, #tpu.memory_space<vmem>>) offsets(%dma_start3A_177 : memref<50xi32, #tpu.memory_space<vmem>>) semaphore(%arg18 : memref<!tpu.dma_semaphore, #tpu.memory_space<semaphore_mem>>)
        } else {
        }
        %add3A_128 = arith.constant 1 : i32
        %add3A_129 = arith.addi %mul3A_116, %add3A_128 : i32
        %dma_wait3A_130 = arith.constant 0 : i32
        %dma_wait3A_131 = tpu.memref_slice %arg7[%add3A_129, %dma_wait3A_130] : memref<40x50xi32, #tpu.memory_space<vmem>> -> memref<1x50xi32, #tpu.memory_space<vmem>>
        %dma_wait3A_132 = tpu.memref_squeeze %dma_wait3A_131 : memref<1x50xi32, #tpu.memory_space<vmem>> -> memref<50xi32, #tpu.memory_space<vmem>>
        %dma_wait3A_133 = arith.constant 0 : i32
        %dma_wait3A_134 = arith.constant 0 : i32
        %dma_wait3A_135 = tpu.memref_slice %arg2[%dma_wait3A_133, %dma_wait3A_134] : memref<10240x128xf32, #tpu.memory_space<hbm>> -> memref<10240x128xf32, #tpu.memory_space<hbm>>
        tpu.wait_indirect_dma semaphore(%arg16 : memref<!tpu.dma_semaphore, #tpu.memory_space<semaphore_mem>>) src(%dma_wait3A_135 : memref<10240x128xf32, #tpu.memory_space<hbm>>) dst(%arg11 : memref<50x128xf32, #tpu.memory_space<vmem>>)
        "tpu.region"() ({
          %run_scoped3A = tpu.sem_alloc : memref<!tpu.dma_semaphore, #tpu.memory_space<semaphore_mem>>
          %dma_start3A_173 = arith.constant 0 : i32
          %dma_start3A_174 = tpu.memref_slice %arg8[%add3A_129, %dma_start3A_173] : memref<40x50xi32, #tpu.memory_space<vmem>> -> memref<1x50xi32, #tpu.memory_space<vmem>>
          %dma_start3A_175 = tpu.memref_squeeze %dma_start3A_174 : memref<1x50xi32, #tpu.memory_space<vmem>> -> memref<50xi32, #tpu.memory_space<vmem>>
          %dma_start3A_176 = arith.constant 0 : i32
          %dma_start3A_177 = arith.constant 0 : i32
          %dma_start3A_178 = tpu.memref_slice %arg14[%dma_start3A_176, %dma_start3A_177] : memref<10240x128xf32, #tpu.memory_space<vmem_shared>> -> memref<10240x128xf32, #tpu.memory_space<vmem_shared>>
          tpu.enqueue_indirect_dma source(%arg11 : memref<50x128xf32, #tpu.memory_space<vmem>>) target(%dma_start3A_178 : memref<10240x128xf32, #tpu.memory_space<vmem_shared>>) offsets(%dma_start3A_175 : memref<50xi32, #tpu.memory_space<vmem>>) semaphore(%run_scoped3A : memref<!tpu.dma_semaphore, #tpu.memory_space<semaphore_mem>>) {add = true}
          %dma_wait3A_179 = arith.constant 0 : i32
          %dma_wait3A_180 = tpu.memref_slice %arg8[%add3A_129, %dma_wait3A_179] : memref<40x50xi32, #tpu.memory_space<vmem>> -> memref<1x50xi32, #tpu.memory_space<vmem>>
          %dma_wait3A_181 = tpu.memref_squeeze %dma_wait3A_180 : memref<1x50xi32, #tpu.memory_space<vmem>> -> memref<50xi32, #tpu.memory_space<vmem>>
          %dma_wait3A_182 = arith.constant 0 : i32
          %dma_wait3A_183 = arith.constant 0 : i32
          %dma_wait3A_184 = tpu.memref_slice %arg14[%dma_wait3A_182, %dma_wait3A_183] : memref<10240x128xf32, #tpu.memory_space<vmem_shared>> -> memref<10240x128xf32, #tpu.memory_space<vmem_shared>>
          tpu.wait_indirect_dma semaphore(%run_scoped3A : memref<!tpu.dma_semaphore, #tpu.memory_space<semaphore_mem>>) src(%arg11 : memref<50x128xf32, #tpu.memory_space<vmem>>) dst(%dma_wait3A_184 : memref<10240x128xf32, #tpu.memory_space<vmem_shared>>)
          tpu.yield
        }) : () -> ()
        %add3A_136 = arith.constant 3 : i32
        %add3A_137 = arith.addi %add3A_129, %add3A_136 : i32
        %lt3A_138 = arith.constant 40 : i32
        %lt3A_139 = arith.cmpi slt, %add3A_137, %lt3A_138 : i32
        %convert_element_type3A_140 = arith.extui %lt3A_139 : i1 to i32
        %cond3A_141 = arith.constant 0 : i32
        %cond3A_142 = arith.cmpi ne, %convert_element_type3A_140, %cond3A_141 : i32
        scf.if %cond3A_142 {
          %add3A_173 = arith.constant 3 : i32
          %add3A_174 = arith.addi %add3A_129, %add3A_173 : i32
          %dma_start3A_175 = arith.constant 0 : i32
          %dma_start3A_176 = tpu.memref_slice %arg7[%add3A_174, %dma_start3A_175] : memref<40x50xi32, #tpu.memory_space<vmem>> -> memref<1x50xi32, #tpu.memory_space<vmem>>
          %dma_start3A_177 = tpu.memref_squeeze %dma_start3A_176 : memref<1x50xi32, #tpu.memory_space<vmem>> -> memref<50xi32, #tpu.memory_space<vmem>>
          %dma_start3A_178 = arith.constant 0 : i32
          %dma_start3A_179 = arith.constant 0 : i32
          %dma_start3A_180 = tpu.memref_slice %arg2[%dma_start3A_178, %dma_start3A_179] : memref<10240x128xf32, #tpu.memory_space<hbm>> -> memref<10240x128xf32, #tpu.memory_space<hbm>>
          tpu.enqueue_indirect_dma source(%dma_start3A_180 : memref<10240x128xf32, #tpu.memory_space<hbm>>) target(%arg10 : memref<50x128xf32, #tpu.memory_space<vmem>>) offsets(%dma_start3A_177 : memref<50xi32, #tpu.memory_space<vmem>>) semaphore(%arg15 : memref<!tpu.dma_semaphore, #tpu.memory_space<semaphore_mem>>)
        } else {
        }
        %add3A_143 = arith.constant 2 : i32
        %add3A_144 = arith.addi %mul3A_116, %add3A_143 : i32
        %dma_wait3A_145 = arith.constant 0 : i32
        %dma_wait3A_146 = tpu.memref_slice %arg7[%add3A_144, %dma_wait3A_145] : memref<40x50xi32, #tpu.memory_space<vmem>> -> memref<1x50xi32, #tpu.memory_space<vmem>>
        %dma_wait3A_147 = tpu.memref_squeeze %dma_wait3A_146 : memref<1x50xi32, #tpu.memory_space<vmem>> -> memref<50xi32, #tpu.memory_space<vmem>>
        %dma_wait3A_148 = arith.constant 0 : i32
        %dma_wait3A_149 = arith.constant 0 : i32
        %dma_wait3A_150 = tpu.memref_slice %arg2[%dma_wait3A_148, %dma_wait3A_149] : memref<10240x128xf32, #tpu.memory_space<hbm>> -> memref<10240x128xf32, #tpu.memory_space<hbm>>
        tpu.wait_indirect_dma semaphore(%arg17 : memref<!tpu.dma_semaphore, #tpu.memory_space<semaphore_mem>>) src(%dma_wait3A_150 : memref<10240x128xf32, #tpu.memory_space<hbm>>) dst(%arg12 : memref<50x128xf32, #tpu.memory_space<vmem>>)
        "tpu.region"() ({
          %run_scoped3A = tpu.sem_alloc : memref<!tpu.dma_semaphore, #tpu.memory_space<semaphore_mem>>
          %dma_start3A_173 = arith.constant 0 : i32
          %dma_start3A_174 = tpu.memref_slice %arg8[%add3A_144, %dma_start3A_173] : memref<40x50xi32, #tpu.memory_space<vmem>> -> memref<1x50xi32, #tpu.memory_space<vmem>>
          %dma_start3A_175 = tpu.memref_squeeze %dma_start3A_174 : memref<1x50xi32, #tpu.memory_space<vmem>> -> memref<50xi32, #tpu.memory_space<vmem>>
          %dma_start3A_176 = arith.constant 0 : i32
          %dma_start3A_177 = arith.constant 0 : i32
          %dma_start3A_178 = tpu.memref_slice %arg14[%dma_start3A_176, %dma_start3A_177] : memref<10240x128xf32, #tpu.memory_space<vmem_shared>> -> memref<10240x128xf32, #tpu.memory_space<vmem_shared>>
          tpu.enqueue_indirect_dma source(%arg12 : memref<50x128xf32, #tpu.memory_space<vmem>>) target(%dma_start3A_178 : memref<10240x128xf32, #tpu.memory_space<vmem_shared>>) offsets(%dma_start3A_175 : memref<50xi32, #tpu.memory_space<vmem>>) semaphore(%run_scoped3A : memref<!tpu.dma_semaphore, #tpu.memory_space<semaphore_mem>>) {add = true}
          %dma_wait3A_179 = arith.constant 0 : i32
          %dma_wait3A_180 = tpu.memref_slice %arg8[%add3A_144, %dma_wait3A_179] : memref<40x50xi32, #tpu.memory_space<vmem>> -> memref<1x50xi32, #tpu.memory_space<vmem>>
          %dma_wait3A_181 = tpu.memref_squeeze %dma_wait3A_180 : memref<1x50xi32, #tpu.memory_space<vmem>> -> memref<50xi32, #tpu.memory_space<vmem>>
          %dma_wait3A_182 = arith.constant 0 : i32
          %dma_wait3A_183 = arith.constant 0 : i32
          %dma_wait3A_184 = tpu.memref_slice %arg14[%dma_wait3A_182, %dma_wait3A_183] : memref<10240x128xf32, #tpu.memory_space<vmem_shared>> -> memref<10240x128xf32, #tpu.memory_space<vmem_shared>>
          tpu.wait_indirect_dma semaphore(%run_scoped3A : memref<!tpu.dma_semaphore, #tpu.memory_space<semaphore_mem>>) src(%arg12 : memref<50x128xf32, #tpu.memory_space<vmem>>) dst(%dma_wait3A_184 : memref<10240x128xf32, #tpu.memory_space<vmem_shared>>)
          tpu.yield
        }) : () -> ()
        %add3A_151 = arith.constant 3 : i32
        %add3A_152 = arith.addi %add3A_144, %add3A_151 : i32
        %lt3A_153 = arith.constant 40 : i32
        %lt3A_154 = arith.cmpi slt, %add3A_152, %lt3A_153 : i32
        %convert_element_type3A_155 = arith.extui %lt3A_154 : i1 to i32
        %cond3A_156 = arith.constant 0 : i32
        %cond3A_157 = arith.cmpi ne, %convert_element_type3A_155, %cond3A_156 : i32
        scf.if %cond3A_157 {
          %add3A_173 = arith.constant 3 : i32
          %add3A_174 = arith.addi %add3A_144, %add3A_173 : i32
          %dma_start3A_175 = arith.constant 0 : i32
          %dma_start3A_176 = tpu.memref_slice %arg7[%add3A_174, %dma_start3A_175] : memref<40x50xi32, #tpu.memory_space<vmem>> -> memref<1x50xi32, #tpu.memory_space<vmem>>
          %dma_start3A_177 = tpu.memref_squeeze %dma_start3A_176 : memref<1x50xi32, #tpu.memory_space<vmem>> -> memref<50xi32, #tpu.memory_space<vmem>>
          %dma_start3A_178 = arith.constant 0 : i32
          %dma_start3A_179 = arith.constant 0 : i32
          %dma_start3A_180 = tpu.memref_slice %arg2[%dma_start3A_178, %dma_start3A_179] : memref<10240x128xf32, #tpu.memory_space<hbm>> -> memref<10240x128xf32, #tpu.memory_space<hbm>>
          tpu.enqueue_indirect_dma source(%dma_start3A_180 : memref<10240x128xf32, #tpu.memory_space<hbm>>) target(%arg11 : memref<50x128xf32, #tpu.memory_space<vmem>>) offsets(%dma_start3A_177 : memref<50xi32, #tpu.memory_space<vmem>>) semaphore(%arg16 : memref<!tpu.dma_semaphore, #tpu.memory_space<semaphore_mem>>)
        } else {
        }
        %add3A_158 = arith.constant 3 : i32
        %add3A_159 = arith.addi %mul3A_116, %add3A_158 : i32
        %dma_wait3A_160 = arith.constant 0 : i32
        %dma_wait3A_161 = tpu.memref_slice %arg7[%add3A_159, %dma_wait3A_160] : memref<40x50xi32, #tpu.memory_space<vmem>> -> memref<1x50xi32, #tpu.memory_space<vmem>>
        %dma_wait3A_162 = tpu.memref_squeeze %dma_wait3A_161 : memref<1x50xi32, #tpu.memory_space<vmem>> -> memref<50xi32, #tpu.memory_space<vmem>>
        %dma_wait3A_163 = arith.constant 0 : i32
        %dma_wait3A_164 = arith.constant 0 : i32
        %dma_wait3A_165 = tpu.memref_slice %arg2[%dma_wait3A_163, %dma_wait3A_164] : memref<10240x128xf32, #tpu.memory_space<hbm>> -> memref<10240x128xf32, #tpu.memory_space<hbm>>
        tpu.wait_indirect_dma semaphore(%arg18 : memref<!tpu.dma_semaphore, #tpu.memory_space<semaphore_mem>>) src(%dma_wait3A_165 : memref<10240x128xf32, #tpu.memory_space<hbm>>) dst(%arg13 : memref<50x128xf32, #tpu.memory_space<vmem>>)
        "tpu.region"() ({
          %run_scoped3A = tpu.sem_alloc : memref<!tpu.dma_semaphore, #tpu.memory_space<semaphore_mem>>
          %dma_start3A_173 = arith.constant 0 : i32
          %dma_start3A_174 = tpu.memref_slice %arg8[%add3A_159, %dma_start3A_173] : memref<40x50xi32, #tpu.memory_space<vmem>> -> memref<1x50xi32, #tpu.memory_space<vmem>>
          %dma_start3A_175 = tpu.memref_squeeze %dma_start3A_174 : memref<1x50xi32, #tpu.memory_space<vmem>> -> memref<50xi32, #tpu.memory_space<vmem>>
          %dma_start3A_176 = arith.constant 0 : i32
          %dma_start3A_177 = arith.constant 0 : i32
          %dma_start3A_178 = tpu.memref_slice %arg14[%dma_start3A_176, %dma_start3A_177] : memref<10240x128xf32, #tpu.memory_space<vmem_shared>> -> memref<10240x128xf32, #tpu.memory_space<vmem_shared>>
          tpu.enqueue_indirect_dma source(%arg13 : memref<50x128xf32, #tpu.memory_space<vmem>>) target(%dma_start3A_178 : memref<10240x128xf32, #tpu.memory_space<vmem_shared>>) offsets(%dma_start3A_175 : memref<50xi32, #tpu.memory_space<vmem>>) semaphore(%run_scoped3A : memref<!tpu.dma_semaphore, #tpu.memory_space<semaphore_mem>>) {add = true}
          %dma_wait3A_179 = arith.constant 0 : i32
          %dma_wait3A_180 = tpu.memref_slice %arg8[%add3A_159, %dma_wait3A_179] : memref<40x50xi32, #tpu.memory_space<vmem>> -> memref<1x50xi32, #tpu.memory_space<vmem>>
          %dma_wait3A_181 = tpu.memref_squeeze %dma_wait3A_180 : memref<1x50xi32, #tpu.memory_space<vmem>> -> memref<50xi32, #tpu.memory_space<vmem>>
          %dma_wait3A_182 = arith.constant 0 : i32
          %dma_wait3A_183 = arith.constant 0 : i32
          %dma_wait3A_184 = tpu.memref_slice %arg14[%dma_wait3A_182, %dma_wait3A_183] : memref<10240x128xf32, #tpu.memory_space<vmem_shared>> -> memref<10240x128xf32, #tpu.memory_space<vmem_shared>>
          tpu.wait_indirect_dma semaphore(%run_scoped3A : memref<!tpu.dma_semaphore, #tpu.memory_space<semaphore_mem>>) src(%arg13 : memref<50x128xf32, #tpu.memory_space<vmem>>) dst(%dma_wait3A_184 : memref<10240x128xf32, #tpu.memory_space<vmem_shared>>)
          tpu.yield
        }) : () -> ()
        %add3A_166 = arith.constant 3 : i32
        %add3A_167 = arith.addi %add3A_159, %add3A_166 : i32
        %lt3A_168 = arith.constant 40 : i32
        %lt3A_169 = arith.cmpi slt, %add3A_167, %lt3A_168 : i32
        %convert_element_type3A_170 = arith.extui %lt3A_169 : i1 to i32
        %cond3A_171 = arith.constant 0 : i32
        %cond3A_172 = arith.cmpi ne, %convert_element_type3A_170, %cond3A_171 : i32
        scf.if %cond3A_172 {
          %add3A_173 = arith.constant 3 : i32
          %add3A_174 = arith.addi %add3A_159, %add3A_173 : i32
          %dma_start3A_175 = arith.constant 0 : i32
          %dma_start3A_176 = tpu.memref_slice %arg7[%add3A_174, %dma_start3A_175] : memref<40x50xi32, #tpu.memory_space<vmem>> -> memref<1x50xi32, #tpu.memory_space<vmem>>
          %dma_start3A_177 = tpu.memref_squeeze %dma_start3A_176 : memref<1x50xi32, #tpu.memory_space<vmem>> -> memref<50xi32, #tpu.memory_space<vmem>>
          %dma_start3A_178 = arith.constant 0 : i32
          %dma_start3A_179 = arith.constant 0 : i32
          %dma_start3A_180 = tpu.memref_slice %arg2[%dma_start3A_178, %dma_start3A_179] : memref<10240x128xf32, #tpu.memory_space<hbm>> -> memref<10240x128xf32, #tpu.memory_space<hbm>>
          tpu.enqueue_indirect_dma source(%dma_start3A_180 : memref<10240x128xf32, #tpu.memory_space<hbm>>) target(%arg12 : memref<50x128xf32, #tpu.memory_space<vmem>>) offsets(%dma_start3A_177 : memref<50xi32, #tpu.memory_space<vmem>>) semaphore(%arg17 : memref<!tpu.dma_semaphore, #tpu.memory_space<semaphore_mem>>)
        } else {
        }
      }
      %scan3A_113 = arith.constant 10 : i32
    }
    %scan3A_23 = arith.constant 5 : i32
    %barrier3A_24 = arith.constant 0 : index
    tpu.barrier barrier_id(%barrier3A_24)
    %add3A_25 = arith.constant 0 : i32
    %add3A_26 = arith.addi %mul3A_2, %add3A_25 : i32
    "tpu.region"() ({
      %run_scoped3A = tpu.sem_alloc : memref<!tpu.dma_semaphore, #tpu.memory_space<semaphore_mem>>
      %dma_start3A = arith.constant 0 : i32
      %dma_start3A_81 = tpu.memref_slice %arg14[%add3A_26, %dma_start3A] : memref<10240x128xf32, #tpu.memory_space<vmem_shared>> -> memref<80x128xf32, #tpu.memory_space<vmem_shared>>
      %dma_start3A_82 = arith.constant 0 : i32
      %dma_start3A_83 = tpu.memref_slice %arg14[%add3A_26, %dma_start3A_82] : memref<10240x128xf32, #tpu.memory_space<vmem_shared>> -> memref<80x128xf32, #tpu.memory_space<vmem_shared>>
      tpu.enqueue_dma source(%dma_start3A_83 : memref<80x128xf32, #tpu.memory_space<vmem_shared>>) target(%arg9 : memref<80x128xf32, #tpu.memory_space<vmem>>) target_semaphore(%run_scoped3A : memref<!tpu.dma_semaphore, #tpu.memory_space<semaphore_mem>>)
      %dma_wait3A = arith.constant 0 : i32
      %dma_wait3A_84 = tpu.memref_slice %arg14[%add3A_26, %dma_wait3A] : memref<10240x128xf32, #tpu.memory_space<vmem_shared>> -> memref<80x128xf32, #tpu.memory_space<vmem_shared>>
      %dma_wait3A_85 = arith.constant 0 : i32
      %dma_wait3A_86 = tpu.memref_slice %arg14[%add3A_26, %dma_wait3A_85] : memref<10240x128xf32, #tpu.memory_space<vmem_shared>> -> memref<80x128xf32, #tpu.memory_space<vmem_shared>>
      tpu.wait_dma2 semaphore(%run_scoped3A : memref<!tpu.dma_semaphore, #tpu.memory_space<semaphore_mem>>) src(%dma_wait3A_86 : memref<80x128xf32, #tpu.memory_space<vmem_shared>>) dst(%arg9 : memref<80x128xf32, #tpu.memory_space<vmem>>)
      tpu.yield
    }) : () -> ()
    %mul3A_27 = arith.constant 10240 : i32
    %mul3A_28 = arith.muli %arg0, %mul3A_27 : i32
    %add3A_29 = arith.addi %mul3A_28, %mul3A_2 : i32
    %add3A_30 = arith.constant 0 : i32
    %add3A_31 = arith.addi %add3A_29, %add3A_30 : i32
    "tpu.region"() ({
      %run_scoped3A = tpu.sem_alloc : memref<!tpu.dma_semaphore, #tpu.memory_space<semaphore_mem>>
      %dma_start3A = arith.constant 0 : i32
      %dma_start3A_81 = tpu.memref_slice %arg6[%add3A_31, %dma_start3A] : memref<20480x128xf32, #tpu.memory_space<hbm>> -> memref<80x128xf32, #tpu.memory_space<hbm>>
      %dma_start3A_82 = arith.constant 0 : i32
      %dma_start3A_83 = tpu.memref_slice %arg6[%add3A_31, %dma_start3A_82] : memref<20480x128xf32, #tpu.memory_space<hbm>> -> memref<80x128xf32, #tpu.memory_space<hbm>>
      tpu.enqueue_dma source(%arg9 : memref<80x128xf32, #tpu.memory_space<vmem>>) target(%dma_start3A_83 : memref<80x128xf32, #tpu.memory_space<hbm>>) target_semaphore(%run_scoped3A : memref<!tpu.dma_semaphore, #tpu.memory_space<semaphore_mem>>)
      %dma_wait3A = arith.constant 0 : i32
      %dma_wait3A_84 = tpu.memref_slice %arg6[%add3A_31, %dma_wait3A] : memref<20480x128xf32, #tpu.memory_space<hbm>> -> memref<80x128xf32, #tpu.memory_space<hbm>>
      %dma_wait3A_85 = arith.constant 0 : i32
      %dma_wait3A_86 = tpu.memref_slice %arg6[%add3A_31, %dma_wait3A_85] : memref<20480x128xf32, #tpu.memory_space<hbm>> -> memref<80x128xf32, #tpu.memory_space<hbm>>
      tpu.wait_dma2 semaphore(%run_scoped3A : memref<!tpu.dma_semaphore, #tpu.memory_space<semaphore_mem>>) src(%arg9 : memref<80x128xf32, #tpu.memory_space<vmem>>) dst(%dma_wait3A_86 : memref<80x128xf32, #tpu.memory_space<hbm>>)
      tpu.yield
    }) : () -> ()
    %add3A_32 = arith.constant 80 : i32
    %add3A_33 = arith.addi %mul3A_2, %add3A_32 : i32
    "tpu.region"() ({
      %run_scoped3A = tpu.sem_alloc : memref<!tpu.dma_semaphore, #tpu.memory_space<semaphore_mem>>
      %dma_start3A = arith.constant 0 : i32
      %dma_start3A_81 = tpu.memref_slice %arg14[%add3A_33, %dma_start3A] : memref<10240x128xf32, #tpu.memory_space<vmem_shared>> -> memref<80x128xf32, #tpu.memory_space<vmem_shared>>
      %dma_start3A_82 = arith.constant 0 : i32
      %dma_start3A_83 = tpu.memref_slice %arg14[%add3A_33, %dma_start3A_82] : memref<10240x128xf32, #tpu.memory_space<vmem_shared>> -> memref<80x128xf32, #tpu.memory_space<vmem_shared>>
      tpu.enqueue_dma source(%dma_start3A_83 : memref<80x128xf32, #tpu.memory_space<vmem_shared>>) target(%arg9 : memref<80x128xf32, #tpu.memory_space<vmem>>) target_semaphore(%run_scoped3A : memref<!tpu.dma_semaphore, #tpu.memory_space<semaphore_mem>>)
      %dma_wait3A = arith.constant 0 : i32
      %dma_wait3A_84 = tpu.memref_slice %arg14[%add3A_33, %dma_wait3A] : memref<10240x128xf32, #tpu.memory_space<vmem_shared>> -> memref<80x128xf32, #tpu.memory_space<vmem_shared>>
      %dma_wait3A_85 = arith.constant 0 : i32
      %dma_wait3A_86 = tpu.memref_slice %arg14[%add3A_33, %dma_wait3A_85] : memref<10240x128xf32, #tpu.memory_space<vmem_shared>> -> memref<80x128xf32, #tpu.memory_space<vmem_shared>>
      tpu.wait_dma2 semaphore(%run_scoped3A : memref<!tpu.dma_semaphore, #tpu.memory_space<semaphore_mem>>) src(%dma_wait3A_86 : memref<80x128xf32, #tpu.memory_space<vmem_shared>>) dst(%arg9 : memref<80x128xf32, #tpu.memory_space<vmem>>)
      tpu.yield
    }) : () -> ()
    %mul3A_34 = arith.constant 10240 : i32
    %mul3A_35 = arith.muli %arg0, %mul3A_34 : i32
    %add3A_36 = arith.addi %mul3A_35, %mul3A_2 : i32
    %add3A_37 = arith.constant 80 : i32
    %add3A_38 = arith.addi %add3A_36, %add3A_37 : i32
    "tpu.region"() ({
      %run_scoped3A = tpu.sem_alloc : memref<!tpu.dma_semaphore, #tpu.memory_space<semaphore_mem>>
      %dma_start3A = arith.constant 0 : i32
      %dma_start3A_81 = tpu.memref_slice %arg6[%add3A_38, %dma_start3A] : memref<20480x128xf32, #tpu.memory_space<hbm>> -> memref<80x128xf32, #tpu.memory_space<hbm>>
      %dma_start3A_82 = arith.constant 0 : i32
      %dma_start3A_83 = tpu.memref_slice %arg6[%add3A_38, %dma_start3A_82] : memref<20480x128xf32, #tpu.memory_space<hbm>> -> memref<80x128xf32, #tpu.memory_space<hbm>>
      tpu.enqueue_dma source(%arg9 : memref<80x128xf32, #tpu.memory_space<vmem>>) target(%dma_start3A_83 : memref<80x128xf32, #tpu.memory_space<hbm>>) target_semaphore(%run_scoped3A : memref<!tpu.dma_semaphore, #tpu.memory_space<semaphore_mem>>)
      %dma_wait3A = arith.constant 0 : i32
      %dma_wait3A_84 = tpu.memref_slice %arg6[%add3A_38, %dma_wait3A] : memref<20480x128xf32, #tpu.memory_space<hbm>> -> memref<80x128xf32, #tpu.memory_space<hbm>>
      %dma_wait3A_85 = arith.constant 0 : i32
      %dma_wait3A_86 = tpu.memref_slice %arg6[%add3A_38, %dma_wait3A_85] : memref<20480x128xf32, #tpu.memory_space<hbm>> -> memref<80x128xf32, #tpu.memory_space<hbm>>
      tpu.wait_dma2 semaphore(%run_scoped3A : memref<!tpu.dma_semaphore, #tpu.memory_space<semaphore_mem>>) src(%arg9 : memref<80x128xf32, #tpu.memory_space<vmem>>) dst(%dma_wait3A_86 : memref<80x128xf32, #tpu.memory_space<hbm>>)
      tpu.yield
    }) : () -> ()
    %add3A_39 = arith.constant 160 : i32
    %add3A_40 = arith.addi %mul3A_2, %add3A_39 : i32
    "tpu.region"() ({
      %run_scoped3A = tpu.sem_alloc : memref<!tpu.dma_semaphore, #tpu.memory_space<semaphore_mem>>
      %dma_start3A = arith.constant 0 : i32
      %dma_start3A_81 = tpu.memref_slice %arg14[%add3A_40, %dma_start3A] : memref<10240x128xf32, #tpu.memory_space<vmem_shared>> -> memref<80x128xf32, #tpu.memory_space<vmem_shared>>
      %dma_start3A_82 = arith.constant 0 : i32
      %dma_start3A_83 = tpu.memref_slice %arg14[%add3A_40, %dma_start3A_82] : memref<10240x128xf32, #tpu.memory_space<vmem_shared>> -> memref<80x128xf32, #tpu.memory_space<vmem_shared>>
      tpu.enqueue_dma source(%dma_start3A_83 : memref<80x128xf32, #tpu.memory_space<vmem_shared>>) target(%arg9 : memref<80x128xf32, #tpu.memory_space<vmem>>) target_semaphore(%run_scoped3A : memref<!tpu.dma_semaphore, #tpu.memory_space<semaphore_mem>>)
      %dma_wait3A = arith.constant 0 : i32
      %dma_wait3A_84 = tpu.memref_slice %arg14[%add3A_40, %dma_wait3A] : memref<10240x128xf32, #tpu.memory_space<vmem_shared>> -> memref<80x128xf32, #tpu.memory_space<vmem_shared>>
      %dma_wait3A_85 = arith.constant 0 : i32
      %dma_wait3A_86 = tpu.memref_slice %arg14[%add3A_40, %dma_wait3A_85] : memref<10240x128xf32, #tpu.memory_space<vmem_shared>> -> memref<80x128xf32, #tpu.memory_space<vmem_shared>>
      tpu.wait_dma2 semaphore(%run_scoped3A : memref<!tpu.dma_semaphore, #tpu.memory_space<semaphore_mem>>) src(%dma_wait3A_86 : memref<80x128xf32, #tpu.memory_space<vmem_shared>>) dst(%arg9 : memref<80x128xf32, #tpu.memory_space<vmem>>)
      tpu.yield
    }) : () -> ()
    %mul3A_41 = arith.constant 10240 : i32
    %mul3A_42 = arith.muli %arg0, %mul3A_41 : i32
    %add3A_43 = arith.addi %mul3A_42, %mul3A_2 : i32
    %add3A_44 = arith.constant 160 : i32
    %add3A_45 = arith.addi %add3A_43, %add3A_44 : i32
    "tpu.region"() ({
      %run_scoped3A = tpu.sem_alloc : memref<!tpu.dma_semaphore, #tpu.memory_space<semaphore_mem>>
      %dma_start3A = arith.constant 0 : i32
      %dma_start3A_81 = tpu.memref_slice %arg6[%add3A_45, %dma_start3A] : memref<20480x128xf32, #tpu.memory_space<hbm>> -> memref<80x128xf32, #tpu.memory_space<hbm>>
      %dma_start3A_82 = arith.constant 0 : i32
      %dma_start3A_83 = tpu.memref_slice %arg6[%add3A_45, %dma_start3A_82] : memref<20480x128xf32, #tpu.memory_space<hbm>> -> memref<80x128xf32, #tpu.memory_space<hbm>>
      tpu.enqueue_dma source(%arg9 : memref<80x128xf32, #tpu.memory_space<vmem>>) target(%dma_start3A_83 : memref<80x128xf32, #tpu.memory_space<hbm>>) target_semaphore(%run_scoped3A : memref<!tpu.dma_semaphore, #tpu.memory_space<semaphore_mem>>)
      %dma_wait3A = arith.constant 0 : i32
      %dma_wait3A_84 = tpu.memref_slice %arg6[%add3A_45, %dma_wait3A] : memref<20480x128xf32, #tpu.memory_space<hbm>> -> memref<80x128xf32, #tpu.memory_space<hbm>>
      %dma_wait3A_85 = arith.constant 0 : i32
      %dma_wait3A_86 = tpu.memref_slice %arg6[%add3A_45, %dma_wait3A_85] : memref<20480x128xf32, #tpu.memory_space<hbm>> -> memref<80x128xf32, #tpu.memory_space<hbm>>
      tpu.wait_dma2 semaphore(%run_scoped3A : memref<!tpu.dma_semaphore, #tpu.memory_space<semaphore_mem>>) src(%arg9 : memref<80x128xf32, #tpu.memory_space<vmem>>) dst(%dma_wait3A_86 : memref<80x128xf32, #tpu.memory_space<hbm>>)
      tpu.yield
    }) : () -> ()
    %add3A_46 = arith.constant 240 : i32
    %add3A_47 = arith.addi %mul3A_2, %add3A_46 : i32
    "tpu.region"() ({
      %run_scoped3A = tpu.sem_alloc : memref<!tpu.dma_semaphore, #tpu.memory_space<semaphore_mem>>
      %dma_start3A = arith.constant 0 : i32
      %dma_start3A_81 = tpu.memref_slice %arg14[%add3A_47, %dma_start3A] : memref<10240x128xf32, #tpu.memory_space<vmem_shared>> -> memref<80x128xf32, #tpu.memory_space<vmem_shared>>
      %dma_start3A_82 = arith.constant 0 : i32
      %dma_start3A_83 = tpu.memref_slice %arg14[%add3A_47, %dma_start3A_82] : memref<10240x128xf32, #tpu.memory_space<vmem_shared>> -> memref<80x128xf32, #tpu.memory_space<vmem_shared>>
      tpu.enqueue_dma source(%dma_start3A_83 : memref<80x128xf32, #tpu.memory_space<vmem_shared>>) target(%arg9 : memref<80x128xf32, #tpu.memory_space<vmem>>) target_semaphore(%run_scoped3A : memref<!tpu.dma_semaphore, #tpu.memory_space<semaphore_mem>>)
      %dma_wait3A = arith.constant 0 : i32
      %dma_wait3A_84 = tpu.memref_slice %arg14[%add3A_47, %dma_wait3A] : memref<10240x128xf32, #tpu.memory_space<vmem_shared>> -> memref<80x128xf32, #tpu.memory_space<vmem_shared>>
      %dma_wait3A_85 = arith.constant 0 : i32
      %dma_wait3A_86 = tpu.memref_slice %arg14[%add3A_47, %dma_wait3A_85] : memref<10240x128xf32, #tpu.memory_space<vmem_shared>> -> memref<80x128xf32, #tpu.memory_space<vmem_shared>>
      tpu.wait_dma2 semaphore(%run_scoped3A : memref<!tpu.dma_semaphore, #tpu.memory_space<semaphore_mem>>) src(%dma_wait3A_86 : memref<80x128xf32, #tpu.memory_space<vmem_shared>>) dst(%arg9 : memref<80x128xf32, #tpu.memory_space<vmem>>)
      tpu.yield
    }) : () -> ()
    %mul3A_48 = arith.constant 10240 : i32
    %mul3A_49 = arith.muli %arg0, %mul3A_48 : i32
    %add3A_50 = arith.addi %mul3A_49, %mul3A_2 : i32
    %add3A_51 = arith.constant 240 : i32
    %add3A_52 = arith.addi %add3A_50, %add3A_51 : i32
    "tpu.region"() ({
      %run_scoped3A = tpu.sem_alloc : memref<!tpu.dma_semaphore, #tpu.memory_space<semaphore_mem>>
      %dma_start3A = arith.constant 0 : i32
      %dma_start3A_81 = tpu.memref_slice %arg6[%add3A_52, %dma_start3A] : memref<20480x128xf32, #tpu.memory_space<hbm>> -> memref<80x128xf32, #tpu.memory_space<hbm>>
      %dma_start3A_82 = arith.constant 0 : i32
      %dma_start3A_83 = tpu.memref_slice %arg6[%add3A_52, %dma_start3A_82] : memref<20480x128xf32, #tpu.memory_space<hbm>> -> memref<80x128xf32, #tpu.memory_space<hbm>>
      tpu.enqueue_dma source(%arg9 : memref<80x128xf32, #tpu.memory_space<vmem>>) target(%dma_start3A_83 : memref<80x128xf32, #tpu.memory_space<hbm>>) target_semaphore(%run_scoped3A : memref<!tpu.dma_semaphore, #tpu.memory_space<semaphore_mem>>)
      %dma_wait3A = arith.constant 0 : i32
      %dma_wait3A_84 = tpu.memref_slice %arg6[%add3A_52, %dma_wait3A] : memref<20480x128xf32, #tpu.memory_space<hbm>> -> memref<80x128xf32, #tpu.memory_space<hbm>>
      %dma_wait3A_85 = arith.constant 0 : i32
      %dma_wait3A_86 = tpu.memref_slice %arg6[%add3A_52, %dma_wait3A_85] : memref<20480x128xf32, #tpu.memory_space<hbm>> -> memref<80x128xf32, #tpu.memory_space<hbm>>
      tpu.wait_dma2 semaphore(%run_scoped3A : memref<!tpu.dma_semaphore, #tpu.memory_space<semaphore_mem>>) src(%arg9 : memref<80x128xf32, #tpu.memory_space<vmem>>) dst(%dma_wait3A_86 : memref<80x128xf32, #tpu.memory_space<hbm>>)
      tpu.yield
    }) : () -> ()
    %add3A_53 = arith.constant 320 : i32
    %add3A_54 = arith.addi %mul3A_2, %add3A_53 : i32
    "tpu.region"() ({
      %run_scoped3A = tpu.sem_alloc : memref<!tpu.dma_semaphore, #tpu.memory_space<semaphore_mem>>
      %dma_start3A = arith.constant 0 : i32
      %dma_start3A_81 = tpu.memref_slice %arg14[%add3A_54, %dma_start3A] : memref<10240x128xf32, #tpu.memory_space<vmem_shared>> -> memref<80x128xf32, #tpu.memory_space<vmem_shared>>
      %dma_start3A_82 = arith.constant 0 : i32
      %dma_start3A_83 = tpu.memref_slice %arg14[%add3A_54, %dma_start3A_82] : memref<10240x128xf32, #tpu.memory_space<vmem_shared>> -> memref<80x128xf32, #tpu.memory_space<vmem_shared>>
      tpu.enqueue_dma source(%dma_start3A_83 : memref<80x128xf32, #tpu.memory_space<vmem_shared>>) target(%arg9 : memref<80x128xf32, #tpu.memory_space<vmem>>) target_semaphore(%run_scoped3A : memref<!tpu.dma_semaphore, #tpu.memory_space<semaphore_mem>>)
      %dma_wait3A = arith.constant 0 : i32
      %dma_wait3A_84 = tpu.memref_slice %arg14[%add3A_54, %dma_wait3A] : memref<10240x128xf32, #tpu.memory_space<vmem_shared>> -> memref<80x128xf32, #tpu.memory_space<vmem_shared>>
      %dma_wait3A_85 = arith.constant 0 : i32
      %dma_wait3A_86 = tpu.memref_slice %arg14[%add3A_54, %dma_wait3A_85] : memref<10240x128xf32, #tpu.memory_space<vmem_shared>> -> memref<80x128xf32, #tpu.memory_space<vmem_shared>>
      tpu.wait_dma2 semaphore(%run_scoped3A : memref<!tpu.dma_semaphore, #tpu.memory_space<semaphore_mem>>) src(%dma_wait3A_86 : memref<80x128xf32, #tpu.memory_space<vmem_shared>>) dst(%arg9 : memref<80x128xf32, #tpu.memory_space<vmem>>)
      tpu.yield
    }) : () -> ()
    %mul3A_55 = arith.constant 10240 : i32
    %mul3A_56 = arith.muli %arg0, %mul3A_55 : i32
    %add3A_57 = arith.addi %mul3A_56, %mul3A_2 : i32
    %add3A_58 = arith.constant 320 : i32
    %add3A_59 = arith.addi %add3A_57, %add3A_58 : i32
    "tpu.region"() ({
      %run_scoped3A = tpu.sem_alloc : memref<!tpu.dma_semaphore, #tpu.memory_space<semaphore_mem>>
      %dma_start3A = arith.constant 0 : i32
      %dma_start3A_81 = tpu.memref_slice %arg6[%add3A_59, %dma_start3A] : memref<20480x128xf32, #tpu.memory_space<hbm>> -> memref<80x128xf32, #tpu.memory_space<hbm>>
      %dma_start3A_82 = arith.constant 0 : i32
      %dma_start3A_83 = tpu.memref_slice %arg6[%add3A_59, %dma_start3A_82] : memref<20480x128xf32, #tpu.memory_space<hbm>> -> memref<80x128xf32, #tpu.memory_space<hbm>>
      tpu.enqueue_dma source(%arg9 : memref<80x128xf32, #tpu.memory_space<vmem>>) target(%dma_start3A_83 : memref<80x128xf32, #tpu.memory_space<hbm>>) target_semaphore(%run_scoped3A : memref<!tpu.dma_semaphore, #tpu.memory_space<semaphore_mem>>)
      %dma_wait3A = arith.constant 0 : i32
      %dma_wait3A_84 = tpu.memref_slice %arg6[%add3A_59, %dma_wait3A] : memref<20480x128xf32, #tpu.memory_space<hbm>> -> memref<80x128xf32, #tpu.memory_space<hbm>>
      %dma_wait3A_85 = arith.constant 0 : i32
      %dma_wait3A_86 = tpu.memref_slice %arg6[%add3A_59, %dma_wait3A_85] : memref<20480x128xf32, #tpu.memory_space<hbm>> -> memref<80x128xf32, #tpu.memory_space<hbm>>
      tpu.wait_dma2 semaphore(%run_scoped3A : memref<!tpu.dma_semaphore, #tpu.memory_space<semaphore_mem>>) src(%arg9 : memref<80x128xf32, #tpu.memory_space<vmem>>) dst(%dma_wait3A_86 : memref<80x128xf32, #tpu.memory_space<hbm>>)
      tpu.yield
    }) : () -> ()
    %add3A_60 = arith.constant 400 : i32
    %add3A_61 = arith.addi %mul3A_2, %add3A_60 : i32
    "tpu.region"() ({
      %run_scoped3A = tpu.sem_alloc : memref<!tpu.dma_semaphore, #tpu.memory_space<semaphore_mem>>
      %dma_start3A = arith.constant 0 : i32
      %dma_start3A_81 = tpu.memref_slice %arg14[%add3A_61, %dma_start3A] : memref<10240x128xf32, #tpu.memory_space<vmem_shared>> -> memref<80x128xf32, #tpu.memory_space<vmem_shared>>
      %dma_start3A_82 = arith.constant 0 : i32
      %dma_start3A_83 = tpu.memref_slice %arg14[%add3A_61, %dma_start3A_82] : memref<10240x128xf32, #tpu.memory_space<vmem_shared>> -> memref<80x128xf32, #tpu.memory_space<vmem_shared>>
      tpu.enqueue_dma source(%dma_start3A_83 : memref<80x128xf32, #tpu.memory_space<vmem_shared>>) target(%arg9 : memref<80x128xf32, #tpu.memory_space<vmem>>) target_semaphore(%run_scoped3A : memref<!tpu.dma_semaphore, #tpu.memory_space<semaphore_mem>>)
      %dma_wait3A = arith.constant 0 : i32
      %dma_wait3A_84 = tpu.memref_slice %arg14[%add3A_61, %dma_wait3A] : memref<10240x128xf32, #tpu.memory_space<vmem_shared>> -> memref<80x128xf32, #tpu.memory_space<vmem_shared>>
      %dma_wait3A_85 = arith.constant 0 : i32
      %dma_wait3A_86 = tpu.memref_slice %arg14[%add3A_61, %dma_wait3A_85] : memref<10240x128xf32, #tpu.memory_space<vmem_shared>> -> memref<80x128xf32, #tpu.memory_space<vmem_shared>>
      tpu.wait_dma2 semaphore(%run_scoped3A : memref<!tpu.dma_semaphore, #tpu.memory_space<semaphore_mem>>) src(%dma_wait3A_86 : memref<80x128xf32, #tpu.memory_space<vmem_shared>>) dst(%arg9 : memref<80x128xf32, #tpu.memory_space<vmem>>)
      tpu.yield
    }) : () -> ()
    %mul3A_62 = arith.constant 10240 : i32
    %mul3A_63 = arith.muli %arg0, %mul3A_62 : i32
    %add3A_64 = arith.addi %mul3A_63, %mul3A_2 : i32
    %add3A_65 = arith.constant 400 : i32
    %add3A_66 = arith.addi %add3A_64, %add3A_65 : i32
    "tpu.region"() ({
      %run_scoped3A = tpu.sem_alloc : memref<!tpu.dma_semaphore, #tpu.memory_space<semaphore_mem>>
      %dma_start3A = arith.constant 0 : i32
      %dma_start3A_81 = tpu.memref_slice %arg6[%add3A_66, %dma_start3A] : memref<20480x128xf32, #tpu.memory_space<hbm>> -> memref<80x128xf32, #tpu.memory_space<hbm>>
      %dma_start3A_82 = arith.constant 0 : i32
      %dma_start3A_83 = tpu.memref_slice %arg6[%add3A_66, %dma_start3A_82] : memref<20480x128xf32, #tpu.memory_space<hbm>> -> memref<80x128xf32, #tpu.memory_space<hbm>>
      tpu.enqueue_dma source(%arg9 : memref<80x128xf32, #tpu.memory_space<vmem>>) target(%dma_start3A_83 : memref<80x128xf32, #tpu.memory_space<hbm>>) target_semaphore(%run_scoped3A : memref<!tpu.dma_semaphore, #tpu.memory_space<semaphore_mem>>)
      %dma_wait3A = arith.constant 0 : i32
      %dma_wait3A_84 = tpu.memref_slice %arg6[%add3A_66, %dma_wait3A] : memref<20480x128xf32, #tpu.memory_space<hbm>> -> memref<80x128xf32, #tpu.memory_space<hbm>>
      %dma_wait3A_85 = arith.constant 0 : i32
      %dma_wait3A_86 = tpu.memref_slice %arg6[%add3A_66, %dma_wait3A_85] : memref<20480x128xf32, #tpu.memory_space<hbm>> -> memref<80x128xf32, #tpu.memory_space<hbm>>
      tpu.wait_dma2 semaphore(%run_scoped3A : memref<!tpu.dma_semaphore, #tpu.memory_space<semaphore_mem>>) src(%arg9 : memref<80x128xf32, #tpu.memory_space<vmem>>) dst(%dma_wait3A_86 : memref<80x128xf32, #tpu.memory_space<hbm>>)
      tpu.yield
    }) : () -> ()
    %add3A_67 = arith.constant 480 : i32
    %add3A_68 = arith.addi %mul3A_2, %add3A_67 : i32
    "tpu.region"() ({
      %run_scoped3A = tpu.sem_alloc : memref<!tpu.dma_semaphore, #tpu.memory_space<semaphore_mem>>
      %dma_start3A = arith.constant 0 : i32
      %dma_start3A_81 = tpu.memref_slice %arg14[%add3A_68, %dma_start3A] : memref<10240x128xf32, #tpu.memory_space<vmem_shared>> -> memref<80x128xf32, #tpu.memory_space<vmem_shared>>
      %dma_start3A_82 = arith.constant 0 : i32
      %dma_start3A_83 = tpu.memref_slice %arg14[%add3A_68, %dma_start3A_82] : memref<10240x128xf32, #tpu.memory_space<vmem_shared>> -> memref<80x128xf32, #tpu.memory_space<vmem_shared>>
      tpu.enqueue_dma source(%dma_start3A_83 : memref<80x128xf32, #tpu.memory_space<vmem_shared>>) target(%arg9 : memref<80x128xf32, #tpu.memory_space<vmem>>) target_semaphore(%run_scoped3A : memref<!tpu.dma_semaphore, #tpu.memory_space<semaphore_mem>>)
      %dma_wait3A = arith.constant 0 : i32
      %dma_wait3A_84 = tpu.memref_slice %arg14[%add3A_68, %dma_wait3A] : memref<10240x128xf32, #tpu.memory_space<vmem_shared>> -> memref<80x128xf32, #tpu.memory_space<vmem_shared>>
      %dma_wait3A_85 = arith.constant 0 : i32
      %dma_wait3A_86 = tpu.memref_slice %arg14[%add3A_68, %dma_wait3A_85] : memref<10240x128xf32, #tpu.memory_space<vmem_shared>> -> memref<80x128xf32, #tpu.memory_space<vmem_shared>>
      tpu.wait_dma2 semaphore(%run_scoped3A : memref<!tpu.dma_semaphore, #tpu.memory_space<semaphore_mem>>) src(%dma_wait3A_86 : memref<80x128xf32, #tpu.memory_space<vmem_shared>>) dst(%arg9 : memref<80x128xf32, #tpu.memory_space<vmem>>)
      tpu.yield
    }) : () -> ()
    %mul3A_69 = arith.constant 10240 : i32
    %mul3A_70 = arith.muli %arg0, %mul3A_69 : i32
    %add3A_71 = arith.addi %mul3A_70, %mul3A_2 : i32
    %add3A_72 = arith.constant 480 : i32
    %add3A_73 = arith.addi %add3A_71, %add3A_72 : i32
    "tpu.region"() ({
      %run_scoped3A = tpu.sem_alloc : memref<!tpu.dma_semaphore, #tpu.memory_space<semaphore_mem>>
      %dma_start3A = arith.constant 0 : i32
      %dma_start3A_81 = tpu.memref_slice %arg6[%add3A_73, %dma_start3A] : memref<20480x128xf32, #tpu.memory_space<hbm>> -> memref<80x128xf32, #tpu.memory_space<hbm>>
      %dma_start3A_82 = arith.constant 0 : i32
      %dma_start3A_83 = tpu.memref_slice %arg6[%add3A_73, %dma_start3A_82] : memref<20480x128xf32, #tpu.memory_space<hbm>> -> memref<80x128xf32, #tpu.memory_space<hbm>>
      tpu.enqueue_dma source(%arg9 : memref<80x128xf32, #tpu.memory_space<vmem>>) target(%dma_start3A_83 : memref<80x128xf32, #tpu.memory_space<hbm>>) target_semaphore(%run_scoped3A : memref<!tpu.dma_semaphore, #tpu.memory_space<semaphore_mem>>)
      %dma_wait3A = arith.constant 0 : i32
      %dma_wait3A_84 = tpu.memref_slice %arg6[%add3A_73, %dma_wait3A] : memref<20480x128xf32, #tpu.memory_space<hbm>> -> memref<80x128xf32, #tpu.memory_space<hbm>>
      %dma_wait3A_85 = arith.constant 0 : i32
      %dma_wait3A_86 = tpu.memref_slice %arg6[%add3A_73, %dma_wait3A_85] : memref<20480x128xf32, #tpu.memory_space<hbm>> -> memref<80x128xf32, #tpu.memory_space<hbm>>
      tpu.wait_dma2 semaphore(%run_scoped3A : memref<!tpu.dma_semaphore, #tpu.memory_space<semaphore_mem>>) src(%arg9 : memref<80x128xf32, #tpu.memory_space<vmem>>) dst(%dma_wait3A_86 : memref<80x128xf32, #tpu.memory_space<hbm>>)
      tpu.yield
    }) : () -> ()
    %add3A_74 = arith.constant 560 : i32
    %add3A_75 = arith.addi %mul3A_2, %add3A_74 : i32
    "tpu.region"() ({
      %run_scoped3A = tpu.sem_alloc : memref<!tpu.dma_semaphore, #tpu.memory_space<semaphore_mem>>
      %dma_start3A = arith.constant 0 : i32
      %dma_start3A_81 = tpu.memref_slice %arg14[%add3A_75, %dma_start3A] : memref<10240x128xf32, #tpu.memory_space<vmem_shared>> -> memref<80x128xf32, #tpu.memory_space<vmem_shared>>
      %dma_start3A_82 = arith.constant 0 : i32
      %dma_start3A_83 = tpu.memref_slice %arg14[%add3A_75, %dma_start3A_82] : memref<10240x128xf32, #tpu.memory_space<vmem_shared>> -> memref<80x128xf32, #tpu.memory_space<vmem_shared>>
      tpu.enqueue_dma source(%dma_start3A_83 : memref<80x128xf32, #tpu.memory_space<vmem_shared>>) target(%arg9 : memref<80x128xf32, #tpu.memory_space<vmem>>) target_semaphore(%run_scoped3A : memref<!tpu.dma_semaphore, #tpu.memory_space<semaphore_mem>>)
      %dma_wait3A = arith.constant 0 : i32
      %dma_wait3A_84 = tpu.memref_slice %arg14[%add3A_75, %dma_wait3A] : memref<10240x128xf32, #tpu.memory_space<vmem_shared>> -> memref<80x128xf32, #tpu.memory_space<vmem_shared>>
      %dma_wait3A_85 = arith.constant 0 : i32
      %dma_wait3A_86 = tpu.memref_slice %arg14[%add3A_75, %dma_wait3A_85] : memref<10240x128xf32, #tpu.memory_space<vmem_shared>> -> memref<80x128xf32, #tpu.memory_space<vmem_shared>>
      tpu.wait_dma2 semaphore(%run_scoped3A : memref<!tpu.dma_semaphore, #tpu.memory_space<semaphore_mem>>) src(%dma_wait3A_86 : memref<80x128xf32, #tpu.memory_space<vmem_shared>>) dst(%arg9 : memref<80x128xf32, #tpu.memory_space<vmem>>)
      tpu.yield
    }) : () -> ()
    %mul3A_76 = arith.constant 10240 : i32
    %mul3A_77 = arith.muli %arg0, %mul3A_76 : i32
    %add3A_78 = arith.addi %mul3A_77, %mul3A_2 : i32
    %add3A_79 = arith.constant 560 : i32
    %add3A_80 = arith.addi %add3A_78, %add3A_79 : i32
    "tpu.region"() ({
      %run_scoped3A = tpu.sem_alloc : memref<!tpu.dma_semaphore, #tpu.memory_space<semaphore_mem>>
      %dma_start3A = arith.constant 0 : i32
      %dma_start3A_81 = tpu.memref_slice %arg6[%add3A_80, %dma_start3A] : memref<20480x128xf32, #tpu.memory_space<hbm>> -> memref<80x128xf32, #tpu.memory_space<hbm>>
      %dma_start3A_82 = arith.constant 0 : i32
      %dma_start3A_83 = tpu.memref_slice %arg6[%add3A_80, %dma_start3A_82] : memref<20480x128xf32, #tpu.memory_space<hbm>> -> memref<80x128xf32, #tpu.memory_space<hbm>>
      tpu.enqueue_dma source(%arg9 : memref<80x128xf32, #tpu.memory_space<vmem>>) target(%dma_start3A_83 : memref<80x128xf32, #tpu.memory_space<hbm>>) target_semaphore(%run_scoped3A : memref<!tpu.dma_semaphore, #tpu.memory_space<semaphore_mem>>)
      %dma_wait3A = arith.constant 0 : i32
      %dma_wait3A_84 = tpu.memref_slice %arg6[%add3A_80, %dma_wait3A] : memref<20480x128xf32, #tpu.memory_space<hbm>> -> memref<80x128xf32, #tpu.memory_space<hbm>>
      %dma_wait3A_85 = arith.constant 0 : i32
      %dma_wait3A_86 = tpu.memref_slice %arg6[%add3A_80, %dma_wait3A_85] : memref<20480x128xf32, #tpu.memory_space<hbm>> -> memref<80x128xf32, #tpu.memory_space<hbm>>
      tpu.wait_dma2 semaphore(%run_scoped3A : memref<!tpu.dma_semaphore, #tpu.memory_space<semaphore_mem>>) src(%arg9 : memref<80x128xf32, #tpu.memory_space<vmem>>) dst(%dma_wait3A_86 : memref<80x128xf32, #tpu.memory_space<hbm>>)
      tpu.yield
    }) : () -> ()
    return
  }
}

module attributes {stable_mosaic.version = 14 : i64} {
  func.func @_tc1_body(%arg0: i32, %arg1: memref<512x128xf32, #tpu.memory_space<vmem>>, %arg2: memref<128x128xf32, #tpu.memory_space<vmem>>, %arg3: memref<512x128xf32, #tpu.memory_space<vmem>>, %arg4: memref<512x128xf32, #tpu.memory_space<vmem>>, %arg5: memref<512x128xf32, #tpu.memory_space<vmem>>) attributes {dimension_semantics = [#tpu.dimension_semantics<arbitrary>], iteration_bounds = array<i64: 20>, scalar_prefetch = 0 : i64, scratch_operands = 0 : i64, tpu.core_type = #tpu.core_type<tc>, window_params = [{transform_indices = @transform_0, window_bounds = array<i64: 512, 128>}, {pipeline_mode = #tpu.pipeline_mode<synchronous>, transform_indices = @transform_1, window_bounds = array<i64: 128, 128>}, {transform_indices = @transform_2, window_bounds = array<i64: 512, 128>}, {transform_indices = @transform_3, window_bounds = array<i64: 512, 128>}, {transform_indices = @transform_4, window_bounds = array<i64: 512, 128>}]} {
    %get3A = arith.constant 0 : index
    %get3A_0 = arith.constant 0 : index
    %get3A_1 = vector.load %arg3[%get3A, %get3A_0] : memref<512x128xf32, #tpu.memory_space<vmem>>, vector<512x1xf32>
    %get3A_2 = arith.constant 0 : index
    %get3A_3 = arith.constant 0 : index
    %get3A_4 = vector.load %arg4[%get3A_2, %get3A_3] : memref<512x128xf32, #tpu.memory_space<vmem>>, vector<512x1xf32>
    %add3A = arith.addf %get3A_1, %get3A_4 : vector<512x1xf32>
    %mul3A = arith.constant 512 : i32
    %mul3A_5 = arith.muli %arg0, %mul3A : i32
    %iota3A = tpu.iota {dimensions = array<i32: 0>} : vector<512x1xi32>
    %add3A_6 = vector.broadcast %mul3A_5 : i32 to vector<512x1xi32>
    %add3A_7 = arith.addi %add3A_6, %iota3A : vector<512x1xi32>
    %lt3A = arith.constant 10000 : i32
    %lt3A_8 = vector.broadcast %lt3A : i32 to vector<512x1xi32>
    %lt3A_9 = arith.cmpi slt, %add3A_7, %lt3A_8 : vector<512x1xi32>
    %jit3A = arith.constant 1.000000e+00 : f32
    %jit3A_10 = arith.constant 0.000000e+00 : f32
    %broadcast_in_dim3A = vector.broadcast %jit3A : f32 to vector<512x1xf32>
    %broadcast_in_dim3A_11 = vector.broadcast %jit3A_10 : f32 to vector<512x1xf32>
    %select_n3A = arith.select %lt3A_9, %broadcast_in_dim3A, %broadcast_in_dim3A_11 : vector<512x1xi1>, vector<512x1xf32>
    %add3A_12 = arith.addf %add3A, %select_n3A : vector<512x1xf32>
    %gt3A = arith.constant 0.000000e+00 : f32
    %gt3A_13 = vector.broadcast %gt3A : f32 to vector<512x1xf32>
    %gt3A_14 = arith.cmpf ogt, %add3A_12, %gt3A_13 : vector<512x1xf32>
    %rsqrt3A = math.rsqrt %add3A_12 : vector<512x1xf32>
    %jit3A_15 = arith.constant 0.000000e+00 : f32
    %broadcast_in_dim3A_16 = vector.broadcast %jit3A_15 : f32 to vector<512x1xf32>
    %select_n3A_17 = arith.select %gt3A_14, %rsqrt3A, %broadcast_in_dim3A_16 : vector<512x1xi1>, vector<512x1xf32>
    %get3A_18 = arith.constant 0 : index
    %get3A_19 = arith.constant 0 : index
    %get3A_20 = vector.load %arg1[%get3A_18, %get3A_19] : memref<512x128xf32, #tpu.memory_space<vmem>>, vector<512x128xf32>
    %get3A_21 = arith.constant 0 : index
    %get3A_22 = arith.constant 0 : index
    %get3A_23 = vector.load %arg2[%get3A_21, %get3A_22] : memref<128x128xf32, #tpu.memory_space<vmem>>, vector<128x128xf32>
    %dot_general3A = arith.constant dense<0.000000e+00> : vector<512x128xf32>
    %dot_general3A_24 = tpu.matmul %get3A_20, %get3A_23, %dot_general3A {dimension_numbers = #tpu.dot_dimension_numbers<[1], [0], [0], [1], [0, 0, 1, 1], [], []>, transpose_lhs_hint = false} : vector<512x128xf32>, vector<128x128xf32>, vector<512x128xf32> -> vector<512x128xf32>
    %mul3A_25 = vector.broadcast %select_n3A_17 : vector<512x1xf32> to vector<512x128xf32>
    %mul3A_26 = arith.mulf %dot_general3A_24, %mul3A_25 : vector<512x128xf32>
    %swap3A = arith.constant 0 : index
    %swap3A_27 = arith.constant 0 : index
    %swap3A_28 = vector.load %arg5[%swap3A, %swap3A_27] : memref<512x128xf32, #tpu.memory_space<vmem>>, vector<512x128xf32>
    tpu.vector_store %arg5[%swap3A, %swap3A_27], %mul3A_26 {strides = array<i32>} : memref<512x128xf32, #tpu.memory_space<vmem>>, vector<512x128xf32>,
    return
  }
  func.func @transform_0(%arg0: i32) -> (i32, i32) {
    %c0_i32 = arith.constant 0 : i32
    %c0_i32_0 = arith.constant 0 : i32
    return %arg0, %c0_i32 : i32, i32
  }
  func.func @transform_1(%arg0: i32) -> (i32, i32) {
    %c0_i32 = arith.constant 0 : i32
    %c0_i32_0 = arith.constant 0 : i32
    %c0_i32_1 = arith.constant 0 : i32
    return %c0_i32, %c0_i32_0 : i32, i32
  }
  func.func @transform_2(%arg0: i32) -> (i32, i32) {
    %c0_i32 = arith.constant 0 : i32
    %c0_i32_0 = arith.constant 0 : i32
    return %arg0, %c0_i32 : i32, i32
  }
  func.func @transform_3(%arg0: i32) -> (i32, i32) {
    %c0_i32 = arith.constant 0 : i32
    %c0_i32_0 = arith.constant 0 : i32
    return %arg0, %c0_i32 : i32, i32
  }
  func.func @transform_4(%arg0: i32) -> (i32, i32) {
    %c0_i32 = arith.constant 0 : i32
    %c0_i32_0 = arith.constant 0 : i32
    return %arg0, %c0_i32 : i32, i32
  }
}

module attributes {stable_mosaic.version = 14 : i64} {
  func.func @_tc2_body(%arg0: i32, %arg1: memref<512x128xf32, #tpu.memory_space<vmem>>, %arg2: memref<512x128xf32, #tpu.memory_space<vmem>>, %arg3: memref<512x128xf32, #tpu.memory_space<vmem>>, %arg4: memref<512x128xf32, #tpu.memory_space<vmem>>, %arg5: memref<512x128xf32, #tpu.memory_space<vmem>>, %arg6: memref<128x128xf32, #tpu.memory_space<vmem>>, %arg7: memref<1x128xf32, #tpu.memory_space<vmem>>, %arg8: memref<512x128xf32, #tpu.memory_space<vmem>>) attributes {dimension_semantics = [#tpu.dimension_semantics<arbitrary>], iteration_bounds = array<i64: 20>, scalar_prefetch = 0 : i64, scratch_operands = 0 : i64, tpu.core_type = #tpu.core_type<tc>, window_params = [{transform_indices = @transform_0, window_bounds = array<i64: 512, 128>}, {transform_indices = @transform_1, window_bounds = array<i64: 512, 128>}, {transform_indices = @transform_2, window_bounds = array<i64: 512, 128>}, {transform_indices = @transform_3, window_bounds = array<i64: 512, 128>}, {transform_indices = @transform_4, window_bounds = array<i64: 512, 128>}, {pipeline_mode = #tpu.pipeline_mode<synchronous>, transform_indices = @transform_5, window_bounds = array<i64: 128, 128>}, {pipeline_mode = #tpu.pipeline_mode<synchronous>, transform_indices = @transform_6, window_bounds = array<i64: 1, 128>}, {transform_indices = @transform_7, window_bounds = array<i64: 512, 128>}]} {
    %get3A = arith.constant 0 : index
    %get3A_0 = arith.constant 0 : index
    %get3A_1 = vector.load %arg4[%get3A, %get3A_0] : memref<512x128xf32, #tpu.memory_space<vmem>>, vector<512x1xf32>
    %get3A_2 = arith.constant 0 : index
    %get3A_3 = arith.constant 0 : index
    %get3A_4 = vector.load %arg5[%get3A_2, %get3A_3] : memref<512x128xf32, #tpu.memory_space<vmem>>, vector<512x1xf32>
    %add3A = arith.addf %get3A_1, %get3A_4 : vector<512x1xf32>
    %mul3A = arith.constant 512 : i32
    %mul3A_5 = arith.muli %arg0, %mul3A : i32
    %iota3A = tpu.iota {dimensions = array<i32: 0>} : vector<512x1xi32>
    %add3A_6 = vector.broadcast %mul3A_5 : i32 to vector<512x1xi32>
    %add3A_7 = arith.addi %add3A_6, %iota3A : vector<512x1xi32>
    %lt3A = arith.constant 10000 : i32
    %lt3A_8 = vector.broadcast %lt3A : i32 to vector<512x1xi32>
    %lt3A_9 = arith.cmpi slt, %add3A_7, %lt3A_8 : vector<512x1xi32>
    %jit3A = arith.constant 1.000000e+00 : f32
    %jit3A_10 = arith.constant 0.000000e+00 : f32
    %broadcast_in_dim3A = vector.broadcast %jit3A : f32 to vector<512x1xf32>
    %broadcast_in_dim3A_11 = vector.broadcast %jit3A_10 : f32 to vector<512x1xf32>
    %select_n3A = arith.select %lt3A_9, %broadcast_in_dim3A, %broadcast_in_dim3A_11 : vector<512x1xi1>, vector<512x1xf32>
    %add3A_12 = arith.addf %add3A, %select_n3A : vector<512x1xf32>
    %gt3A = arith.constant 0.000000e+00 : f32
    %gt3A_13 = vector.broadcast %gt3A : f32 to vector<512x1xf32>
    %gt3A_14 = arith.cmpf ogt, %add3A_12, %gt3A_13 : vector<512x1xf32>
    %rsqrt3A = math.rsqrt %add3A_12 : vector<512x1xf32>
    %jit3A_15 = arith.constant 0.000000e+00 : f32
    %broadcast_in_dim3A_16 = vector.broadcast %jit3A_15 : f32 to vector<512x1xf32>
    %select_n3A_17 = arith.select %gt3A_14, %rsqrt3A, %broadcast_in_dim3A_16 : vector<512x1xi1>, vector<512x1xf32>
    %get3A_18 = arith.constant 0 : index
    %get3A_19 = arith.constant 0 : index
    %get3A_20 = vector.load %arg1[%get3A_18, %get3A_19] : memref<512x128xf32, #tpu.memory_space<vmem>>, vector<512x128xf32>
    %get3A_21 = arith.constant 0 : index
    %get3A_22 = arith.constant 0 : index
    %get3A_23 = vector.load %arg2[%get3A_21, %get3A_22] : memref<512x128xf32, #tpu.memory_space<vmem>>, vector<512x128xf32>
    %add3A_24 = arith.addf %get3A_20, %get3A_23 : vector<512x128xf32>
    %get3A_25 = arith.constant 0 : index
    %get3A_26 = arith.constant 0 : index
    %get3A_27 = vector.load %arg3[%get3A_25, %get3A_26] : memref<512x128xf32, #tpu.memory_space<vmem>>, vector<512x128xf32>
    %add3A_28 = arith.addf %add3A_24, %get3A_27 : vector<512x128xf32>
    %mul3A_29 = vector.broadcast %select_n3A_17 : vector<512x1xf32> to vector<512x128xf32>
    %mul3A_30 = arith.mulf %mul3A_29, %add3A_28 : vector<512x128xf32>
    %get3A_31 = arith.constant 0 : index
    %get3A_32 = arith.constant 0 : index
    %get3A_33 = vector.load %arg7[%get3A_31, %get3A_32] : memref<1x128xf32, #tpu.memory_space<vmem>>, vector<1x128xf32>
    %add3A_34 = vector.broadcast %get3A_33 : vector<1x128xf32> to vector<512x128xf32>
    %add3A_35 = arith.addf %mul3A_30, %add3A_34 : vector<512x128xf32>
    %max3A = arith.constant 0.000000e+00 : f32
    %max3A_36 = vector.broadcast %max3A : f32 to vector<512x128xf32>
    %max3A_37 = arith.maximumf %add3A_35, %max3A_36 : vector<512x128xf32>
    %get3A_38 = arith.constant 0 : index
    %get3A_39 = arith.constant 0 : index
    %get3A_40 = vector.load %arg6[%get3A_38, %get3A_39] : memref<128x128xf32, #tpu.memory_space<vmem>>, vector<128x128xf32>
    %dot_general3A = arith.constant dense<0.000000e+00> : vector<512x128xf32>
    %dot_general3A_41 = tpu.matmul %max3A_37, %get3A_40, %dot_general3A {dimension_numbers = #tpu.dot_dimension_numbers<[1], [0], [0], [1], [0, 0, 1, 1], [], []>, transpose_lhs_hint = false} : vector<512x128xf32>, vector<128x128xf32>, vector<512x128xf32> -> vector<512x128xf32>
    %mul3A_42 = vector.broadcast %select_n3A_17 : vector<512x1xf32> to vector<512x128xf32>
    %mul3A_43 = arith.mulf %dot_general3A_41, %mul3A_42 : vector<512x128xf32>
    %swap3A = arith.constant 0 : index
    %swap3A_44 = arith.constant 0 : index
    %swap3A_45 = vector.load %arg8[%swap3A, %swap3A_44] : memref<512x128xf32, #tpu.memory_space<vmem>>, vector<512x128xf32>
    tpu.vector_store %arg8[%swap3A, %swap3A_44], %mul3A_43 {strides = array<i32>} : memref<512x128xf32, #tpu.memory_space<vmem>>, vector<512x128xf32>,
    return
  }
  func.func @transform_0(%arg0: i32) -> (i32, i32) {
    %c0_i32 = arith.constant 0 : i32
    %c0_i32_0 = arith.constant 0 : i32
    return %arg0, %c0_i32 : i32, i32
  }
  func.func @transform_1(%arg0: i32) -> (i32, i32) {
    %c0_i32 = arith.constant 0 : i32
    %c0_i32_0 = arith.constant 0 : i32
    return %arg0, %c0_i32 : i32, i32
  }
  func.func @transform_2(%arg0: i32) -> (i32, i32) {
    %c0_i32 = arith.constant 0 : i32
    %c0_i32_0 = arith.constant 0 : i32
    return %arg0, %c0_i32 : i32, i32
  }
  func.func @transform_3(%arg0: i32) -> (i32, i32) {
    %c0_i32 = arith.constant 0 : i32
    %c0_i32_0 = arith.constant 0 : i32
    return %arg0, %c0_i32 : i32, i32
  }
  func.func @transform_4(%arg0: i32) -> (i32, i32) {
    %c0_i32 = arith.constant 0 : i32
    %c0_i32_0 = arith.constant 0 : i32
    return %arg0, %c0_i32 : i32, i32
  }
  func.func @transform_5(%arg0: i32) -> (i32, i32) {
    %c0_i32 = arith.constant 0 : i32
    %c0_i32_0 = arith.constant 0 : i32
    %c0_i32_1 = arith.constant 0 : i32
    return %c0_i32, %c0_i32_0 : i32, i32
  }
  func.func @transform_6(%arg0: i32) -> (i32, i32) {
    %c0_i32 = arith.constant 0 : i32
    %c0_i32_0 = arith.constant 0 : i32
    %c0_i32_1 = arith.constant 0 : i32
    return %c0_i32, %c0_i32_0 : i32, i32
  }
  func.func @transform_7(%arg0: i32) -> (i32, i32) {
    %c0_i32 = arith.constant 0 : i32
    %c0_i32_0 = arith.constant 0 : i32
    return %arg0, %c0_i32 : i32, i32
  }
}

module attributes {stable_mosaic.version = 14 : i64} {
  func.func @_tc3_body(%arg0: i32, %arg1: memref<512x128xf32, #tpu.memory_space<vmem>>, %arg2: memref<512x128xf32, #tpu.memory_space<vmem>>, %arg3: memref<512x128xf32, #tpu.memory_space<vmem>>, %arg4: memref<512x128xf32, #tpu.memory_space<vmem>>, %arg5: memref<512x128xf32, #tpu.memory_space<vmem>>, %arg6: memref<1x128xf32, #tpu.memory_space<vmem>>, %arg7: memref<512x128xf32, #tpu.memory_space<vmem>>) attributes {dimension_semantics = [#tpu.dimension_semantics<arbitrary>], iteration_bounds = array<i64: 20>, scalar_prefetch = 0 : i64, scratch_operands = 0 : i64, tpu.core_type = #tpu.core_type<tc>, window_params = [{transform_indices = @transform_0, window_bounds = array<i64: 512, 128>}, {transform_indices = @transform_1, window_bounds = array<i64: 512, 128>}, {transform_indices = @transform_2, window_bounds = array<i64: 512, 128>}, {transform_indices = @transform_3, window_bounds = array<i64: 512, 128>}, {transform_indices = @transform_4, window_bounds = array<i64: 512, 128>}, {pipeline_mode = #tpu.pipeline_mode<synchronous>, transform_indices = @transform_5, window_bounds = array<i64: 1, 128>}, {transform_indices = @transform_6, window_bounds = array<i64: 512, 128>}]} {
    %get3A = arith.constant 0 : index
    %get3A_0 = arith.constant 0 : index
    %get3A_1 = vector.load %arg4[%get3A, %get3A_0] : memref<512x128xf32, #tpu.memory_space<vmem>>, vector<512x1xf32>
    %get3A_2 = arith.constant 0 : index
    %get3A_3 = arith.constant 0 : index
    %get3A_4 = vector.load %arg5[%get3A_2, %get3A_3] : memref<512x128xf32, #tpu.memory_space<vmem>>, vector<512x1xf32>
    %add3A = arith.addf %get3A_1, %get3A_4 : vector<512x1xf32>
    %mul3A = arith.constant 512 : i32
    %mul3A_5 = arith.muli %arg0, %mul3A : i32
    %iota3A = tpu.iota {dimensions = array<i32: 0>} : vector<512x1xi32>
    %add3A_6 = vector.broadcast %mul3A_5 : i32 to vector<512x1xi32>
    %add3A_7 = arith.addi %add3A_6, %iota3A : vector<512x1xi32>
    %lt3A = arith.constant 10000 : i32
    %lt3A_8 = vector.broadcast %lt3A : i32 to vector<512x1xi32>
    %lt3A_9 = arith.cmpi slt, %add3A_7, %lt3A_8 : vector<512x1xi32>
    %jit3A = arith.constant 1.000000e+00 : f32
    %jit3A_10 = arith.constant 0.000000e+00 : f32
    %broadcast_in_dim3A = vector.broadcast %jit3A : f32 to vector<512x1xf32>
    %broadcast_in_dim3A_11 = vector.broadcast %jit3A_10 : f32 to vector<512x1xf32>
    %select_n3A = arith.select %lt3A_9, %broadcast_in_dim3A, %broadcast_in_dim3A_11 : vector<512x1xi1>, vector<512x1xf32>
    %add3A_12 = arith.addf %add3A, %select_n3A : vector<512x1xf32>
    %gt3A = arith.constant 0.000000e+00 : f32
    %gt3A_13 = vector.broadcast %gt3A : f32 to vector<512x1xf32>
    %gt3A_14 = arith.cmpf ogt, %add3A_12, %gt3A_13 : vector<512x1xf32>
    %rsqrt3A = math.rsqrt %add3A_12 : vector<512x1xf32>
    %jit3A_15 = arith.constant 0.000000e+00 : f32
    %broadcast_in_dim3A_16 = vector.broadcast %jit3A_15 : f32 to vector<512x1xf32>
    %select_n3A_17 = arith.select %gt3A_14, %rsqrt3A, %broadcast_in_dim3A_16 : vector<512x1xi1>, vector<512x1xf32>
    %get3A_18 = arith.constant 0 : index
    %get3A_19 = arith.constant 0 : index
    %get3A_20 = vector.load %arg1[%get3A_18, %get3A_19] : memref<512x128xf32, #tpu.memory_space<vmem>>, vector<512x128xf32>
    %get3A_21 = arith.constant 0 : index
    %get3A_22 = arith.constant 0 : index
    %get3A_23 = vector.load %arg2[%get3A_21, %get3A_22] : memref<512x128xf32, #tpu.memory_space<vmem>>, vector<512x128xf32>
    %add3A_24 = arith.addf %get3A_20, %get3A_23 : vector<512x128xf32>
    %get3A_25 = arith.constant 0 : index
    %get3A_26 = arith.constant 0 : index
    %get3A_27 = vector.load %arg3[%get3A_25, %get3A_26] : memref<512x128xf32, #tpu.memory_space<vmem>>, vector<512x128xf32>
    %add3A_28 = arith.addf %add3A_24, %get3A_27 : vector<512x128xf32>
    %mul3A_29 = vector.broadcast %select_n3A_17 : vector<512x1xf32> to vector<512x128xf32>
    %mul3A_30 = arith.mulf %mul3A_29, %add3A_28 : vector<512x128xf32>
    %get3A_31 = arith.constant 0 : index
    %get3A_32 = arith.constant 0 : index
    %get3A_33 = vector.load %arg6[%get3A_31, %get3A_32] : memref<1x128xf32, #tpu.memory_space<vmem>>, vector<1x128xf32>
    %add3A_34 = vector.broadcast %get3A_33 : vector<1x128xf32> to vector<512x128xf32>
    %add3A_35 = arith.addf %mul3A_30, %add3A_34 : vector<512x128xf32>
    %swap3A = arith.constant 0 : index
    %swap3A_36 = arith.constant 0 : index
    %swap3A_37 = vector.load %arg7[%swap3A, %swap3A_36] : memref<512x128xf32, #tpu.memory_space<vmem>>, vector<512x128xf32>
    tpu.vector_store %arg7[%swap3A, %swap3A_36], %add3A_35 {strides = array<i32>} : memref<512x128xf32, #tpu.memory_space<vmem>>, vector<512x128xf32>,
    return
  }
  func.func @transform_0(%arg0: i32) -> (i32, i32) {
    %c0_i32 = arith.constant 0 : i32
    %c0_i32_0 = arith.constant 0 : i32
    return %arg0, %c0_i32 : i32, i32
  }
  func.func @transform_1(%arg0: i32) -> (i32, i32) {
    %c0_i32 = arith.constant 0 : i32
    %c0_i32_0 = arith.constant 0 : i32
    return %arg0, %c0_i32 : i32, i32
  }
  func.func @transform_2(%arg0: i32) -> (i32, i32) {
    %c0_i32 = arith.constant 0 : i32
    %c0_i32_0 = arith.constant 0 : i32
    return %arg0, %c0_i32 : i32, i32
  }
  func.func @transform_3(%arg0: i32) -> (i32, i32) {
    %c0_i32 = arith.constant 0 : i32
    %c0_i32_0 = arith.constant 0 : i32
    return %arg0, %c0_i32 : i32, i32
  }
  func.func @transform_4(%arg0: i32) -> (i32, i32) {
    %c0_i32 = arith.constant 0 : i32
    %c0_i32_0 = arith.constant 0 : i32
    return %arg0, %c0_i32 : i32, i32
  }
  func.func @transform_5(%arg0: i32) -> (i32, i32) {
    %c0_i32 = arith.constant 0 : i32
    %c0_i32_0 = arith.constant 0 : i32
    %c0_i32_1 = arith.constant 0 : i32
    return %c0_i32, %c0_i32_0 : i32, i32
  }
  func.func @transform_6(%arg0: i32) -> (i32, i32) {
    %c0_i32 = arith.constant 0 : i32
    %c0_i32_0 = arith.constant 0 : i32
    return %arg0, %c0_i32 : i32, i32
  }
}

</mosaic_0001>

<sc_bundles>
// kernel: kernel.11.cloned.1.call-start
scs
__scs_entry_jumppad:
0x0: {  	(pc) =	sbr.rel $0x88, $3  }
0x1: {  	(tag) =	ssettag $0x0;
	lr =	simm.s32 $0x1  }
0x2: {  	[smem:$0x3F9B] =	sst lr;
	_ =	strace $0xD0000000  }
0x3: {  	_ = 	snop  }
0x4: {  	_ = 	snop  }
0x5: {  	_ = 	snop  }
0x6: {  	_ = 	snop  }
0x7: {  	_ = 	snop  }
__scs_overlays_trampoline_lowered:
0x8: {  	[smem:$0x3FAA] =	sst s0  }
0x9: {  	[smem:$0x3FAB] =	sst s1  }
0xa: {  	[smem:$0x3FAC] =	sst s2  }
0xb: {  	[smem:$0x3FAD] =	sst s3  }
0xc: {  	[smem:$0x3FAE] =	sst s4  }
0xd: {  	[smem:$0x3FAF] =	sst s5  }
0xe: {  	[smem:$0x3FB0] =	sst s6  }
0xf: {  	[smem:$0x3FB1] =	sst s7  }
0x10: {  	[smem:$0x3FB2] =	sst s8  }
0x11: {  	[smem:$0x3FB3] =	sst s9;
	s0 =	simm.s32 @!p0 $0x0  }
0x12: {  	s1 =	sld [smem:$0x3F99];
	s0 =	simm.s32 @p0 $0x1  }
0x13: {  	[smem:$0x3FB4] =	sst s0;
	s0 =	simm.s32 @!p1 $0x0  }
0x14: {  	s2 =	sld [smem:$0x3F98];
	s0 =	simm.s32 @p1 $0x1  }
0x15: {  	[smem:$0x3FB5] =	sst s0;
	s0 =	simm.s32 @!p2 $0x0  }
0x16: {  	s3 =	sld [smem:$0x3FDB];
	s0 =	simm.s32 @p2 $0x1  }
0x17: {  	s4 =	simm.s32 $0x1BF5;
	[smem:$0x3FB7] =	sst s0  }
0x18: {  	s0 =	sld [smem:$0x3F9A];
	_ =	swait.ge [sflag:s4], $0x0  }
0x19: {  	s7 =	sld [smem:$0x3F9B]  }
0x1a: {  	s8 =	sadd.s32 $0xFFFFE003, lr  }
0x1b: {  	s9 =	sadd.s32 $0xFFFFFEF7, lr;
	s5 =	simm.s32 $0xFFFFFFFF;
	p2 =	slt.u32 s8, $0xFFFFF086  }
0x1c: {  	p1 =	slt.u32 s9, $0xF7A;
	s5 =	simm.s32 @!p2 $0x0  }
0x1d: {  	s5 =	simm.s32 @p1 $0x1;
	p0 =	seq.s32 s7, s2  }
0x1e: {  	s7 =	smul.u32 @!p0 $0xF7A, s2;
	p2 =	seq.s32 @!p0 s5, $0x0  }
0x1f: {  	s9 =	smul.u32 $0xF7A, s1;
	s8 =	simm.s32 @!p0 $0x1BF5;
	p2 =	por !p2, p0  }
0x20: {  	[sflag:s8] =	ssyncset.s32 @!p0 $0xFFFFF086;
	s6 =	sadd.s32 @!p0 s3, s7;
	s7 =	simm.s32 @!p0 $0x108  }
0x21: {  	s3 =	sadd.s32 s3, s9;
	s6 =	sadd.s32 @!p0 $0x88, s6;
	s7 =	simm.s32 @p2 $0x1082  }
0x22: {  	[simem:s7], [sflag:s8] =	dma.local @!p0 [hbm:s6], $0xF7A  }
0x23: {  	s9 =	sor.u32 $0xD0000000, s2;
	s6 =	simm.s32 $0x108;
	_ =	swait.ge @!p0 [sflag:s8], $0x0  }
0x24: {  	s3 =	sadd.s32 $0x88, s3;
	s6 =	simm.s32 @!p1 $0x1082;
	[sflag:s4] =	ssyncset.s32 $0xFFFFF086  }
0x25: {  	[simem:s6], [sflag:s4] =	dma.local [hbm:s3], $0xF7A  }
0x26: {  	[smem:$0x3F9B] =	sst s1;
	(tag) =	ssettag s2;
	_ =	strace s9  }
0x27: {  	s1 =	sld [smem:$0x3FAB]  }
0x28: {  	s2 =	sld [smem:$0x3FAC]  }
0x29: {  	s4 =	sld [smem:$0x3FAE]  }
0x2a: {  	p0 =	seq.s32 s5, $0x0;
	s5 =	sld [smem:$0x3FAF]  }
0x2b: {  	s6 =	sld [smem:$0x3FB0]  }
0x2c: {  	s7 =	sld [smem:$0x3FB1]  }
0x2d: {  	s3 =	simm.s32 $0x108;
	s8 =	sld [smem:$0x3FB2]  }
0x2e: {  	s3 =	simm.s32 @!p0 $0x1082;
	s9 =	sld [smem:$0x3FB3]  }
0x2f: {  	lr =	sadd.s32 s0, s3;
	s0 =	sld [smem:$0x3FAA]  }
0x30: {  	s3 =	sld [smem:$0x3FAD]  }
0x31: {  	[smem:$0x3FB6] =	sst s10  }
0x32: {  	s10 =	sld [smem:$0x3FB4];
	_ =	sdelay $0x3  }
0x33: {  	p0 =	seq.s32 s10, $0x1;
	s10 =	sld [smem:$0x3FB6];
	_ =	sdelay $0x3  }
0x34: {  	[smem:$0x3FB6] =	sst s10  }
0x35: {  	s10 =	sld [smem:$0x3FB5];
	_ =	sdelay $0x3  }
0x36: {  	p1 =	seq.s32 s10, $0x1;
	s10 =	sld [smem:$0x3FB6];
	_ =	sdelay $0x3  }
0x37: {  	[smem:$0x3FB6] =	sst s10  }
0x38: {  	s10 =	sld [smem:$0x3FB7]  }
0x39: {  	_ = 	snop;
	(pc) =	sbr.ind lr, $3  }
0x3a: {  	_ = 	snop  }
0x3b: {  	_ = 	snop  }
0x3c: {  	p2 =	seq.s32 s10, $0x1;
	s10 =	sld [smem:$0x3FB6]  }
0x3d: {  	_ =	shalt  }
0x3e: {  	_ =	shalt  }
0x3f: {  	_ =	shalt  }
0x40: {  	_ =	shalt  }
0x41: {  	_ =	shalt  }
0x42: {  	_ =	shalt  }
0x43: {  	_ =	shalt  }
0x44: {  	_ =	shalt  }
0x45: {  	_ =	shalt  }
0x46: {  	_ =	shalt  }
0x47: {  	_ =	shalt  }
0x48: {  	_ =	shalt  }
0x49: {  	_ =	shalt  }
0x4a: {  	_ =	shalt  }
0x4b: {  	_ =	shalt  }
0x4c: {  	_ =	shalt  }
0x4d: {  	_ =	shalt  }
0x4e: {  	_ =	shalt  }
0x4f: {  	_ =	shalt  }
0x50: {  	_ =	shalt  }
0x51: {  	_ =	shalt  }
0x52: {  	_ =	shalt  }
0x53: {  	_ =	shalt  }
0x54: {  	_ =	shalt  }
0x55: {  	_ =	shalt  }
0x56: {  	_ =	shalt  }
0x57: {  	_ =	shalt  }
0x58: {  	_ =	shalt  }
0x59: {  	_ =	shalt  }
0x5a: {  	_ =	shalt  }
0x5b: {  	_ =	shalt  }
0x5c: {  	_ =	shalt  }
0x5d: {  	_ =	shalt  }
0x5e: {  	_ =	shalt  }
0x5f: {  	_ =	shalt  }
0x60: {  	_ =	shalt  }
0x61: {  	_ =	shalt  }
0x62: {  	_ =	shalt  }
0x63: {  	_ =	shalt  }
0x64: {  	_ =	shalt  }
0x65: {  	_ =	shalt  }
0x66: {  	_ =	shalt  }
0x67: {  	_ =	shalt  }
0x68: {  	_ =	shalt  }
0x69: {  	_ =	shalt  }
0x6a: {  	_ =	shalt  }
0x6b: {  	_ =	shalt  }
0x6c: {  	_ =	shalt  }
0x6d: {  	_ =	shalt  }
0x6e: {  	_ =	shalt  }
0x6f: {  	_ =	shalt  }
0x70: {  	_ =	shalt  }
0x71: {  	_ =	shalt  }
0x72: {  	_ =	shalt  }
0x73: {  	_ =	shalt  }
0x74: {  	_ =	shalt  }
0x75: {  	_ =	shalt  }
0x76: {  	_ =	shalt  }
0x77: {  	_ =	shalt  }
0x78: {  	_ =	shalt  }
0x79: {  	_ =	shalt  }
0x7a: {  	_ =	shalt  }
0x7b: {  	_ =	shalt  }
0x7c: {  	_ =	shalt  }
0x7d: {  	_ =	shalt  }
0x7e: {  	_ =	shalt  }
0x7f: {  	_ =	shalt  }
0x80: {  	_ =	shalt  }
0x81: {  	_ =	shalt  }
0x82: {  	_ =	shalt  }
0x83: {  	_ =	shalt  }
0x84: {  	_ =	shalt  }
0x85: {  	_ =	shalt  }
0x86: {  	_ =	shalt  }
0x87: {  	_ =	shalt  }
.Lfunc_end0:
.L_simem_size_0:
called_computation.1_lowered:
.L_overlay_start_0:
0x88: {  	s2 =	sld [smem:$0x3FD9]  }
0x89: {  	s3 =	sld [smem:$0x3FFE];
	_ =	sdelay $0x1  }
0x8a: {  	s1 =	srdreg.scid  }
0x8b: {  	s0 =	sand.u32 $0x1, s1  }
0x8c: {  	s17 =	sshll.u32 s0, $0xA;
	s2 =	sadd.s32 s3, s2  }
0x8d: {  	s2 =	sadd.s32 s2, s17  }
0x8e: {  	[smem:$0x3FC2] =	sst s2  }
0x8f: {  	_ = 	snop  }
0x90: {  	s2 =	sld [smem:$0x3FD0];
	(tm) =	ssettm $0x1  }
0x91: {  	s18 =	sld [smem:$0x3FFB];
	_ =	sdelay $0x3  }
0x92: {  	_ =	strace s18  }
0x93: {  	s3 =	sld [smem:$0x3FFC];
	_ =	sdelay $0x3  }
0x94: {  	_ =	strace s3  }
0x95: {  	s3 =	sld [smem:$0x3FFD];
	_ =	sdelay $0x3  }
0x96: {  	_ =	strace s3  }
0x97: {  	_ =	strace $0x8FFFFFFF  }
0x98: {  	s19 =	sld [smem:$0x3FDB];
	_ =	sdelay $0x1  }
0x99: {  	s4 =	simm.s32 $_scs_section_size  }
0x9a: {  	s5 =	simm.s32 $_size__tile_overlayer_lowered;
	s6 =	simm.s32 $_tile_overlayer_lowered  }
0x9b: {  	s22 =	simm.s32 $0x1BFF;
	s21 =	sshll.u32 s6, $0x1;
	s3 =	sadd.s32 s4, s19  }
0x9c: {  	s7 =	simm.s32 $0x0;
	s20 =	sshll.u32 s5, $0x1;
	s5 =	sadd.s32 s21, s3  }
0x9d: {  	[timem:s7], [sflag:s22] =	dma.local [hbm:s5], s20  }
0x9e: {  	_ =	swait.ge [sflag:s22], s20  }
0x9f: {  	s4 =	ssub.s32 $0x0, s20;
	[sflag:s22] =	ssyncset.done $0x0  }
0xa0: {  	[sflag:s22] =	ssyncadd.s32 s4;
	_ =	sdelay $0x1  }
0xa1: {  	s23 =	simm.s32 $0x1B8B  }
0xa2: {  	_ =	swait.ge [sflag:s23], $0x1  }
0xa3: {  	[sflag:s23] =	ssyncset.done $0x0  }
0xa4: {  	s25 =	simm.s32 $0x1B8E;
	s24 =	sld [smem:$0x3FFE];
	[sflag:s23] =	ssyncadd.s32 $0xFFFFFFFF  }
0xa5: {  	s26 =	simm.s32 $execute0_lowered;
	[smem:$0x3FD2] =	sst s25  }
0xa6: {  	s5 =	sshll.u32 s26, $0x1;
	_ =	strace $0x80000049;
	[dreg:$0x1] =	wrdreg $0xFFFFFFFF  }
0xa7: {  	s28 =	simm.s32 $_size_execute0_lowered;
	s3 =	sadd.s32 s3, s5;
	[dreg:$0x0] =	wrdreg $0x0  }
0xa8: {  	s5 =	sshll.u32 s28, $0x1;
	[dreg:$0x2] =	wrdreg s3  }
0xa9: {  	[dreg:$0x3] =	wrdreg s5  }
0xaa: {  	[dreg:$0x4] =	wrdreg $0xC0  }
0xab: {  	_ =	task [dreg:s7], $0x5FFFF  }
0xac: {  	[dreg:$0x1] =	wrdreg $0xFFFFFFFF  }
0xad: {  	[dreg:$0x0] =	wrdreg $0x60  }
0xae: {  	[dreg:$0x2] =	wrdreg s24  }
0xaf: {  	[dreg:$0x3] =	wrdreg s2  }
0xb0: {  	[dreg:$0x4] =	wrdreg $0xC0000  }
0xb1: {  	[dreg:$0x5] =	wrdreg $0x9  }
0xb2: {  	_ =	task.clear_ibuf [dreg:s7], $0x6FFFF;
	_ =	strace $0x90000049  }
0xb3: {  	s29 =	simm.s32 $0x9;
	_ =	strace $0x8000004B  }
0xb4: {  	_ =	swait.ge [sflag:s29], $0x1  }
0xb5: {  	[sflag:s29] =	ssyncadd.s32 $0xFFFFFFFF  }
0xb6: {  	_ =	strace $0x9000004B  }
0xb7: {  	_ =	sfence  }
0xb8: {  	s30 =	sld [smem:$0x0];
	_ =	sdelay $0x2  }
0xb9: {  	s31 =	sshll.u32 s1, $0xD;
	s1 =	sshrl.u32 s1, $0x2  }
0xba: {  	s3 =	sand.u32 $0x4000, s31;
	s1 =	sadd.s32 s1, s30  }
0xbb: {  	s0 =	sor.u32 s3, s0;
	s1 =	sshll.u32 s1, $0x11  }
0xbc: {  	s0 =	sor.u32 s1, s0  }
0xbd: {  	s0 =	sadd.s32 $0x8F2B, s0  }
0xbe: {  	[sflag:s0] =	ssyncadd.remote.s32 $0x1  }
0xbf: {  	_ =	sfence.sel $0xFFFF  }
0xc0: {  	[dreg:$0x0] =	wrdreg $0xFFFFFFFF;
	(pc) =	sbr.abs _section_cstart, $3  }
0xc1: {  	[dreg:$0x1] =	wrdreg $0xFFFFFFFF  }
0xc2: {  	_ =	task.clear_ibuf [dreg:s7], $0x2FFFF;
	_ =	strace $0x9FFFFFFF  }
0xc3: {  	(tm) =	ssettm $0x7FFFFFFF  }
tec
execute0_lowered:
.L_overlay_start_1:
0x0: {  	(tag) =	ssettag $0x1  }
0x1: {  	s0 =	rddreg [dreg:$0x0]  }
0x2: {  	s3 =	rddreg [dreg:$0x2];
	s1 =	srdreg.scid  }
0x3: {  	s10 =	stileid.u32;
	s4 =	simm.s32 $0x0;
	s14 =	simm.s32 $0x2800  }
0x4: {  	s28 =	simm.s32 $0x5;
	s29 =	simm.s32 $0x1400;
	s6 =	smul.u32 $0x280, s10  }
0x5: {  	s1 =	sand.u32 $0x1, s1;
	[smem:$0x7FF] =	sst s4;
	s8 =	smul.u32 $0x50000, s10  }
0x6: {  	s5 =	sadd.s32 $0x7C400, s0;
	s9 =	sadd.s32 $0x12E00, s0;
	s7 =	smul.u32 $0x2800, s1  }
0x7: {  	_ =	strace $0x8000004A;
	s15 =	ssub.s32 $0x2, s1;
	s8 =	sshrl.u32 s8, $0x2  }
0x8: {  	[dreg:$0x4] =	wrdreg s9;
	s16 =	sshrl.u32 s15, $0x1;
	s2 =	sadd.s32 s8, s3  }
0x9: {  	s7 =	sadd.s32 s6, s7;
	s17 =	sadd.s32 $0x2800, s2;
	[dreg:$0x15] =	wrdreg s2  }
0xa: {  	s6 =	sadd.s32 $0x63400, s0;
	s8 =	sadd.s32 $0x7800, s2;
	[dreg:$0x5] =	wrdreg s17  }
0xb: {  	s7 =	sshll.u32 s7, $0x4;
	s12 =	sadd.s32 $0xA000, s2;
	[dreg:$0x7] =	wrdreg s8  }
0xc: {  	s26 =	sadd.s32 $0xF000, s2;
	s0 =	sadd.s32 s7, s0;
	[dreg:$0x8] =	wrdreg s12  }
0xd: {  	s7 =	ssub.s32 s15, s16;
	s15 =	sadd.s32 $0x5000, s2;
	[dreg:$0x9] =	wrdreg s26  }
0xe: {  	s11 =	sadd.s32 $0xC800, s2;
	s2 =	sadd.s32 $0x11800, s2;
	[dreg:$0x6] =	wrdreg s15  }
0xf: {  	s30 =	simm.s32 $0x32;
	s18 =	sadd.s32 $0xA4400, s0;
	[dreg:$0xa] =	wrdreg s2  }
0x10: {  	s31 =	simm.s32 $0x5000;
	s19 =	sadd.s32 $0xA4900, s0;
	[dreg:$0xb] =	wrdreg s18  }
0x11: {  	s13 =	simm.s32 $0x0;
	s20 =	sadd.s32 $0xA4E00, s0;
	[dreg:$0xc] =	wrdreg s19  }
0x12: {  	s1 =	sshll.u32 s1, $0x4;
	s21 =	sadd.s32 $0xA5300, s0;
	[dreg:$0xd] =	wrdreg s20  }
0x13: {  	s9 =	simm.s32 $0x2700;
	s22 =	sadd.s32 $0xA5800, s0;
	[dreg:$0xe] =	wrdreg s21  }
0x14: {  	s1 =	sor.u32 s10, s1;
	s23 =	sadd.s32 $0xA5D00, s0;
	[dreg:$0xf] =	wrdreg s22  }
0x15: {  	s10 =	simm.s32 $0x2780;
	s24 =	sadd.s32 $0xA6200, s0;
	[dreg:$0x10] =	wrdreg s23  }
0x16: {  	s16 =	smul.u32 $0x5, s1;
	s0 =	sadd.s32 $0xA6700, s0;
	[dreg:$0x11] =	wrdreg s24  }
0x17: {  	s1 =	simm.s32 $0x6C00;
	s25 =	smax.u32 s7, $0x1;
	[dreg:$0x12] =	wrdreg s0  }
0x18: {  	s17 =	simm.s32 $0x8800;
	s7 =	simm.s32 $0x100;
	[dreg:$0x13] =	wrdreg s25  }
0x19: {  	s0 =	simm.s32 $0x80;
	s18 =	simm.s32 $0x1;
	s19 =	simm.s32 $0xA400  }
0x1a: {  	s20 =	simm.s32 $0x2;
	s21 =	simm.s32 $0x3;
	s22 =	simm.s32 $0x4  }
0x1b: {  	s23 =	simm.s32 $0x2600;
	s24 =	simm.s32 $0x1380;
	s25 =	simm.s32 $0x2680  }
.LBB2_1:
0x1c: {  	[dreg:$0x14] =	wrdreg s13  }
0x1d: {  	s13 =	simm.s32 $0x0;
	s4 =	smov.u32 s12;
	s12 =	rddreg [dreg:$0x4]  }
0x1e: {  	[tilespmem:s14], [sflag:$0x5] =	stream.linear.gather [hbm4b:s12+s13], $0x2800, $0x38;
	v63 =	vld [tilespmem:$0x0]  }
0x1f: {  	_ =	swait.ge [sflag:s28], $0x2800  }
0x20: {  	[sflag:s28] =	ssyncset.done $0x0  }
0x21: {  	s13 =	rddreg [dreg:$0x15];
	[sflag:s28] =	ssyncadd.s32 $0xFFFFD800  }
0x22: {  	[spmem:s13] =	stream.linear.scatter [tilespmem:s14], [sflag:$0x5], $0x2800, $0x38;
	v63 =	vld [tilespmem:$0x0]  }
0x23: {  	_ =	swait.ge [sflag:s28], $0x2800  }
0x24: {  	s12 =	smov.u32 s8;
	[sflag:s28] =	ssyncset.done $0x0  }
0x25: {  	s8 =	smov.u32 s13;
	s13 =	rddreg [dreg:$0x5];
	[sflag:s28] =	ssyncadd.s32 $0xFFFFD800  }
0x26: {  	[spmem:s13] =	stream.linear.scatter [tilespmem:s14], [sflag:$0x5], $0x2800, $0x38;
	v63 =	vld [tilespmem:$0x0]  }
0x27: {  	_ =	swait.ge [sflag:s28], $0x2800  }
0x28: {  	[sflag:s28] =	ssyncset.done $0x0  }
0x29: {  	[sflag:s28] =	ssyncadd.s32 $0xFFFFD800  }
0x2a: {  	[spmem:s15] =	stream.linear.scatter [tilespmem:s14], [sflag:$0x5], $0x2800, $0x38;
	v63 =	vld [tilespmem:$0x0]  }
0x2b: {  	_ =	swait.ge [sflag:s28], $0x2800  }
0x2c: {  	[sflag:s28] =	ssyncset.done $0x0  }
0x2d: {  	[sflag:s28] =	ssyncadd.s32 $0xFFFFD800  }
0x2e: {  	[spmem:s12] =	stream.linear.scatter [tilespmem:s14], [sflag:$0x5], $0x2800, $0x38;
	v63 =	vld [tilespmem:$0x0]  }
0x2f: {  	_ =	swait.ge [sflag:s28], $0x2800  }
0x30: {  	[sflag:s28] =	ssyncset.done $0x0  }
0x31: {  	[sflag:s28] =	ssyncadd.s32 $0xFFFFD800  }
0x32: {  	[spmem:s4] =	stream.linear.scatter [tilespmem:s14], [sflag:$0x5], $0x2800, $0x38;
	v63 =	vld [tilespmem:$0x0]  }
0x33: {  	_ =	swait.ge [sflag:s28], $0x2800  }
0x34: {  	[sflag:s28] =	ssyncset.done $0x0  }
0x35: {  	[sflag:s28] =	ssyncadd.s32 $0xFFFFD800  }
0x36: {  	[spmem:s11] =	stream.linear.scatter [tilespmem:s14], [sflag:$0x5], $0x2800, $0x38;
	v63 =	vld [tilespmem:$0x0]  }
0x37: {  	_ =	swait.ge [sflag:s28], $0x2800  }
0x38: {  	[sflag:s28] =	ssyncset.done $0x0  }
0x39: {  	[sflag:s28] =	ssyncadd.s32 $0xFFFFD800  }
0x3a: {  	[spmem:s26] =	stream.linear.scatter [tilespmem:s14], [sflag:$0x5], $0x2800, $0x38;
	v63 =	vld [tilespmem:$0x0]  }
0x3b: {  	_ =	swait.ge [sflag:s28], $0x2800  }
0x3c: {  	[sflag:s28] =	ssyncset.done $0x0  }
0x3d: {  	[sflag:s28] =	ssyncadd.s32 $0xFFFFD800  }
0x3e: {  	[spmem:s2] =	stream.linear.scatter [tilespmem:s14], [sflag:$0x5], $0x2800, $0x38;
	v63 =	vld [tilespmem:$0x0]  }
0x3f: {  	_ =	swait.ge [sflag:s28], $0x2800  }
0x40: {  	[sflag:s28] =	ssyncset.done $0x0  }
0x41: {  	[sflag:s28] =	ssyncadd.s32 $0xFFFFD800  }
0x42: {  	[bflag:$0x0] =	sbarrier.arrive $0xFFFF  }
0x43: {  	s12 =	simm.s32 $0x0;
	s2 =	rddreg [dreg:$0x1]  }
.LBB2_2:
0x44: {  	s13 =	sadd.s32 s16, s12  }
0x45: {  	s13 =	smul.u32 $0x280, s13;
	_ =	sdelay $0x1  }
0x46: {  	s15 =	simm.s32 $0x0;
	s14 =	sadd.s32 s2, s13  }
0x47: {  	[tilespmem:s15], [sflag:$0x5] =	stream.linear.gather [hbm4b:s14+s15], $0x1400, $0x38;
	v63 =	vld [tilespmem:$0x0]  }
0x48: {  	_ =	swait.ge [sflag:s28], $0x1400  }
0x49: {  	[sflag:s28] =	ssyncset.done $0x0  }
0x4a: {  	s13 =	sadd.s32 s6, s13;
	[sflag:s28] =	ssyncadd.s32 $0xFFFFEC00  }
0x4b: {  	[tilespmem:s29], [sflag:$0x5] =	stream.linear.gather [hbm4b:s13+s15], $0x1400, $0x38;
	v63 =	vld [tilespmem:$0x0]  }
0x4c: {  	_ =	swait.ge [sflag:s28], $0x1400  }
0x4d: {  	[sflag:s28] =	ssyncset.done $0x0  }
0x4e: {  	[sflag:s28] =	ssyncadd.s32 $0xFFFFEC00  }
0x4f: {  	[tilespmem:s31], [sflag:$0x1] =	stream.indirect.gather [hbm4b:s5+s30], $0x80, s15, s30, $0xb8;
	v63 =	vld [tilespmem:$0x0]  }
0x50: {  	_ = 	snop  }
0x51: {  	[tilespmem:s1], [sflag:$0x2] =	stream.indirect.gather [hbm4b:s5+s30], $0x80, s0, s30, $0xb8;
	v63 =	vld [tilespmem:$0x0]  }
0x52: {  	_ = 	snop  }
0x53: {  	[tilespmem:s17], [sflag:$0x3] =	stream.indirect.gather [hbm4b:s5+s30], $0x80, s7, s30, $0xb8;
	v63 =	vld [tilespmem:$0x0]  }
0x54: {  	_ =	swait.ge [sflag:s18], $0x1900  }
0x55: {  	[sflag:s18] =	ssyncset.done $0x0  }
0x56: {  	s14 =	simm.s32 $0x1400;
	[sflag:s18] =	ssyncadd.s32 $0xFFFFE700  }
0x57: {  	[spmem:s3] =	stream.indirect.scatter.add.f32 [tilespmem:s31], [sflag:$0x5], $0x80, s14, s30, $0xb8;
	v63 =	vld [tilespmem:$0x0]  }
0x58: {  	_ =	swait.ge [sflag:s28], $0x1900  }
0x59: {  	[sflag:s28] =	ssyncset.done $0x0  }
0x5a: {  	s15 =	simm.s32 $0x180;
	[sflag:s28] =	ssyncadd.s32 $0xFFFFE700  }
0x5b: {  	[tilespmem:s19], [sflag:$0x4] =	stream.indirect.gather [hbm4b:s5+s30], $0x80, s15, s30, $0xb8;
	v63 =	vld [tilespmem:$0x0]  }
0x5c: {  	_ =	swait.ge [sflag:s20], $0x1900  }
0x5d: {  	[sflag:s20] =	ssyncset.done $0x0  }
0x5e: {  	s26 =	simm.s32 $0x1480;
	[sflag:s20] =	ssyncadd.s32 $0xFFFFE700  }
0x5f: {  	[spmem:s3] =	stream.indirect.scatter.add.f32 [tilespmem:s1], [sflag:$0x5], $0x80, s26, s30, $0xb8;
	v63 =	vld [tilespmem:$0x0]  }
0x60: {  	_ =	swait.ge [sflag:s28], $0x1900  }
0x61: {  	[sflag:s28] =	ssyncset.done $0x0  }
0x62: {  	s4 =	simm.s32 $0x200;
	[sflag:s28] =	ssyncadd.s32 $0xFFFFE700  }
0x63: {  	[tilespmem:s31], [sflag:$0x1] =	stream.indirect.gather [hbm4b:s5+s30], $0x80, s4, s30, $0xb8;
	v63 =	vld [tilespmem:$0x0]  }
0x64: {  	_ =	swait.ge [sflag:s21], $0x1900  }
0x65: {  	[sflag:s21] =	ssyncset.done $0x0  }
0x66: {  	s14 =	simm.s32 $0x1500;
	[sflag:s21] =	ssyncadd.s32 $0xFFFFE700  }
0x67: {  	[spmem:s3] =	stream.indirect.scatter.add.f32 [tilespmem:s17], [sflag:$0x5], $0x80, s14, s30, $0xb8;
	v63 =	vld [tilespmem:$0x0]  }
0x68: {  	_ =	swait.ge [sflag:s28], $0x1900  }
0x69: {  	[sflag:s28] =	ssyncset.done $0x0  }
0x6a: {  	s15 =	simm.s32 $0x280;
	[sflag:s28] =	ssyncadd.s32 $0xFFFFE700  }
0x6b: {  	[tilespmem:s1], [sflag:$0x2] =	stream.indirect.gather [hbm4b:s5+s30], $0x80, s15, s30, $0xb8;
	v63 =	vld [tilespmem:$0x0]  }
0x6c: {  	_ =	swait.ge [sflag:s22], $0x1900  }
0x6d: {  	[sflag:s22] =	ssyncset.done $0x0  }
0x6e: {  	s26 =	simm.s32 $0x1580;
	[sflag:s22] =	ssyncadd.s32 $0xFFFFE700  }
0x6f: {  	[spmem:s3] =	stream.indirect.scatter.add.f32 [tilespmem:s19], [sflag:$0x5], $0x80, s26, s30, $0xb8;
	v63 =	vld [tilespmem:$0x0]  }
0x70: {  	_ =	swait.ge [sflag:s28], $0x1900  }
0x71: {  	[sflag:s28] =	ssyncset.done $0x0  }
0x72: {  	s13 =	simm.s32 $0x800;
	s14 =	simm.s32 $0x300;
	[sflag:s28] =	ssyncadd.s32 $0xFFFFE700  }
.LBB2_3:
0x73: {  	[tilespmem:s17], [sflag:$0x3] =	stream.indirect.gather [hbm4b:s5+s30], $0x80, s14, s30, $0xb8;
	v63 =	vld [tilespmem:$0x0]  }
0x74: {  	s14 =	smov.u32 s13  }
0x75: {  	p0 =	sne.s32 s13, $0x4000;
	s13 =	sadd.s32 $0x800, s13;
	_ =	swait.ge [sflag:s18], $0x1900  }
0x76: {  	s14 =	sshra.s32 s14, $0x2;
	[sflag:s18] =	ssyncset.done $0x0  }
0x77: {  	s15 =	sadd.s32 $0x1400, s14;
	[sflag:s18] =	ssyncadd.s32 $0xFFFFE700  }
0x78: {  	[spmem:s3] =	stream.indirect.scatter.add.f32 [tilespmem:s31], [sflag:$0x5], $0x80, s15, s30, $0xb8;
	v63 =	vld [tilespmem:$0x0]  }
0x79: {  	_ =	swait.ge [sflag:s28], $0x1900  }
0x7a: {  	[sflag:s28] =	ssyncset.done $0x0  }
0x7b: {  	s15 =	sadd.s32 $0x180, s14;
	[sflag:s28] =	ssyncadd.s32 $0xFFFFE700  }
0x7c: {  	[tilespmem:s19], [sflag:$0x4] =	stream.indirect.gather [hbm4b:s5+s30], $0x80, s15, s30, $0xb8;
	v63 =	vld [tilespmem:$0x0]  }
0x7d: {  	_ =	swait.ge [sflag:s20], $0x1900  }
0x7e: {  	[sflag:s20] =	ssyncset.done $0x0  }
0x7f: {  	s15 =	sadd.s32 $0x1480, s14;
	[sflag:s20] =	ssyncadd.s32 $0xFFFFE700  }
0x80: {  	[spmem:s3] =	stream.indirect.scatter.add.f32 [tilespmem:s1], [sflag:$0x5], $0x80, s15, s30, $0xb8;
	v63 =	vld [tilespmem:$0x0]  }
0x81: {  	_ =	swait.ge [sflag:s28], $0x1900  }
0x82: {  	[sflag:s28] =	ssyncset.done $0x0  }
0x83: {  	s15 =	sadd.s32 $0x200, s14;
	[sflag:s28] =	ssyncadd.s32 $0xFFFFE700  }
0x84: {  	[tilespmem:s31], [sflag:$0x1] =	stream.indirect.gather [hbm4b:s5+s30], $0x80, s15, s30, $0xb8;
	v63 =	vld [tilespmem:$0x0]  }
0x85: {  	_ =	swait.ge [sflag:s21], $0x1900  }
0x86: {  	[sflag:s21] =	ssyncset.done $0x0  }
0x87: {  	s15 =	sadd.s32 $0x1500, s14;
	[sflag:s21] =	ssyncadd.s32 $0xFFFFE700  }
0x88: {  	[spmem:s3] =	stream.indirect.scatter.add.f32 [tilespmem:s17], [sflag:$0x5], $0x80, s15, s30, $0xb8;
	v63 =	vld [tilespmem:$0x0]  }
0x89: {  	_ =	swait.ge [sflag:s28], $0x1900  }
0x8a: {  	[sflag:s28] =	ssyncset.done $0x0  }
0x8b: {  	s15 =	sadd.s32 $0x280, s14;
	[sflag:s28] =	ssyncadd.s32 $0xFFFFE700  }
0x8c: {  	[tilespmem:s1], [sflag:$0x2] =	stream.indirect.gather [hbm4b:s5+s30], $0x80, s15, s30, $0xb8;
	v63 =	vld [tilespmem:$0x0]  }
0x8d: {  	_ =	swait.ge [sflag:s22], $0x1900  }
0x8e: {  	[sflag:s22] =	ssyncset.done $0x0  }
.Ltmp0:
0x8f: {  	s15 =	sadd.s32 $0x1580, s14;
	[sflag:s22] =	ssyncadd.s32 $0xFFFFE700;
	(pc) =	sbr.rel @p0 .LBB2_3-.Ltmp0, $4  }
0x90: {  	[spmem:s3] =	stream.indirect.scatter.add.f32 [tilespmem:s19], [sflag:$0x5], $0x80, s15, s30, $0xb8;
	v63 =	vld [tilespmem:$0x0]  }
0x91: {  	_ =	swait.ge [sflag:s28], $0x1900  }
0x92: {  	[sflag:s28] =	ssyncset.done $0x0  }
0x93: {  	s14 =	sadd.s32 $0x300, s14;
	[sflag:s28] =	ssyncadd.s32 $0xFFFFE700  }
0x94: {  	[tilespmem:s17], [sflag:$0x3] =	stream.indirect.gather [hbm4b:s5+s30], $0x80, s14, s30, $0xb8;
	v63 =	vld [tilespmem:$0x0]  }
0x95: {  	_ =	swait.ge [sflag:s18], $0x1900  }
0x96: {  	[sflag:s18] =	ssyncset.done $0x0  }
0x97: {  	[sflag:s18] =	ssyncadd.s32 $0xFFFFE700  }
0x98: {  	[spmem:s3] =	stream.indirect.scatter.add.f32 [tilespmem:s31], [sflag:$0x5], $0x80, s23, s30, $0xb8;
	v63 =	vld [tilespmem:$0x0]  }
0x99: {  	_ =	swait.ge [sflag:s28], $0x1900  }
0x9a: {  	[sflag:s28] =	ssyncset.done $0x0  }
0x9b: {  	[sflag:s28] =	ssyncadd.s32 $0xFFFFE700  }
0x9c: {  	[tilespmem:s19], [sflag:$0x4] =	stream.indirect.gather [hbm4b:s5+s30], $0x80, s24, s30, $0xb8;
	v63 =	vld [tilespmem:$0x0]  }
0x9d: {  	_ =	swait.ge [sflag:s20], $0x1900  }
0x9e: {  	[sflag:s20] =	ssyncset.done $0x0  }
0x9f: {  	[sflag:s20] =	ssyncadd.s32 $0xFFFFE700  }
0xa0: {  	[spmem:s3] =	stream.indirect.scatter.add.f32 [tilespmem:s1], [sflag:$0x5], $0x80, s25, s30, $0xb8;
	v63 =	vld [tilespmem:$0x0]  }
0xa1: {  	_ =	swait.ge [sflag:s28], $0x1900  }
0xa2: {  	[sflag:s28] =	ssyncset.done $0x0  }
0xa3: {  	[sflag:s28] =	ssyncadd.s32 $0xFFFFE700  }
0xa4: {  	_ =	swait.ge [sflag:s21], $0x1900  }
0xa5: {  	[sflag:s21] =	ssyncset.done $0x0  }
0xa6: {  	[sflag:s21] =	ssyncadd.s32 $0xFFFFE700  }
0xa7: {  	[spmem:s3] =	stream.indirect.scatter.add.f32 [tilespmem:s17], [sflag:$0x5], $0x80, s9, s30, $0xb8;
	v63 =	vld [tilespmem:$0x0]  }
0xa8: {  	_ =	swait.ge [sflag:s28], $0x1900  }
0xa9: {  	[sflag:s28] =	ssyncset.done $0x0  }
0xaa: {  	[sflag:s28] =	ssyncadd.s32 $0xFFFFE700  }
0xab: {  	s12 =	sadd.s32 $0x1, s12;
	_ =	swait.ge [sflag:s22], $0x1900  }
0xac: {  	p0 =	sne.s32 s12, $0x5;
	[sflag:s22] =	ssyncset.done $0x0  }
.Ltmp1:
0xad: {  	[sflag:s22] =	ssyncadd.s32 $0xFFFFE700;
	(pc) =	sbr.rel @p0 .LBB2_2-.Ltmp1, $4  }
0xae: {  	[spmem:s3] =	stream.indirect.scatter.add.f32 [tilespmem:s19], [sflag:$0x5], $0x80, s10, s30, $0xb8;
	v63 =	vld [tilespmem:$0x0]  }
0xaf: {  	_ =	swait.ge [sflag:s28], $0x1900  }
0xb0: {  	[sflag:s28] =	ssyncset.done $0x0  }
0xb1: {  	[sflag:s28] =	ssyncadd.s32 $0xFFFFE700  }
0xb2: {  	[bflag:$0x0] =	sbarrier.arrive $0xFFFF;
	s13 =	simm.s32 $0x2800  }
0xb3: {  	[tilespmem:s13], [sflag:$0x5] =	stream.linear.gather [spmem:s8], $0x2800, $0x38;
	v63 =	vld [tilespmem:$0x0]  }
0xb4: {  	_ =	swait.ge [sflag:s28], $0x2800  }
0xb5: {  	[sflag:s28] =	ssyncset.done $0x0  }
0xb6: {  	s4 =	simm.s32 $0x0;
	s2 =	rddreg [dreg:$0xb];
	[sflag:s28] =	ssyncadd.s32 $0xFFFFD800  }
0xb7: {  	[hbm4b:s2+s4] =	stream.linear.scatter [tilespmem:s13], [sflag:$0x5], $0x2800, $0x38;
	v63 =	vld [tilespmem:$0x0]  }
0xb8: {  	_ =	swait.ge [sflag:s28], $0x2800  }
0xb9: {  	[sflag:s28] =	ssyncset.done $0x0  }
0xba: {  	s15 =	rddreg [dreg:$0x5];
	[sflag:s28] =	ssyncadd.s32 $0xFFFFD800  }
0xbb: {  	[tilespmem:s13], [sflag:$0x5] =	stream.linear.gather [spmem:s15], $0x2800, $0x38;
	v63 =	vld [tilespmem:$0x0]  }
0xbc: {  	_ =	swait.ge [sflag:s28], $0x2800  }
0xbd: {  	[sflag:s28] =	ssyncset.done $0x0  }
0xbe: {  	s26 =	rddreg [dreg:$0xc];
	[sflag:s28] =	ssyncadd.s32 $0xFFFFD800  }
0xbf: {  	[hbm4b:s26+s4] =	stream.linear.scatter [tilespmem:s13], [sflag:$0x5], $0x2800, $0x38;
	v63 =	vld [tilespmem:$0x0]  }
0xc0: {  	_ =	swait.ge [sflag:s28], $0x2800  }
0xc1: {  	[sflag:s28] =	ssyncset.done $0x0  }
0xc2: {  	s15 =	rddreg [dreg:$0x6];
	[sflag:s28] =	ssyncadd.s32 $0xFFFFD800  }
0xc3: {  	[tilespmem:s13], [sflag:$0x5] =	stream.linear.gather [spmem:s15], $0x2800, $0x38;
	v63 =	vld [tilespmem:$0x0]  }
0xc4: {  	_ =	swait.ge [sflag:s28], $0x2800  }
0xc5: {  	[sflag:s28] =	ssyncset.done $0x0  }
0xc6: {  	s8 =	rddreg [dreg:$0xd];
	[sflag:s28] =	ssyncadd.s32 $0xFFFFD800  }
0xc7: {  	[hbm4b:s8+s4] =	stream.linear.scatter [tilespmem:s13], [sflag:$0x5], $0x2800, $0x38;
	v63 =	vld [tilespmem:$0x0]  }
0xc8: {  	_ =	swait.ge [sflag:s28], $0x2800  }
0xc9: {  	[sflag:s28] =	ssyncset.done $0x0  }
0xca: {  	s8 =	rddreg [dreg:$0x7];
	[sflag:s28] =	ssyncadd.s32 $0xFFFFD800  }
0xcb: {  	[tilespmem:s13], [sflag:$0x5] =	stream.linear.gather [spmem:s8], $0x2800, $0x38;
	v63 =	vld [tilespmem:$0x0]  }
0xcc: {  	_ =	swait.ge [sflag:s28], $0x2800  }
0xcd: {  	[sflag:s28] =	ssyncset.done $0x0  }
0xce: {  	s12 =	rddreg [dreg:$0xe];
	[sflag:s28] =	ssyncadd.s32 $0xFFFFD800  }
0xcf: {  	[hbm4b:s12+s4] =	stream.linear.scatter [tilespmem:s13], [sflag:$0x5], $0x2800, $0x38;
	v63 =	vld [tilespmem:$0x0]  }
0xd0: {  	_ =	swait.ge [sflag:s28], $0x2800  }
0xd1: {  	[sflag:s28] =	ssyncset.done $0x0  }
0xd2: {  	s12 =	rddreg [dreg:$0x8];
	[sflag:s28] =	ssyncadd.s32 $0xFFFFD800  }
0xd3: {  	[tilespmem:s13], [sflag:$0x5] =	stream.linear.gather [spmem:s12], $0x2800, $0x38;
	v63 =	vld [tilespmem:$0x0]  }
0xd4: {  	_ =	swait.ge [sflag:s28], $0x2800  }
0xd5: {  	[sflag:s28] =	ssyncset.done $0x0  }
0xd6: {  	s14 =	rddreg [dreg:$0xf];
	[sflag:s28] =	ssyncadd.s32 $0xFFFFD800  }
0xd7: {  	[hbm4b:s14+s4] =	stream.linear.scatter [tilespmem:s13], [sflag:$0x5], $0x2800, $0x38;
	v63 =	vld [tilespmem:$0x0]  }
0xd8: {  	_ =	swait.ge [sflag:s28], $0x2800  }
0xd9: {  	[sflag:s28] =	ssyncset.done $0x0  }
0xda: {  	[sflag:s28] =	ssyncadd.s32 $0xFFFFD800  }
0xdb: {  	[tilespmem:s13], [sflag:$0x5] =	stream.linear.gather [spmem:s11], $0x2800, $0x38;
	v63 =	vld [tilespmem:$0x0]  }
0xdc: {  	_ =	swait.ge [sflag:s28], $0x2800  }
0xdd: {  	[sflag:s28] =	ssyncset.done $0x0  }
0xde: {  	s26 =	rddreg [dreg:$0x10];
	[sflag:s28] =	ssyncadd.s32 $0xFFFFD800  }
0xdf: {  	[hbm4b:s26+s4] =	stream.linear.scatter [tilespmem:s13], [sflag:$0x5], $0x2800, $0x38;
	v63 =	vld [tilespmem:$0x0]  }
0xe0: {  	_ =	swait.ge [sflag:s28], $0x2800  }
0xe1: {  	[sflag:s28] =	ssyncset.done $0x0  }
0xe2: {  	s26 =	rddreg [dreg:$0x9];
	[sflag:s28] =	ssyncadd.s32 $0xFFFFD800  }
0xe3: {  	[tilespmem:s13], [sflag:$0x5] =	stream.linear.gather [spmem:s26], $0x2800, $0x38;
	v63 =	vld [tilespmem:$0x0]  }
0xe4: {  	_ =	swait.ge [sflag:s28], $0x2800  }
0xe5: {  	[sflag:s28] =	ssyncset.done $0x0  }
0xe6: {  	s14 =	rddreg [dreg:$0x11];
	[sflag:s28] =	ssyncadd.s32 $0xFFFFD800  }
0xe7: {  	[hbm4b:s14+s4] =	stream.linear.scatter [tilespmem:s13], [sflag:$0x5], $0x2800, $0x38;
	v63 =	vld [tilespmem:$0x0]  }
0xe8: {  	_ =	swait.ge [sflag:s28], $0x2800  }
0xe9: {  	[sflag:s28] =	ssyncset.done $0x0  }
0xea: {  	s2 =	rddreg [dreg:$0xa];
	[sflag:s28] =	ssyncadd.s32 $0xFFFFD800  }
0xeb: {  	[tilespmem:s13], [sflag:$0x5] =	stream.linear.gather [spmem:s2], $0x2800, $0x38;
	v63 =	vld [tilespmem:$0x0]  }
0xec: {  	_ =	swait.ge [sflag:s28], $0x2800  }
0xed: {  	[sflag:s28] =	ssyncset.done $0x0  }
0xee: {  	s14 =	rddreg [dreg:$0x12];
	[sflag:s28] =	ssyncadd.s32 $0xFFFFD800  }
0xef: {  	[hbm4b:s14+s4] =	stream.linear.scatter [tilespmem:s13], [sflag:$0x5], $0x2800, $0x38;
	v63 =	vld [tilespmem:$0x0]  }
0xf0: {  	_ =	swait.ge [sflag:s28], $0x2800  }
0xf1: {  	s4 =	rddreg [dreg:$0x14]  }
0xf2: {  	s13 =	sadd.s32 $0x1, s4;
	s4 =	rddreg [dreg:$0x13]  }
0xf3: {  	p0 =	sne.s32 s13, s4  }
.Ltmp2:
0xf4: {  	_ = 	snop;
	(pc) =	sbr.rel @p0 .LBB2_1-.Ltmp2, $3  }
0xf5: {  	_ =	sdelay $0x1  }
0xf6: {  	[sflag:s28] =	ssyncset.done $0x0  }
0xf7: {  	s14 =	simm.s32 $0x2800;
	[sflag:s28] =	ssyncadd.s32 $0xFFFFD800  }
0xf8: {  	_ =	sfence.sel $0x180000  }
0xf9: {  	[bflag:$0x0] =	sbarrier.arrive $0xFFFF  }
0xfa: {  	_ =	strace $0x9000004A  }
0xfb: {  	s0 =	stileid.u32;
	[bflag:$0x2] =	sbarrier.arrive $0xFFFF  }
0xfc: {  	p0 =	sne.s32 s0, $0x0;
	s0 =	rddreg [dreg:$0x3]  }
0xfd: {  	s0 =	sadd.s32 @!p0 $0x100000, s0  }
0xfe: {  	[sflag:s0] =	ssyncadd.tile.s32 @!p0 $0x1;
	_ =	shalt  }
.Lfunc_end2:
_tile_overlayer_lowered:
.L_overlay_start_2:
0xff: {  	(tag) =	ssettag $0x2  }
0x100: {  	s0 =	rddreg [dreg:$0x0];
	s2 =	stileid.u32  }
0x101: {  	s1 =	rddreg [dreg:$0x1];
	p0 =	sne.s32 s2, $0x0  }
0x102: {  	s3 =	rddreg [dreg:$0x2];
	[bflag:$0x3] =	sbarrier.arrive $0xFFFF;
	s2 =	simm.s32 @!p0 $0x1C05  }
0x103: {  	[timem:s3], [sflag:s2] =	dma.local @!p0 [hbm:s0], s1  }
0x104: {  	s0 =	simm.s32 @!p0 $0x5  }
0x105: {  	_ =	swait.ge @!p0 [sflag:s0], s1  }
0x106: {  	s1 =	ssub.s32 @!p0 $0x0, s1;
	[sflag:s0] =	ssyncset.done @!p0 $0x0  }
0x107: {  	[sflag:s0] =	ssyncadd.s32 @!p0 s1  }
0x108: {  	[bflag:$0x3] =	sbarrier.arrive $0xFFFF  }
0x109: {  	_ =	shalt  }

// kernel: kernel.14.cloned.1.call-start
scs
__scs_entry_jumppad:
0x0: {  	(pc) =	sbr.rel $0x88, $3  }
0x1: {  	(tag) =	ssettag $0x0;
	lr =	simm.s32 $0x1  }
0x2: {  	[smem:$0x3F9B] =	sst lr;
	_ =	strace $0xD0000000  }
0x3: {  	_ = 	snop  }
0x4: {  	_ = 	snop  }
0x5: {  	_ = 	snop  }
0x6: {  	_ = 	snop  }
0x7: {  	_ = 	snop  }
__scs_overlays_trampoline_lowered:
0x8: {  	[smem:$0x3FAA] =	sst s0  }
0x9: {  	[smem:$0x3FAB] =	sst s1  }
0xa: {  	[smem:$0x3FAC] =	sst s2  }
0xb: {  	[smem:$0x3FAD] =	sst s3  }
0xc: {  	[smem:$0x3FAE] =	sst s4  }
0xd: {  	[smem:$0x3FAF] =	sst s5  }
0xe: {  	[smem:$0x3FB0] =	sst s6  }
0xf: {  	[smem:$0x3FB1] =	sst s7  }
0x10: {  	[smem:$0x3FB2] =	sst s8  }
0x11: {  	[smem:$0x3FB3] =	sst s9;
	s0 =	simm.s32 @!p0 $0x0  }
0x12: {  	s1 =	sld [smem:$0x3F99];
	s0 =	simm.s32 @p0 $0x1  }
0x13: {  	[smem:$0x3FB4] =	sst s0;
	s0 =	simm.s32 @!p1 $0x0  }
0x14: {  	s2 =	sld [smem:$0x3F98];
	s0 =	simm.s32 @p1 $0x1  }
0x15: {  	[smem:$0x3FB5] =	sst s0;
	s0 =	simm.s32 @!p2 $0x0  }
0x16: {  	s3 =	sld [smem:$0x3FDB];
	s0 =	simm.s32 @p2 $0x1  }
0x17: {  	s4 =	simm.s32 $0x1BF5;
	[smem:$0x3FB7] =	sst s0  }
0x18: {  	s0 =	sld [smem:$0x3F9A];
	_ =	swait.ge [sflag:s4], $0x0  }
0x19: {  	s7 =	sld [smem:$0x3F9B]  }
0x1a: {  	s8 =	sadd.s32 $0xFFFFE003, lr  }
0x1b: {  	s9 =	sadd.s32 $0xFFFFFEF7, lr;
	s5 =	simm.s32 $0xFFFFFFFF;
	p2 =	slt.u32 s8, $0xFFFFF086  }
0x1c: {  	p1 =	slt.u32 s9, $0xF7A;
	s5 =	simm.s32 @!p2 $0x0  }
0x1d: {  	s5 =	simm.s32 @p1 $0x1;
	p0 =	seq.s32 s7, s2  }
0x1e: {  	s7 =	smul.u32 @!p0 $0xF7A, s2;
	p2 =	seq.s32 @!p0 s5, $0x0  }
0x1f: {  	s9 =	smul.u32 $0xF7A, s1;
	s8 =	simm.s32 @!p0 $0x1BF5;
	p2 =	por !p2, p0  }
0x20: {  	[sflag:s8] =	ssyncset.s32 @!p0 $0xFFFFF086;
	s6 =	sadd.s32 @!p0 s3, s7;
	s7 =	simm.s32 @!p0 $0x108  }
0x21: {  	s3 =	sadd.s32 s3, s9;
	s6 =	sadd.s32 @!p0 $0x88, s6;
	s7 =	simm.s32 @p2 $0x1082  }
0x22: {  	[simem:s7], [sflag:s8] =	dma.local @!p0 [hbm:s6], $0xF7A  }
0x23: {  	s9 =	sor.u32 $0xD0000000, s2;
	s6 =	simm.s32 $0x108;
	_ =	swait.ge @!p0 [sflag:s8], $0x0  }
0x24: {  	s3 =	sadd.s32 $0x88, s3;
	s6 =	simm.s32 @!p1 $0x1082;
	[sflag:s4] =	ssyncset.s32 $0xFFFFF086  }
0x25: {  	[simem:s6], [sflag:s4] =	dma.local [hbm:s3], $0xF7A  }
0x26: {  	[smem:$0x3F9B] =	sst s1;
	(tag) =	ssettag s2;
	_ =	strace s9  }
0x27: {  	s1 =	sld [smem:$0x3FAB]  }
0x28: {  	s2 =	sld [smem:$0x3FAC]  }
0x29: {  	s4 =	sld [smem:$0x3FAE]  }
0x2a: {  	p0 =	seq.s32 s5, $0x0;
	s5 =	sld [smem:$0x3FAF]  }
0x2b: {  	s6 =	sld [smem:$0x3FB0]  }
0x2c: {  	s7 =	sld [smem:$0x3FB1]  }
0x2d: {  	s3 =	simm.s32 $0x108;
	s8 =	sld [smem:$0x3FB2]  }
0x2e: {  	s3 =	simm.s32 @!p0 $0x1082;
	s9 =	sld [smem:$0x3FB3]  }
0x2f: {  	lr =	sadd.s32 s0, s3;
	s0 =	sld [smem:$0x3FAA]  }
0x30: {  	s3 =	sld [smem:$0x3FAD]  }
0x31: {  	[smem:$0x3FB6] =	sst s10  }
0x32: {  	s10 =	sld [smem:$0x3FB4];
	_ =	sdelay $0x3  }
0x33: {  	p0 =	seq.s32 s10, $0x1;
	s10 =	sld [smem:$0x3FB6];
	_ =	sdelay $0x3  }
0x34: {  	[smem:$0x3FB6] =	sst s10  }
0x35: {  	s10 =	sld [smem:$0x3FB5];
	_ =	sdelay $0x3  }
0x36: {  	p1 =	seq.s32 s10, $0x1;
	s10 =	sld [smem:$0x3FB6];
	_ =	sdelay $0x3  }
0x37: {  	[smem:$0x3FB6] =	sst s10  }
0x38: {  	s10 =	sld [smem:$0x3FB7]  }
0x39: {  	_ = 	snop;
	(pc) =	sbr.ind lr, $3  }
0x3a: {  	_ = 	snop  }
0x3b: {  	_ = 	snop  }
0x3c: {  	p2 =	seq.s32 s10, $0x1;
	s10 =	sld [smem:$0x3FB6]  }
0x3d: {  	_ =	shalt  }
0x3e: {  	_ =	shalt  }
0x3f: {  	_ =	shalt  }
0x40: {  	_ =	shalt  }
0x41: {  	_ =	shalt  }
0x42: {  	_ =	shalt  }
0x43: {  	_ =	shalt  }
0x44: {  	_ =	shalt  }
0x45: {  	_ =	shalt  }
0x46: {  	_ =	shalt  }
0x47: {  	_ =	shalt  }
0x48: {  	_ =	shalt  }
0x49: {  	_ =	shalt  }
0x4a: {  	_ =	shalt  }
0x4b: {  	_ =	shalt  }
0x4c: {  	_ =	shalt  }
0x4d: {  	_ =	shalt  }
0x4e: {  	_ =	shalt  }
0x4f: {  	_ =	shalt  }
0x50: {  	_ =	shalt  }
0x51: {  	_ =	shalt  }
0x52: {  	_ =	shalt  }
0x53: {  	_ =	shalt  }
0x54: {  	_ =	shalt  }
0x55: {  	_ =	shalt  }
0x56: {  	_ =	shalt  }
0x57: {  	_ =	shalt  }
0x58: {  	_ =	shalt  }
0x59: {  	_ =	shalt  }
0x5a: {  	_ =	shalt  }
0x5b: {  	_ =	shalt  }
0x5c: {  	_ =	shalt  }
0x5d: {  	_ =	shalt  }
0x5e: {  	_ =	shalt  }
0x5f: {  	_ =	shalt  }
0x60: {  	_ =	shalt  }
0x61: {  	_ =	shalt  }
0x62: {  	_ =	shalt  }
0x63: {  	_ =	shalt  }
0x64: {  	_ =	shalt  }
0x65: {  	_ =	shalt  }
0x66: {  	_ =	shalt  }
0x67: {  	_ =	shalt  }
0x68: {  	_ =	shalt  }
0x69: {  	_ =	shalt  }
0x6a: {  	_ =	shalt  }
0x6b: {  	_ =	shalt  }
0x6c: {  	_ =	shalt  }
0x6d: {  	_ =	shalt  }
0x6e: {  	_ =	shalt  }
0x6f: {  	_ =	shalt  }
0x70: {  	_ =	shalt  }
0x71: {  	_ =	shalt  }
0x72: {  	_ =	shalt  }
0x73: {  	_ =	shalt  }
0x74: {  	_ =	shalt  }
0x75: {  	_ =	shalt  }
0x76: {  	_ =	shalt  }
0x77: {  	_ =	shalt  }
0x78: {  	_ =	shalt  }
0x79: {  	_ =	shalt  }
0x7a: {  	_ =	shalt  }
0x7b: {  	_ =	shalt  }
0x7c: {  	_ =	shalt  }
0x7d: {  	_ =	shalt  }
0x7e: {  	_ =	shalt  }
0x7f: {  	_ =	shalt  }
0x80: {  	_ =	shalt  }
0x81: {  	_ =	shalt  }
0x82: {  	_ =	shalt  }
0x83: {  	_ =	shalt  }
0x84: {  	_ =	shalt  }
0x85: {  	_ =	shalt  }
0x86: {  	_ =	shalt  }
0x87: {  	_ =	shalt  }
.Lfunc_end0:
.L_simem_size_0:
called_computation.2_lowered:
.L_overlay_start_0:
0x88: {  	s2 =	sld [smem:$0x3FD9]  }
0x89: {  	s3 =	sld [smem:$0x3FFE];
	_ =	sdelay $0x1  }
0x8a: {  	s1 =	srdreg.scid  }
0x8b: {  	s0 =	sand.u32 $0x1, s1  }
0x8c: {  	s17 =	sshll.u32 s0, $0xA;
	s2 =	sadd.s32 s3, s2  }
0x8d: {  	s2 =	sadd.s32 s2, s17  }
0x8e: {  	[smem:$0x3FC2] =	sst s2  }
0x8f: {  	_ = 	snop  }
0x90: {  	s2 =	sld [smem:$0x3FD0];
	(tm) =	ssettm $0x1  }
0x91: {  	s18 =	sld [smem:$0x3FFB];
	_ =	sdelay $0x3  }
0x92: {  	_ =	strace s18  }
0x93: {  	s3 =	sld [smem:$0x3FFC];
	_ =	sdelay $0x3  }
0x94: {  	_ =	strace s3  }
0x95: {  	s3 =	sld [smem:$0x3FFD];
	_ =	sdelay $0x3  }
0x96: {  	_ =	strace s3  }
0x97: {  	_ =	strace $0x8FFFFFFF  }
0x98: {  	s19 =	sld [smem:$0x3FDB];
	_ =	sdelay $0x1  }
0x99: {  	s4 =	simm.s32 $_scs_section_size  }
0x9a: {  	s5 =	simm.s32 $_size__tile_overlayer_lowered;
	s6 =	simm.s32 $_tile_overlayer_lowered  }
0x9b: {  	s22 =	simm.s32 $0x1BFF;
	s21 =	sshll.u32 s6, $0x1;
	s3 =	sadd.s32 s4, s19  }
0x9c: {  	s7 =	simm.s32 $0x0;
	s20 =	sshll.u32 s5, $0x1;
	s5 =	sadd.s32 s21, s3  }
0x9d: {  	[timem:s7], [sflag:s22] =	dma.local [hbm:s5], s20  }
0x9e: {  	_ =	swait.ge [sflag:s22], s20  }
0x9f: {  	s4 =	ssub.s32 $0x0, s20;
	[sflag:s22] =	ssyncset.done $0x0  }
0xa0: {  	[sflag:s22] =	ssyncadd.s32 s4;
	_ =	sdelay $0x1  }
0xa1: {  	s23 =	simm.s32 $0x1B8B  }
0xa2: {  	_ =	swait.ge [sflag:s23], $0x1  }
0xa3: {  	[sflag:s23] =	ssyncset.done $0x0  }
0xa4: {  	s25 =	simm.s32 $0x1B8E;
	s24 =	sld [smem:$0x3FFE];
	[sflag:s23] =	ssyncadd.s32 $0xFFFFFFFF  }
0xa5: {  	s26 =	simm.s32 $execute0_lowered;
	[smem:$0x3FD2] =	sst s25  }
0xa6: {  	s5 =	sshll.u32 s26, $0x1;
	_ =	strace $0x8000004C;
	[dreg:$0x1] =	wrdreg $0xFFFFFFFF  }
0xa7: {  	s28 =	simm.s32 $_size_execute0_lowered;
	s3 =	sadd.s32 s3, s5;
	[dreg:$0x0] =	wrdreg $0x0  }
0xa8: {  	s5 =	sshll.u32 s28, $0x1;
	[dreg:$0x2] =	wrdreg s3  }
0xa9: {  	[dreg:$0x3] =	wrdreg s5  }
0xaa: {  	[dreg:$0x4] =	wrdreg $0xC0  }
0xab: {  	_ =	task [dreg:s7], $0x5FFFF  }
0xac: {  	[dreg:$0x1] =	wrdreg $0xFFFFFFFF  }
0xad: {  	[dreg:$0x0] =	wrdreg $0x60  }
0xae: {  	[dreg:$0x2] =	wrdreg s24  }
0xaf: {  	[dreg:$0x3] =	wrdreg s2  }
0xb0: {  	[dreg:$0x4] =	wrdreg $0xC0000  }
0xb1: {  	[dreg:$0x5] =	wrdreg $0x9  }
0xb2: {  	_ =	task.clear_ibuf [dreg:s7], $0x6FFFF;
	_ =	strace $0x9000004C  }
0xb3: {  	s29 =	simm.s32 $0x9;
	_ =	strace $0x8000004E  }
0xb4: {  	_ =	swait.ge [sflag:s29], $0x1  }
0xb5: {  	[sflag:s29] =	ssyncadd.s32 $0xFFFFFFFF  }
0xb6: {  	_ =	strace $0x9000004E  }
0xb7: {  	_ =	sfence  }
0xb8: {  	s30 =	sld [smem:$0x0];
	_ =	sdelay $0x2  }
0xb9: {  	s31 =	sshll.u32 s1, $0xD;
	s1 =	sshrl.u32 s1, $0x2  }
0xba: {  	s3 =	sand.u32 $0x4000, s31;
	s1 =	sadd.s32 s1, s30  }
0xbb: {  	s0 =	sor.u32 s3, s0;
	s1 =	sshll.u32 s1, $0x11  }
0xbc: {  	s0 =	sor.u32 s1, s0  }
0xbd: {  	s0 =	sadd.s32 $0x8F2B, s0  }
0xbe: {  	[sflag:s0] =	ssyncadd.remote.s32 $0x1  }
0xbf: {  	_ =	sfence.sel $0xFFFF  }
0xc0: {  	[dreg:$0x0] =	wrdreg $0xFFFFFFFF;
	(pc) =	sbr.abs _section_cstart, $3  }
0xc1: {  	[dreg:$0x1] =	wrdreg $0xFFFFFFFF  }
0xc2: {  	_ =	task.clear_ibuf [dreg:s7], $0x2FFFF;
	_ =	strace $0x9FFFFFFF  }
0xc3: {  	(tm) =	ssettm $0x7FFFFFFF  }
tec
execute0_lowered:
.L_overlay_start_1:
0x0: {  	(tag) =	ssettag $0x1  }
0x1: {  	s0 =	rddreg [dreg:$0x0]  }
0x2: {  	s3 =	rddreg [dreg:$0x2];
	s1 =	srdreg.scid  }
0x3: {  	s10 =	stileid.u32;
	s4 =	simm.s32 $0x0;
	s14 =	simm.s32 $0x2800  }
0x4: {  	s28 =	simm.s32 $0x5;
	s29 =	simm.s32 $0x1400;
	s6 =	smul.u32 $0x280, s10  }
0x5: {  	s1 =	sand.u32 $0x1, s1;
	[smem:$0x7FF] =	sst s4;
	s8 =	smul.u32 $0x50000, s10  }
0x6: {  	s5 =	sadd.s32 $0x7C400, s0;
	s9 =	sadd.s32 $0x12E00, s0;
	s7 =	smul.u32 $0x2800, s1  }
0x7: {  	_ =	strace $0x8000004D;
	s15 =	ssub.s32 $0x2, s1;
	s8 =	sshrl.u32 s8, $0x2  }
0x8: {  	[dreg:$0x4] =	wrdreg s9;
	s16 =	sshrl.u32 s15, $0x1;
	s2 =	sadd.s32 s8, s3  }
0x9: {  	s7 =	sadd.s32 s6, s7;
	s17 =	sadd.s32 $0x2800, s2;
	[dreg:$0x15] =	wrdreg s2  }
0xa: {  	s6 =	sadd.s32 $0x63400, s0;
	s8 =	sadd.s32 $0x7800, s2;
	[dreg:$0x5] =	wrdreg s17  }
0xb: {  	s7 =	sshll.u32 s7, $0x4;
	s12 =	sadd.s32 $0xA000, s2;
	[dreg:$0x7] =	wrdreg s8  }
0xc: {  	s26 =	sadd.s32 $0xF000, s2;
	s0 =	sadd.s32 s7, s0;
	[dreg:$0x8] =	wrdreg s12  }
0xd: {  	s7 =	ssub.s32 s15, s16;
	s15 =	sadd.s32 $0x5000, s2;
	[dreg:$0x9] =	wrdreg s26  }
0xe: {  	s11 =	sadd.s32 $0xC800, s2;
	s2 =	sadd.s32 $0x11800, s2;
	[dreg:$0x6] =	wrdreg s15  }
0xf: {  	s30 =	simm.s32 $0x32;
	s18 =	sadd.s32 $0xA4400, s0;
	[dreg:$0xa] =	wrdreg s2  }
0x10: {  	s31 =	simm.s32 $0x5000;
	s19 =	sadd.s32 $0xA4900, s0;
	[dreg:$0xb] =	wrdreg s18  }
0x11: {  	s13 =	simm.s32 $0x0;
	s20 =	sadd.s32 $0xA4E00, s0;
	[dreg:$0xc] =	wrdreg s19  }
0x12: {  	s1 =	sshll.u32 s1, $0x4;
	s21 =	sadd.s32 $0xA5300, s0;
	[dreg:$0xd] =	wrdreg s20  }
0x13: {  	s9 =	simm.s32 $0x2700;
	s22 =	sadd.s32 $0xA5800, s0;
	[dreg:$0xe] =	wrdreg s21  }
0x14: {  	s1 =	sor.u32 s10, s1;
	s23 =	sadd.s32 $0xA5D00, s0;
	[dreg:$0xf] =	wrdreg s22  }
0x15: {  	s10 =	simm.s32 $0x2780;
	s24 =	sadd.s32 $0xA6200, s0;
	[dreg:$0x10] =	wrdreg s23  }
0x16: {  	s16 =	smul.u32 $0x5, s1;
	s0 =	sadd.s32 $0xA6700, s0;
	[dreg:$0x11] =	wrdreg s24  }
0x17: {  	s1 =	simm.s32 $0x6C00;
	s25 =	smax.u32 s7, $0x1;
	[dreg:$0x12] =	wrdreg s0  }
0x18: {  	s17 =	simm.s32 $0x8800;
	s7 =	simm.s32 $0x100;
	[dreg:$0x13] =	wrdreg s25  }
0x19: {  	s0 =	simm.s32 $0x80;
	s18 =	simm.s32 $0x1;
	s19 =	simm.s32 $0xA400  }
0x1a: {  	s20 =	simm.s32 $0x2;
	s21 =	simm.s32 $0x3;
	s22 =	simm.s32 $0x4  }
0x1b: {  	s23 =	simm.s32 $0x2600;
	s24 =	simm.s32 $0x1380;
	s25 =	simm.s32 $0x2680  }
.LBB2_1:
0x1c: {  	[dreg:$0x14] =	wrdreg s13  }
0x1d: {  	s13 =	simm.s32 $0x0;
	s4 =	smov.u32 s12;
	s12 =	rddreg [dreg:$0x4]  }
0x1e: {  	[tilespmem:s14], [sflag:$0x5] =	stream.linear.gather [hbm4b:s12+s13], $0x2800, $0x38;
	v63 =	vld [tilespmem:$0x0]  }
0x1f: {  	_ =	swait.ge [sflag:s28], $0x2800  }
0x20: {  	[sflag:s28] =	ssyncset.done $0x0  }
0x21: {  	s13 =	rddreg [dreg:$0x15];
	[sflag:s28] =	ssyncadd.s32 $0xFFFFD800  }
0x22: {  	[spmem:s13] =	stream.linear.scatter [tilespmem:s14], [sflag:$0x5], $0x2800, $0x38;
	v63 =	vld [tilespmem:$0x0]  }
0x23: {  	_ =	swait.ge [sflag:s28], $0x2800  }
0x24: {  	s12 =	smov.u32 s8;
	[sflag:s28] =	ssyncset.done $0x0  }
0x25: {  	s8 =	smov.u32 s13;
	s13 =	rddreg [dreg:$0x5];
	[sflag:s28] =	ssyncadd.s32 $0xFFFFD800  }
0x26: {  	[spmem:s13] =	stream.linear.scatter [tilespmem:s14], [sflag:$0x5], $0x2800, $0x38;
	v63 =	vld [tilespmem:$0x0]  }
0x27: {  	_ =	swait.ge [sflag:s28], $0x2800  }
0x28: {  	[sflag:s28] =	ssyncset.done $0x0  }
0x29: {  	[sflag:s28] =	ssyncadd.s32 $0xFFFFD800  }
0x2a: {  	[spmem:s15] =	stream.linear.scatter [tilespmem:s14], [sflag:$0x5], $0x2800, $0x38;
	v63 =	vld [tilespmem:$0x0]  }
0x2b: {  	_ =	swait.ge [sflag:s28], $0x2800  }
0x2c: {  	[sflag:s28] =	ssyncset.done $0x0  }
0x2d: {  	[sflag:s28] =	ssyncadd.s32 $0xFFFFD800  }
0x2e: {  	[spmem:s12] =	stream.linear.scatter [tilespmem:s14], [sflag:$0x5], $0x2800, $0x38;
	v63 =	vld [tilespmem:$0x0]  }
0x2f: {  	_ =	swait.ge [sflag:s28], $0x2800  }
0x30: {  	[sflag:s28] =	ssyncset.done $0x0  }
0x31: {  	[sflag:s28] =	ssyncadd.s32 $0xFFFFD800  }
0x32: {  	[spmem:s4] =	stream.linear.scatter [tilespmem:s14], [sflag:$0x5], $0x2800, $0x38;
	v63 =	vld [tilespmem:$0x0]  }
0x33: {  	_ =	swait.ge [sflag:s28], $0x2800  }
0x34: {  	[sflag:s28] =	ssyncset.done $0x0  }
0x35: {  	[sflag:s28] =	ssyncadd.s32 $0xFFFFD800  }
0x36: {  	[spmem:s11] =	stream.linear.scatter [tilespmem:s14], [sflag:$0x5], $0x2800, $0x38;
	v63 =	vld [tilespmem:$0x0]  }
0x37: {  	_ =	swait.ge [sflag:s28], $0x2800  }
0x38: {  	[sflag:s28] =	ssyncset.done $0x0  }
0x39: {  	[sflag:s28] =	ssyncadd.s32 $0xFFFFD800  }
0x3a: {  	[spmem:s26] =	stream.linear.scatter [tilespmem:s14], [sflag:$0x5], $0x2800, $0x38;
	v63 =	vld [tilespmem:$0x0]  }
0x3b: {  	_ =	swait.ge [sflag:s28], $0x2800  }
0x3c: {  	[sflag:s28] =	ssyncset.done $0x0  }
0x3d: {  	[sflag:s28] =	ssyncadd.s32 $0xFFFFD800  }
0x3e: {  	[spmem:s2] =	stream.linear.scatter [tilespmem:s14], [sflag:$0x5], $0x2800, $0x38;
	v63 =	vld [tilespmem:$0x0]  }
0x3f: {  	_ =	swait.ge [sflag:s28], $0x2800  }
0x40: {  	[sflag:s28] =	ssyncset.done $0x0  }
0x41: {  	[sflag:s28] =	ssyncadd.s32 $0xFFFFD800  }
0x42: {  	[bflag:$0x0] =	sbarrier.arrive $0xFFFF  }
0x43: {  	s12 =	simm.s32 $0x0;
	s2 =	rddreg [dreg:$0x1]  }
.LBB2_2:
0x44: {  	s13 =	sadd.s32 s16, s12  }
0x45: {  	s13 =	smul.u32 $0x280, s13;
	_ =	sdelay $0x1  }
0x46: {  	s15 =	simm.s32 $0x0;
	s14 =	sadd.s32 s2, s13  }
0x47: {  	[tilespmem:s15], [sflag:$0x5] =	stream.linear.gather [hbm4b:s14+s15], $0x1400, $0x38;
	v63 =	vld [tilespmem:$0x0]  }
0x48: {  	_ =	swait.ge [sflag:s28], $0x1400  }
0x49: {  	[sflag:s28] =	ssyncset.done $0x0  }
0x4a: {  	s13 =	sadd.s32 s6, s13;
	[sflag:s28] =	ssyncadd.s32 $0xFFFFEC00  }
0x4b: {  	[tilespmem:s29], [sflag:$0x5] =	stream.linear.gather [hbm4b:s13+s15], $0x1400, $0x38;
	v63 =	vld [tilespmem:$0x0]  }
0x4c: {  	_ =	swait.ge [sflag:s28], $0x1400  }
0x4d: {  	[sflag:s28] =	ssyncset.done $0x0  }
0x4e: {  	[sflag:s28] =	ssyncadd.s32 $0xFFFFEC00  }
0x4f: {  	[tilespmem:s31], [sflag:$0x1] =	stream.indirect.gather [hbm4b:s5+s30], $0x80, s15, s30, $0xb8;
	v63 =	vld [tilespmem:$0x0]  }
0x50: {  	_ = 	snop  }
0x51: {  	[tilespmem:s1], [sflag:$0x2] =	stream.indirect.gather [hbm4b:s5+s30], $0x80, s0, s30, $0xb8;
	v63 =	vld [tilespmem:$0x0]  }
0x52: {  	_ = 	snop  }
0x53: {  	[tilespmem:s17], [sflag:$0x3] =	stream.indirect.gather [hbm4b:s5+s30], $0x80, s7, s30, $0xb8;
	v63 =	vld [tilespmem:$0x0]  }
0x54: {  	_ =	swait.ge [sflag:s18], $0x1900  }
0x55: {  	[sflag:s18] =	ssyncset.done $0x0  }
0x56: {  	s14 =	simm.s32 $0x1400;
	[sflag:s18] =	ssyncadd.s32 $0xFFFFE700  }
0x57: {  	[spmem:s3] =	stream.indirect.scatter.add.f32 [tilespmem:s31], [sflag:$0x5], $0x80, s14, s30, $0xb8;
	v63 =	vld [tilespmem:$0x0]  }
0x58: {  	_ =	swait.ge [sflag:s28], $0x1900  }
0x59: {  	[sflag:s28] =	ssyncset.done $0x0  }
0x5a: {  	s15 =	simm.s32 $0x180;
	[sflag:s28] =	ssyncadd.s32 $0xFFFFE700  }
0x5b: {  	[tilespmem:s19], [sflag:$0x4] =	stream.indirect.gather [hbm4b:s5+s30], $0x80, s15, s30, $0xb8;
	v63 =	vld [tilespmem:$0x0]  }
0x5c: {  	_ =	swait.ge [sflag:s20], $0x1900  }
0x5d: {  	[sflag:s20] =	ssyncset.done $0x0  }
0x5e: {  	s26 =	simm.s32 $0x1480;
	[sflag:s20] =	ssyncadd.s32 $0xFFFFE700  }
0x5f: {  	[spmem:s3] =	stream.indirect.scatter.add.f32 [tilespmem:s1], [sflag:$0x5], $0x80, s26, s30, $0xb8;
	v63 =	vld [tilespmem:$0x0]  }
0x60: {  	_ =	swait.ge [sflag:s28], $0x1900  }
0x61: {  	[sflag:s28] =	ssyncset.done $0x0  }
0x62: {  	s4 =	simm.s32 $0x200;
	[sflag:s28] =	ssyncadd.s32 $0xFFFFE700  }
0x63: {  	[tilespmem:s31], [sflag:$0x1] =	stream.indirect.gather [hbm4b:s5+s30], $0x80, s4, s30, $0xb8;
	v63 =	vld [tilespmem:$0x0]  }
0x64: {  	_ =	swait.ge [sflag:s21], $0x1900  }
0x65: {  	[sflag:s21] =	ssyncset.done $0x0  }
0x66: {  	s14 =	simm.s32 $0x1500;
	[sflag:s21] =	ssyncadd.s32 $0xFFFFE700  }
0x67: {  	[spmem:s3] =	stream.indirect.scatter.add.f32 [tilespmem:s17], [sflag:$0x5], $0x80, s14, s30, $0xb8;
	v63 =	vld [tilespmem:$0x0]  }
0x68: {  	_ =	swait.ge [sflag:s28], $0x1900  }
0x69: {  	[sflag:s28] =	ssyncset.done $0x0  }
0x6a: {  	s15 =	simm.s32 $0x280;
	[sflag:s28] =	ssyncadd.s32 $0xFFFFE700  }
0x6b: {  	[tilespmem:s1], [sflag:$0x2] =	stream.indirect.gather [hbm4b:s5+s30], $0x80, s15, s30, $0xb8;
	v63 =	vld [tilespmem:$0x0]  }
0x6c: {  	_ =	swait.ge [sflag:s22], $0x1900  }
0x6d: {  	[sflag:s22] =	ssyncset.done $0x0  }
0x6e: {  	s26 =	simm.s32 $0x1580;
	[sflag:s22] =	ssyncadd.s32 $0xFFFFE700  }
0x6f: {  	[spmem:s3] =	stream.indirect.scatter.add.f32 [tilespmem:s19], [sflag:$0x5], $0x80, s26, s30, $0xb8;
	v63 =	vld [tilespmem:$0x0]  }
0x70: {  	_ =	swait.ge [sflag:s28], $0x1900  }
0x71: {  	[sflag:s28] =	ssyncset.done $0x0  }
0x72: {  	s13 =	simm.s32 $0x800;
	s14 =	simm.s32 $0x300;
	[sflag:s28] =	ssyncadd.s32 $0xFFFFE700  }
.LBB2_3:
0x73: {  	[tilespmem:s17], [sflag:$0x3] =	stream.indirect.gather [hbm4b:s5+s30], $0x80, s14, s30, $0xb8;
	v63 =	vld [tilespmem:$0x0]  }
0x74: {  	s14 =	smov.u32 s13  }
0x75: {  	p0 =	sne.s32 s13, $0x4000;
	s13 =	sadd.s32 $0x800, s13;
	_ =	swait.ge [sflag:s18], $0x1900  }
0x76: {  	s14 =	sshra.s32 s14, $0x2;
	[sflag:s18] =	ssyncset.done $0x0  }
0x77: {  	s15 =	sadd.s32 $0x1400, s14;
	[sflag:s18] =	ssyncadd.s32 $0xFFFFE700  }
0x78: {  	[spmem:s3] =	stream.indirect.scatter.add.f32 [tilespmem:s31], [sflag:$0x5], $0x80, s15, s30, $0xb8;
	v63 =	vld [tilespmem:$0x0]  }
0x79: {  	_ =	swait.ge [sflag:s28], $0x1900  }
0x7a: {  	[sflag:s28] =	ssyncset.done $0x0  }
0x7b: {  	s15 =	sadd.s32 $0x180, s14;
	[sflag:s28] =	ssyncadd.s32 $0xFFFFE700  }
0x7c: {  	[tilespmem:s19], [sflag:$0x4] =	stream.indirect.gather [hbm4b:s5+s30], $0x80, s15, s30, $0xb8;
	v63 =	vld [tilespmem:$0x0]  }
0x7d: {  	_ =	swait.ge [sflag:s20], $0x1900  }
0x7e: {  	[sflag:s20] =	ssyncset.done $0x0  }
0x7f: {  	s15 =	sadd.s32 $0x1480, s14;
	[sflag:s20] =	ssyncadd.s32 $0xFFFFE700  }
0x80: {  	[spmem:s3] =	stream.indirect.scatter.add.f32 [tilespmem:s1], [sflag:$0x5], $0x80, s15, s30, $0xb8;
	v63 =	vld [tilespmem:$0x0]  }
0x81: {  	_ =	swait.ge [sflag:s28], $0x1900  }
0x82: {  	[sflag:s28] =	ssyncset.done $0x0  }
0x83: {  	s15 =	sadd.s32 $0x200, s14;
	[sflag:s28] =	ssyncadd.s32 $0xFFFFE700  }
0x84: {  	[tilespmem:s31], [sflag:$0x1] =	stream.indirect.gather [hbm4b:s5+s30], $0x80, s15, s30, $0xb8;
	v63 =	vld [tilespmem:$0x0]  }
0x85: {  	_ =	swait.ge [sflag:s21], $0x1900  }
0x86: {  	[sflag:s21] =	ssyncset.done $0x0  }
0x87: {  	s15 =	sadd.s32 $0x1500, s14;
	[sflag:s21] =	ssyncadd.s32 $0xFFFFE700  }
0x88: {  	[spmem:s3] =	stream.indirect.scatter.add.f32 [tilespmem:s17], [sflag:$0x5], $0x80, s15, s30, $0xb8;
	v63 =	vld [tilespmem:$0x0]  }
0x89: {  	_ =	swait.ge [sflag:s28], $0x1900  }
0x8a: {  	[sflag:s28] =	ssyncset.done $0x0  }
0x8b: {  	s15 =	sadd.s32 $0x280, s14;
	[sflag:s28] =	ssyncadd.s32 $0xFFFFE700  }
0x8c: {  	[tilespmem:s1], [sflag:$0x2] =	stream.indirect.gather [hbm4b:s5+s30], $0x80, s15, s30, $0xb8;
	v63 =	vld [tilespmem:$0x0]  }
0x8d: {  	_ =	swait.ge [sflag:s22], $0x1900  }
0x8e: {  	[sflag:s22] =	ssyncset.done $0x0  }
.Ltmp0:
0x8f: {  	s15 =	sadd.s32 $0x1580, s14;
	[sflag:s22] =	ssyncadd.s32 $0xFFFFE700;
	(pc) =	sbr.rel @p0 .LBB2_3-.Ltmp0, $4  }
0x90: {  	[spmem:s3] =	stream.indirect.scatter.add.f32 [tilespmem:s19], [sflag:$0x5], $0x80, s15, s30, $0xb8;
	v63 =	vld [tilespmem:$0x0]  }
0x91: {  	_ =	swait.ge [sflag:s28], $0x1900  }
0x92: {  	[sflag:s28] =	ssyncset.done $0x0  }
0x93: {  	s14 =	sadd.s32 $0x300, s14;
	[sflag:s28] =	ssyncadd.s32 $0xFFFFE700  }
0x94: {  	[tilespmem:s17], [sflag:$0x3] =	stream.indirect.gather [hbm4b:s5+s30], $0x80, s14, s30, $0xb8;
	v63 =	vld [tilespmem:$0x0]  }
0x95: {  	_ =	swait.ge [sflag:s18], $0x1900  }
0x96: {  	[sflag:s18] =	ssyncset.done $0x0  }
0x97: {  	[sflag:s18] =	ssyncadd.s32 $0xFFFFE700  }
0x98: {  	[spmem:s3] =	stream.indirect.scatter.add.f32 [tilespmem:s31], [sflag:$0x5], $0x80, s23, s30, $0xb8;
	v63 =	vld [tilespmem:$0x0]  }
0x99: {  	_ =	swait.ge [sflag:s28], $0x1900  }
0x9a: {  	[sflag:s28] =	ssyncset.done $0x0  }
0x9b: {  	[sflag:s28] =	ssyncadd.s32 $0xFFFFE700  }
0x9c: {  	[tilespmem:s19], [sflag:$0x4] =	stream.indirect.gather [hbm4b:s5+s30], $0x80, s24, s30, $0xb8;
	v63 =	vld [tilespmem:$0x0]  }
0x9d: {  	_ =	swait.ge [sflag:s20], $0x1900  }
0x9e: {  	[sflag:s20] =	ssyncset.done $0x0  }
0x9f: {  	[sflag:s20] =	ssyncadd.s32 $0xFFFFE700  }
0xa0: {  	[spmem:s3] =	stream.indirect.scatter.add.f32 [tilespmem:s1], [sflag:$0x5], $0x80, s25, s30, $0xb8;
	v63 =	vld [tilespmem:$0x0]  }
0xa1: {  	_ =	swait.ge [sflag:s28], $0x1900  }
0xa2: {  	[sflag:s28] =	ssyncset.done $0x0  }
0xa3: {  	[sflag:s28] =	ssyncadd.s32 $0xFFFFE700  }
0xa4: {  	_ =	swait.ge [sflag:s21], $0x1900  }
0xa5: {  	[sflag:s21] =	ssyncset.done $0x0  }
0xa6: {  	[sflag:s21] =	ssyncadd.s32 $0xFFFFE700  }
0xa7: {  	[spmem:s3] =	stream.indirect.scatter.add.f32 [tilespmem:s17], [sflag:$0x5], $0x80, s9, s30, $0xb8;
	v63 =	vld [tilespmem:$0x0]  }
0xa8: {  	_ =	swait.ge [sflag:s28], $0x1900  }
0xa9: {  	[sflag:s28] =	ssyncset.done $0x0  }
0xaa: {  	[sflag:s28] =	ssyncadd.s32 $0xFFFFE700  }
0xab: {  	s12 =	sadd.s32 $0x1, s12;
	_ =	swait.ge [sflag:s22], $0x1900  }
0xac: {  	p0 =	sne.s32 s12, $0x5;
	[sflag:s22] =	ssyncset.done $0x0  }
.Ltmp1:
0xad: {  	[sflag:s22] =	ssyncadd.s32 $0xFFFFE700;
	(pc) =	sbr.rel @p0 .LBB2_2-.Ltmp1, $4  }
0xae: {  	[spmem:s3] =	stream.indirect.scatter.add.f32 [tilespmem:s19], [sflag:$0x5], $0x80, s10, s30, $0xb8;
	v63 =	vld [tilespmem:$0x0]  }
0xaf: {  	_ =	swait.ge [sflag:s28], $0x1900  }
0xb0: {  	[sflag:s28] =	ssyncset.done $0x0  }
0xb1: {  	[sflag:s28] =	ssyncadd.s32 $0xFFFFE700  }
0xb2: {  	[bflag:$0x0] =	sbarrier.arrive $0xFFFF;
	s13 =	simm.s32 $0x2800  }
0xb3: {  	[tilespmem:s13], [sflag:$0x5] =	stream.linear.gather [spmem:s8], $0x2800, $0x38;
	v63 =	vld [tilespmem:$0x0]  }
0xb4: {  	_ =	swait.ge [sflag:s28], $0x2800  }
0xb5: {  	[sflag:s28] =	ssyncset.done $0x0  }
0xb6: {  	s4 =	simm.s32 $0x0;
	s2 =	rddreg [dreg:$0xb];
	[sflag:s28] =	ssyncadd.s32 $0xFFFFD800  }
0xb7: {  	[hbm4b:s2+s4] =	stream.linear.scatter [tilespmem:s13], [sflag:$0x5], $0x2800, $0x38;
	v63 =	vld [tilespmem:$0x0]  }
0xb8: {  	_ =	swait.ge [sflag:s28], $0x2800  }
0xb9: {  	[sflag:s28] =	ssyncset.done $0x0  }
0xba: {  	s15 =	rddreg [dreg:$0x5];
	[sflag:s28] =	ssyncadd.s32 $0xFFFFD800  }
0xbb: {  	[tilespmem:s13], [sflag:$0x5] =	stream.linear.gather [spmem:s15], $0x2800, $0x38;
	v63 =	vld [tilespmem:$0x0]  }
0xbc: {  	_ =	swait.ge [sflag:s28], $0x2800  }
0xbd: {  	[sflag:s28] =	ssyncset.done $0x0  }
0xbe: {  	s26 =	rddreg [dreg:$0xc];
	[sflag:s28] =	ssyncadd.s32 $0xFFFFD800  }
0xbf: {  	[hbm4b:s26+s4] =	stream.linear.scatter [tilespmem:s13], [sflag:$0x5], $0x2800, $0x38;
	v63 =	vld [tilespmem:$0x0]  }
0xc0: {  	_ =	swait.ge [sflag:s28], $0x2800  }
0xc1: {  	[sflag:s28] =	ssyncset.done $0x0  }
0xc2: {  	s15 =	rddreg [dreg:$0x6];
	[sflag:s28] =	ssyncadd.s32 $0xFFFFD800  }
0xc3: {  	[tilespmem:s13], [sflag:$0x5] =	stream.linear.gather [spmem:s15], $0x2800, $0x38;
	v63 =	vld [tilespmem:$0x0]  }
0xc4: {  	_ =	swait.ge [sflag:s28], $0x2800  }
0xc5: {  	[sflag:s28] =	ssyncset.done $0x0  }
0xc6: {  	s8 =	rddreg [dreg:$0xd];
	[sflag:s28] =	ssyncadd.s32 $0xFFFFD800  }
0xc7: {  	[hbm4b:s8+s4] =	stream.linear.scatter [tilespmem:s13], [sflag:$0x5], $0x2800, $0x38;
	v63 =	vld [tilespmem:$0x0]  }
0xc8: {  	_ =	swait.ge [sflag:s28], $0x2800  }
0xc9: {  	[sflag:s28] =	ssyncset.done $0x0  }
0xca: {  	s8 =	rddreg [dreg:$0x7];
	[sflag:s28] =	ssyncadd.s32 $0xFFFFD800  }
0xcb: {  	[tilespmem:s13], [sflag:$0x5] =	stream.linear.gather [spmem:s8], $0x2800, $0x38;
	v63 =	vld [tilespmem:$0x0]  }
0xcc: {  	_ =	swait.ge [sflag:s28], $0x2800  }
0xcd: {  	[sflag:s28] =	ssyncset.done $0x0  }
0xce: {  	s12 =	rddreg [dreg:$0xe];
	[sflag:s28] =	ssyncadd.s32 $0xFFFFD800  }
0xcf: {  	[hbm4b:s12+s4] =	stream.linear.scatter [tilespmem:s13], [sflag:$0x5], $0x2800, $0x38;
	v63 =	vld [tilespmem:$0x0]  }
0xd0: {  	_ =	swait.ge [sflag:s28], $0x2800  }
0xd1: {  	[sflag:s28] =	ssyncset.done $0x0  }
0xd2: {  	s12 =	rddreg [dreg:$0x8];
	[sflag:s28] =	ssyncadd.s32 $0xFFFFD800  }
0xd3: {  	[tilespmem:s13], [sflag:$0x5] =	stream.linear.gather [spmem:s12], $0x2800, $0x38;
	v63 =	vld [tilespmem:$0x0]  }
0xd4: {  	_ =	swait.ge [sflag:s28], $0x2800  }
0xd5: {  	[sflag:s28] =	ssyncset.done $0x0  }
0xd6: {  	s14 =	rddreg [dreg:$0xf];
	[sflag:s28] =	ssyncadd.s32 $0xFFFFD800  }
0xd7: {  	[hbm4b:s14+s4] =	stream.linear.scatter [tilespmem:s13], [sflag:$0x5], $0x2800, $0x38;
	v63 =	vld [tilespmem:$0x0]  }
0xd8: {  	_ =	swait.ge [sflag:s28], $0x2800  }
0xd9: {  	[sflag:s28] =	ssyncset.done $0x0  }
0xda: {  	[sflag:s28] =	ssyncadd.s32 $0xFFFFD800  }
0xdb: {  	[tilespmem:s13], [sflag:$0x5] =	stream.linear.gather [spmem:s11], $0x2800, $0x38;
	v63 =	vld [tilespmem:$0x0]  }
0xdc: {  	_ =	swait.ge [sflag:s28], $0x2800  }
0xdd: {  	[sflag:s28] =	ssyncset.done $0x0  }
0xde: {  	s26 =	rddreg [dreg:$0x10];
	[sflag:s28] =	ssyncadd.s32 $0xFFFFD800  }
0xdf: {  	[hbm4b:s26+s4] =	stream.linear.scatter [tilespmem:s13], [sflag:$0x5], $0x2800, $0x38;
	v63 =	vld [tilespmem:$0x0]  }
0xe0: {  	_ =	swait.ge [sflag:s28], $0x2800  }
0xe1: {  	[sflag:s28] =	ssyncset.done $0x0  }
0xe2: {  	s26 =	rddreg [dreg:$0x9];
	[sflag:s28] =	ssyncadd.s32 $0xFFFFD800  }
0xe3: {  	[tilespmem:s13], [sflag:$0x5] =	stream.linear.gather [spmem:s26], $0x2800, $0x38;
	v63 =	vld [tilespmem:$0x0]  }
0xe4: {  	_ =	swait.ge [sflag:s28], $0x2800  }
0xe5: {  	[sflag:s28] =	ssyncset.done $0x0  }
0xe6: {  	s14 =	rddreg [dreg:$0x11];
	[sflag:s28] =	ssyncadd.s32 $0xFFFFD800  }
0xe7: {  	[hbm4b:s14+s4] =	stream.linear.scatter [tilespmem:s13], [sflag:$0x5], $0x2800, $0x38;
	v63 =	vld [tilespmem:$0x0]  }
0xe8: {  	_ =	swait.ge [sflag:s28], $0x2800  }
0xe9: {  	[sflag:s28] =	ssyncset.done $0x0  }
0xea: {  	s2 =	rddreg [dreg:$0xa];
	[sflag:s28] =	ssyncadd.s32 $0xFFFFD800  }
0xeb: {  	[tilespmem:s13], [sflag:$0x5] =	stream.linear.gather [spmem:s2], $0x2800, $0x38;
	v63 =	vld [tilespmem:$0x0]  }
0xec: {  	_ =	swait.ge [sflag:s28], $0x2800  }
0xed: {  	[sflag:s28] =	ssyncset.done $0x0  }
0xee: {  	s14 =	rddreg [dreg:$0x12];
	[sflag:s28] =	ssyncadd.s32 $0xFFFFD800  }
0xef: {  	[hbm4b:s14+s4] =	stream.linear.scatter [tilespmem:s13], [sflag:$0x5], $0x2800, $0x38;
	v63 =	vld [tilespmem:$0x0]  }
0xf0: {  	_ =	swait.ge [sflag:s28], $0x2800  }
0xf1: {  	s4 =	rddreg [dreg:$0x14]  }
0xf2: {  	s13 =	sadd.s32 $0x1, s4;
	s4 =	rddreg [dreg:$0x13]  }
0xf3: {  	p0 =	sne.s32 s13, s4  }
.Ltmp2:
0xf4: {  	_ = 	snop;
	(pc) =	sbr.rel @p0 .LBB2_1-.Ltmp2, $3  }
0xf5: {  	_ =	sdelay $0x1  }
0xf6: {  	[sflag:s28] =	ssyncset.done $0x0  }
0xf7: {  	s14 =	simm.s32 $0x2800;
	[sflag:s28] =	ssyncadd.s32 $0xFFFFD800  }
0xf8: {  	_ =	sfence.sel $0x180000  }
0xf9: {  	[bflag:$0x0] =	sbarrier.arrive $0xFFFF  }
0xfa: {  	_ =	strace $0x9000004D  }
0xfb: {  	s0 =	stileid.u32;
	[bflag:$0x2] =	sbarrier.arrive $0xFFFF  }
0xfc: {  	p0 =	sne.s32 s0, $0x0;
	s0 =	rddreg [dreg:$0x3]  }
0xfd: {  	s0 =	sadd.s32 @!p0 $0x100000, s0  }
0xfe: {  	[sflag:s0] =	ssyncadd.tile.s32 @!p0 $0x1;
	_ =	shalt  }
.Lfunc_end2:
_tile_overlayer_lowered:
.L_overlay_start_2:
0xff: {  	(tag) =	ssettag $0x2  }
0x100: {  	s0 =	rddreg [dreg:$0x0];
	s2 =	stileid.u32  }
0x101: {  	s1 =	rddreg [dreg:$0x1];
	p0 =	sne.s32 s2, $0x0  }
0x102: {  	s3 =	rddreg [dreg:$0x2];
	[bflag:$0x3] =	sbarrier.arrive $0xFFFF;
	s2 =	simm.s32 @!p0 $0x1C05  }
0x103: {  	[timem:s3], [sflag:s2] =	dma.local @!p0 [hbm:s0], s1  }
0x104: {  	s0 =	simm.s32 @!p0 $0x5  }
0x105: {  	_ =	swait.ge @!p0 [sflag:s0], s1  }
0x106: {  	s1 =	ssub.s32 @!p0 $0x0, s1;
	[sflag:s0] =	ssyncset.done @!p0 $0x0  }
0x107: {  	[sflag:s0] =	ssyncadd.s32 @!p0 s1  }
0x108: {  	[bflag:$0x3] =	sbarrier.arrive $0xFFFF  }
0x109: {  	_ =	shalt  }

// kernel: kernel.8.cloned.1.call-start
scs
__scs_entry_jumppad:
0x0: {  	(pc) =	sbr.rel $0x88, $3  }
0x1: {  	(tag) =	ssettag $0x0;
	lr =	simm.s32 $0x1  }
0x2: {  	[smem:$0x3F9B] =	sst lr;
	_ =	strace $0xD0000000  }
0x3: {  	_ = 	snop  }
0x4: {  	_ = 	snop  }
0x5: {  	_ = 	snop  }
0x6: {  	_ = 	snop  }
0x7: {  	_ = 	snop  }
__scs_overlays_trampoline_lowered:
0x8: {  	[smem:$0x3FAA] =	sst s0  }
0x9: {  	[smem:$0x3FAB] =	sst s1  }
0xa: {  	[smem:$0x3FAC] =	sst s2  }
0xb: {  	[smem:$0x3FAD] =	sst s3  }
0xc: {  	[smem:$0x3FAE] =	sst s4  }
0xd: {  	[smem:$0x3FAF] =	sst s5  }
0xe: {  	[smem:$0x3FB0] =	sst s6  }
0xf: {  	[smem:$0x3FB1] =	sst s7  }
0x10: {  	[smem:$0x3FB2] =	sst s8  }
0x11: {  	[smem:$0x3FB3] =	sst s9;
	s0 =	simm.s32 @!p0 $0x0  }
0x12: {  	s1 =	sld [smem:$0x3F99];
	s0 =	simm.s32 @p0 $0x1  }
0x13: {  	[smem:$0x3FB4] =	sst s0;
	s0 =	simm.s32 @!p1 $0x0  }
0x14: {  	s2 =	sld [smem:$0x3F98];
	s0 =	simm.s32 @p1 $0x1  }
0x15: {  	[smem:$0x3FB5] =	sst s0;
	s0 =	simm.s32 @!p2 $0x0  }
0x16: {  	s3 =	sld [smem:$0x3FDB];
	s0 =	simm.s32 @p2 $0x1  }
0x17: {  	s4 =	simm.s32 $0x1BF5;
	[smem:$0x3FB7] =	sst s0  }
0x18: {  	s0 =	sld [smem:$0x3F9A];
	_ =	swait.ge [sflag:s4], $0x0  }
0x19: {  	s7 =	sld [smem:$0x3F9B]  }
0x1a: {  	s8 =	sadd.s32 $0xFFFFE003, lr  }
0x1b: {  	s9 =	sadd.s32 $0xFFFFFEF7, lr;
	s5 =	simm.s32 $0xFFFFFFFF;
	p2 =	slt.u32 s8, $0xFFFFF086  }
0x1c: {  	p1 =	slt.u32 s9, $0xF7A;
	s5 =	simm.s32 @!p2 $0x0  }
0x1d: {  	s5 =	simm.s32 @p1 $0x1;
	p0 =	seq.s32 s7, s2  }
0x1e: {  	s7 =	smul.u32 @!p0 $0xF7A, s2;
	p2 =	seq.s32 @!p0 s5, $0x0  }
0x1f: {  	s9 =	smul.u32 $0xF7A, s1;
	s8 =	simm.s32 @!p0 $0x1BF5;
	p2 =	por !p2, p0  }
0x20: {  	[sflag:s8] =	ssyncset.s32 @!p0 $0xFFFFF086;
	s6 =	sadd.s32 @!p0 s3, s7;
	s7 =	simm.s32 @!p0 $0x108  }
0x21: {  	s3 =	sadd.s32 s3, s9;
	s6 =	sadd.s32 @!p0 $0x88, s6;
	s7 =	simm.s32 @p2 $0x1082  }
0x22: {  	[simem:s7], [sflag:s8] =	dma.local @!p0 [hbm:s6], $0xF7A  }
0x23: {  	s9 =	sor.u32 $0xD0000000, s2;
	s6 =	simm.s32 $0x108;
	_ =	swait.ge @!p0 [sflag:s8], $0x0  }
0x24: {  	s3 =	sadd.s32 $0x88, s3;
	s6 =	simm.s32 @!p1 $0x1082;
	[sflag:s4] =	ssyncset.s32 $0xFFFFF086  }
0x25: {  	[simem:s6], [sflag:s4] =	dma.local [hbm:s3], $0xF7A  }
0x26: {  	[smem:$0x3F9B] =	sst s1;
	(tag) =	ssettag s2;
	_ =	strace s9  }
0x27: {  	s1 =	sld [smem:$0x3FAB]  }
0x28: {  	s2 =	sld [smem:$0x3FAC]  }
0x29: {  	s4 =	sld [smem:$0x3FAE]  }
0x2a: {  	p0 =	seq.s32 s5, $0x0;
	s5 =	sld [smem:$0x3FAF]  }
0x2b: {  	s6 =	sld [smem:$0x3FB0]  }
0x2c: {  	s7 =	sld [smem:$0x3FB1]  }
0x2d: {  	s3 =	simm.s32 $0x108;
	s8 =	sld [smem:$0x3FB2]  }
0x2e: {  	s3 =	simm.s32 @!p0 $0x1082;
	s9 =	sld [smem:$0x3FB3]  }
0x2f: {  	lr =	sadd.s32 s0, s3;
	s0 =	sld [smem:$0x3FAA]  }
0x30: {  	s3 =	sld [smem:$0x3FAD]  }
0x31: {  	[smem:$0x3FB6] =	sst s10  }
0x32: {  	s10 =	sld [smem:$0x3FB4];
	_ =	sdelay $0x3  }
0x33: {  	p0 =	seq.s32 s10, $0x1;
	s10 =	sld [smem:$0x3FB6];
	_ =	sdelay $0x3  }
0x34: {  	[smem:$0x3FB6] =	sst s10  }
0x35: {  	s10 =	sld [smem:$0x3FB5];
	_ =	sdelay $0x3  }
0x36: {  	p1 =	seq.s32 s10, $0x1;
	s10 =	sld [smem:$0x3FB6];
	_ =	sdelay $0x3  }
0x37: {  	[smem:$0x3FB6] =	sst s10  }
0x38: {  	s10 =	sld [smem:$0x3FB7]  }
0x39: {  	_ = 	snop;
	(pc) =	sbr.ind lr, $3  }
0x3a: {  	_ = 	snop  }
0x3b: {  	_ = 	snop  }
0x3c: {  	p2 =	seq.s32 s10, $0x1;
	s10 =	sld [smem:$0x3FB6]  }
0x3d: {  	_ =	shalt  }
0x3e: {  	_ =	shalt  }
0x3f: {  	_ =	shalt  }
0x40: {  	_ =	shalt  }
0x41: {  	_ =	shalt  }
0x42: {  	_ =	shalt  }
0x43: {  	_ =	shalt  }
0x44: {  	_ =	shalt  }
0x45: {  	_ =	shalt  }
0x46: {  	_ =	shalt  }
0x47: {  	_ =	shalt  }
0x48: {  	_ =	shalt  }
0x49: {  	_ =	shalt  }
0x4a: {  	_ =	shalt  }
0x4b: {  	_ =	shalt  }
0x4c: {  	_ =	shalt  }
0x4d: {  	_ =	shalt  }
0x4e: {  	_ =	shalt  }
0x4f: {  	_ =	shalt  }
0x50: {  	_ =	shalt  }
0x51: {  	_ =	shalt  }
0x52: {  	_ =	shalt  }
0x53: {  	_ =	shalt  }
0x54: {  	_ =	shalt  }
0x55: {  	_ =	shalt  }
0x56: {  	_ =	shalt  }
0x57: {  	_ =	shalt  }
0x58: {  	_ =	shalt  }
0x59: {  	_ =	shalt  }
0x5a: {  	_ =	shalt  }
0x5b: {  	_ =	shalt  }
0x5c: {  	_ =	shalt  }
0x5d: {  	_ =	shalt  }
0x5e: {  	_ =	shalt  }
0x5f: {  	_ =	shalt  }
0x60: {  	_ =	shalt  }
0x61: {  	_ =	shalt  }
0x62: {  	_ =	shalt  }
0x63: {  	_ =	shalt  }
0x64: {  	_ =	shalt  }
0x65: {  	_ =	shalt  }
0x66: {  	_ =	shalt  }
0x67: {  	_ =	shalt  }
0x68: {  	_ =	shalt  }
0x69: {  	_ =	shalt  }
0x6a: {  	_ =	shalt  }
0x6b: {  	_ =	shalt  }
0x6c: {  	_ =	shalt  }
0x6d: {  	_ =	shalt  }
0x6e: {  	_ =	shalt  }
0x6f: {  	_ =	shalt  }
0x70: {  	_ =	shalt  }
0x71: {  	_ =	shalt  }
0x72: {  	_ =	shalt  }
0x73: {  	_ =	shalt  }
0x74: {  	_ =	shalt  }
0x75: {  	_ =	shalt  }
0x76: {  	_ =	shalt  }
0x77: {  	_ =	shalt  }
0x78: {  	_ =	shalt  }
0x79: {  	_ =	shalt  }
0x7a: {  	_ =	shalt  }
0x7b: {  	_ =	shalt  }
0x7c: {  	_ =	shalt  }
0x7d: {  	_ =	shalt  }
0x7e: {  	_ =	shalt  }
0x7f: {  	_ =	shalt  }
0x80: {  	_ =	shalt  }
0x81: {  	_ =	shalt  }
0x82: {  	_ =	shalt  }
0x83: {  	_ =	shalt  }
0x84: {  	_ =	shalt  }
0x85: {  	_ =	shalt  }
0x86: {  	_ =	shalt  }
0x87: {  	_ =	shalt  }
.Lfunc_end0:
.L_simem_size_0:
called_computation_lowered:
.L_overlay_start_0:
0x88: {  	s2 =	sld [smem:$0x3FD9]  }
0x89: {  	s3 =	sld [smem:$0x3FFE];
	_ =	sdelay $0x1  }
0x8a: {  	s1 =	srdreg.scid  }
0x8b: {  	s0 =	sand.u32 $0x1, s1  }
0x8c: {  	s16 =	sshll.u32 s0, $0xA;
	s2 =	sadd.s32 s3, s2  }
0x8d: {  	s2 =	sadd.s32 s2, s16  }
0x8e: {  	[smem:$0x3FC2] =	sst s2  }
0x8f: {  	_ = 	snop  }
0x90: {  	(tm) =	ssettm $0x1  }
0x91: {  	s17 =	sld [smem:$0x3FFB];
	_ =	sdelay $0x3  }
0x92: {  	_ =	strace s17  }
0x93: {  	s2 =	sld [smem:$0x3FFC];
	_ =	sdelay $0x3  }
0x94: {  	_ =	strace s2  }
0x95: {  	s2 =	sld [smem:$0x3FFD];
	_ =	sdelay $0x3  }
0x96: {  	_ =	strace s2  }
0x97: {  	_ =	strace $0x8FFFFFFF  }
0x98: {  	s18 =	sld [smem:$0x3FDB];
	_ =	sdelay $0x1  }
0x99: {  	s19 =	simm.s32 $_scs_section_size  }
0x9a: {  	s4 =	simm.s32 $_size__tile_overlayer_lowered;
	s5 =	simm.s32 $_tile_overlayer_lowered  }
0x9b: {  	s22 =	simm.s32 $0x1BFF;
	s21 =	sshll.u32 s5, $0x1;
	s2 =	sadd.s32 s19, s18  }
0x9c: {  	s6 =	simm.s32 $0x0;
	s20 =	sshll.u32 s4, $0x1;
	s4 =	sadd.s32 s21, s2  }
0x9d: {  	[timem:s6], [sflag:s22] =	dma.local [hbm:s4], s20  }
0x9e: {  	_ =	swait.ge [sflag:s22], s20  }
0x9f: {  	s3 =	ssub.s32 $0x0, s20;
	[sflag:s22] =	ssyncset.done $0x0  }
0xa0: {  	[sflag:s22] =	ssyncadd.s32 s3;
	_ =	sdelay $0x1  }
0xa1: {  	s23 =	simm.s32 $0x1B8B  }
0xa2: {  	_ =	swait.ge [sflag:s23], $0x1  }
0xa3: {  	[sflag:s23] =	ssyncset.done $0x0  }
0xa4: {  	s25 =	simm.s32 $0x1B8E;
	s24 =	sld [smem:$0x3FFE];
	[sflag:s23] =	ssyncadd.s32 $0xFFFFFFFF  }
0xa5: {  	s26 =	simm.s32 $execute0_lowered;
	[smem:$0x3FD2] =	sst s25  }
0xa6: {  	s4 =	sshll.u32 s26, $0x1;
	_ =	strace $0x80000046;
	[dreg:$0x1] =	wrdreg $0xFFFFFFFF  }
0xa7: {  	s28 =	simm.s32 $_size_execute0_lowered;
	s2 =	sadd.s32 s2, s4;
	[dreg:$0x0] =	wrdreg $0x0  }
0xa8: {  	s4 =	sshll.u32 s28, $0x1;
	[dreg:$0x2] =	wrdreg s2  }
0xa9: {  	[dreg:$0x3] =	wrdreg s4  }
0xaa: {  	[dreg:$0x4] =	wrdreg $0xC0  }
0xab: {  	_ =	task [dreg:s6], $0x5FFFF  }
0xac: {  	[dreg:$0x1] =	wrdreg $0xFFFFFFFF  }
0xad: {  	[dreg:$0x0] =	wrdreg $0x60  }
0xae: {  	[dreg:$0x2] =	wrdreg s24  }
0xaf: {  	[dreg:$0x3] =	wrdreg $0x6C000  }
0xb0: {  	[dreg:$0x4] =	wrdreg $0x9  }
0xb1: {  	_ =	task.clear_ibuf [dreg:s6], $0x5FFFF;
	_ =	strace $0x90000046  }
0xb2: {  	s29 =	simm.s32 $0x9;
	_ =	strace $0x80000048  }
0xb3: {  	_ =	swait.ge [sflag:s29], $0x1  }
0xb4: {  	[sflag:s29] =	ssyncadd.s32 $0xFFFFFFFF  }
0xb5: {  	_ =	strace $0x90000048  }
0xb6: {  	_ =	sfence  }
0xb7: {  	s30 =	sld [smem:$0x0];
	_ =	sdelay $0x2  }
0xb8: {  	s31 =	sshll.u32 s1, $0xD;
	s1 =	sshrl.u32 s1, $0x2  }
0xb9: {  	s3 =	sand.u32 $0x4000, s31;
	s1 =	sadd.s32 s1, s30  }
0xba: {  	s0 =	sor.u32 s3, s0;
	s1 =	sshll.u32 s1, $0x11  }
0xbb: {  	s0 =	sor.u32 s1, s0  }
0xbc: {  	s0 =	sadd.s32 $0x8F2B, s0  }
0xbd: {  	[sflag:s0] =	ssyncadd.remote.s32 $0x1  }
0xbe: {  	_ =	sfence.sel $0xFFFF  }
0xbf: {  	[dreg:$0x0] =	wrdreg $0xFFFFFFFF;
	(pc) =	sbr.abs _section_cstart, $3  }
0xc0: {  	[dreg:$0x1] =	wrdreg $0xFFFFFFFF  }
0xc1: {  	_ =	task.clear_ibuf [dreg:s6], $0x2FFFF;
	_ =	strace $0x9FFFFFFF  }
0xc2: {  	(tm) =	ssettm $0x7FFFFFFF  }
0xc3: {  	_ =	shalt  }
tec
execute0_lowered:
.L_overlay_start_1:
0x0: {  	(tag) =	ssettag $0x1  }
0x1: {  	s0 =	rddreg [dreg:$0x0]  }
0x2: {  	s2 =	rddreg [dreg:$0x1];
	s3 =	simm.s32 $0x0  }
0x3: {  	s1 =	srdreg.scid;
	s8 =	stileid.u32;
	s28 =	simm.s32 $0x1000  }
0x4: {  	s29 =	simm.s32 $0x1;
	s30 =	simm.s32 $0x4400;
	s31 =	simm.s32 $0x64  }
0x5: {  	[smem:$0x7FF] =	sst s3;
	s1 =	sand.u32 $0x1, s1;
	s6 =	smul.u32 $0x280, s8  }
0x6: {  	s5 =	sshll.u32 s8, $0xB;
	s8 =	smul.u32 $0x50000, s8;
	s23 =	sadd.s32 $0x12600, s0  }
0x7: {  	s4 =	sshll.u32 s1, $0xF;
	s7 =	smul.u32 $0x2800, s1;
	_ =	strace $0x80000047  }
0x8: {  	[dreg:$0x3] =	wrdreg s23;
	s1 =	ssub.s32 $0x2, s1;
	s4 =	sor.u32 s5, s4  }
0x9: {  	s5 =	sadd.s32 $0x12E00, s0;
	s24 =	sshrl.u32 s8, $0x2;
	s9 =	sshrl.u32 s1, $0x1  }
0xa: {  	s25 =	sadd.s32 s4, s0;
	s6 =	sadd.s32 s6, s7;
	s1 =	ssub.s32 s1, s9  }
0xb: {  	s26 =	sshll.u32 s6, $0x4;
	s6 =	sadd.s32 s24, s2;
	s21 =	smax.u32 s1, $0x1  }
0xc: {  	s22 =	sadd.s32 $0x2600, s25;
	s23 =	sadd.s32 $0x2800, s25;
	s24 =	sadd.s32 $0x2A00, s25  }
0xd: {  	s25 =	sadd.s32 $0x2C00, s25;
	s0 =	sadd.s32 s26, s0;
	s7 =	sadd.s32 $0x2800, s6  }
0xe: {  	s8 =	sadd.s32 $0x5000, s6;
	s9 =	sadd.s32 $0x7800, s6;
	s10 =	sadd.s32 $0xA000, s6  }
0xf: {  	s11 =	sadd.s32 $0xC800, s6;
	s12 =	sadd.s32 $0xF000, s6;
	s26 =	sadd.s32 $0x11800, s6  }
0x10: {  	s13 =	sadd.s32 $0x13400, s0;
	s14 =	sadd.s32 $0x13900, s0;
	s15 =	sadd.s32 $0x13E00, s0  }
0x11: {  	s16 =	sadd.s32 $0x14300, s0;
	s17 =	sadd.s32 $0x14800, s0;
	s18 =	sadd.s32 $0x14D00, s0  }
0x12: {  	s19 =	sadd.s32 $0x15200, s0;
	s20 =	sadd.s32 $0x15700, s0;
	s0 =	simm.s32 $0x0  }
.LBB2_1:
0x13: {  	s1 =	rddreg [dreg:$0x3]  }
0x14: {  	[tilespmem:s28], [sflag:$0x1] =	stream.linear.gather [hbm4b:s1+s3], $0x3200, $0x38;
	[tilespmem:$0x1AC00] =	vst v63  }
0x15: {  	_ =	swait.ge [sflag:s29], $0x3200  }
0x16: {  	[sflag:s29] =	ssyncset.done $0x0  }
0x17: {  	[sflag:s29] =	ssyncadd.s32 $0xFFFFCE00  }
0x18: {  	[tilespmem:s30], [sflag:$0x1] =	stream.linear.gather [hbm4b:s5+s3], $0x2800, $0x38;
	[tilespmem:$0x1AC00] =	vst v63  }
0x19: {  	_ =	swait.ge [sflag:s29], $0x2800  }
0x1a: {  	[sflag:s29] =	ssyncset.done $0x0  }
0x1b: {  	[sflag:s29] =	ssyncadd.s32 $0xFFFFD800  }
0x1c: {  	[spmem:s6] =	stream.linear.scatter [tilespmem:s30], [sflag:$0x1], $0x2800, $0x38;
	[tilespmem:$0x1AC00] =	vst v63  }
0x1d: {  	_ =	swait.ge [sflag:s29], $0x2800  }
0x1e: {  	[sflag:s29] =	ssyncset.done $0x0  }
0x1f: {  	[sflag:s29] =	ssyncadd.s32 $0xFFFFD800  }
0x20: {  	[spmem:s7] =	stream.linear.scatter [tilespmem:s30], [sflag:$0x1], $0x2800, $0x38;
	[tilespmem:$0x1AC00] =	vst v63  }
0x21: {  	_ =	swait.ge [sflag:s29], $0x2800  }
0x22: {  	[sflag:s29] =	ssyncset.done $0x0  }
0x23: {  	[sflag:s29] =	ssyncadd.s32 $0xFFFFD800  }
0x24: {  	[spmem:s8] =	stream.linear.scatter [tilespmem:s30], [sflag:$0x1], $0x2800, $0x38;
	[tilespmem:$0x1AC00] =	vst v63  }
0x25: {  	_ =	swait.ge [sflag:s29], $0x2800  }
0x26: {  	[sflag:s29] =	ssyncset.done $0x0  }
0x27: {  	[sflag:s29] =	ssyncadd.s32 $0xFFFFD800  }
0x28: {  	[spmem:s9] =	stream.linear.scatter [tilespmem:s30], [sflag:$0x1], $0x2800, $0x38;
	[tilespmem:$0x1AC00] =	vst v63  }
0x29: {  	_ =	swait.ge [sflag:s29], $0x2800  }
0x2a: {  	[sflag:s29] =	ssyncset.done $0x0  }
0x2b: {  	[sflag:s29] =	ssyncadd.s32 $0xFFFFD800  }
0x2c: {  	[spmem:s10] =	stream.linear.scatter [tilespmem:s30], [sflag:$0x1], $0x2800, $0x38;
	[tilespmem:$0x1AC00] =	vst v63  }
0x2d: {  	_ =	swait.ge [sflag:s29], $0x2800  }
0x2e: {  	[sflag:s29] =	ssyncset.done $0x0  }
0x2f: {  	[sflag:s29] =	ssyncadd.s32 $0xFFFFD800  }
0x30: {  	[spmem:s11] =	stream.linear.scatter [tilespmem:s30], [sflag:$0x1], $0x2800, $0x38;
	[tilespmem:$0x1AC00] =	vst v63  }
0x31: {  	_ =	swait.ge [sflag:s29], $0x2800  }
0x32: {  	[sflag:s29] =	ssyncset.done $0x0  }
0x33: {  	[sflag:s29] =	ssyncadd.s32 $0xFFFFD800  }
0x34: {  	[spmem:s12] =	stream.linear.scatter [tilespmem:s30], [sflag:$0x1], $0x2800, $0x38;
	[tilespmem:$0x1AC00] =	vst v63  }
0x35: {  	_ =	swait.ge [sflag:s29], $0x2800  }
0x36: {  	[sflag:s29] =	ssyncset.done $0x0  }
0x37: {  	[sflag:s29] =	ssyncadd.s32 $0xFFFFD800  }
0x38: {  	[spmem:s26] =	stream.linear.scatter [tilespmem:s30], [sflag:$0x1], $0x2800, $0x38;
	[tilespmem:$0x1AC00] =	vst v63  }
0x39: {  	_ =	swait.ge [sflag:s29], $0x2800  }
0x3a: {  	[sflag:s29] =	ssyncset.done $0x0  }
0x3b: {  	[sflag:s29] =	ssyncadd.s32 $0xFFFFD800  }
0x3c: {  	[bflag:$0x0] =	sbarrier.arrive $0xFFFF  }
0x3d: {  	[tilespmem:s3], [sflag:$0x1] =	stream.linear.gather [hbm4b:s22+s3], $0xC80, $0x38;
	[tilespmem:$0x1AC00] =	vst v63  }
0x3e: {  	_ =	swait.ge [sflag:s29], $0xC80  }
0x3f: {  	[sflag:s29] =	ssyncset.done $0x0  }
0x40: {  	s4 =	simm.s32 $0x0;
	[sflag:s29] =	ssyncadd.s32 $0xFFFFF380  }
0x41: {  	[spmem:s2] =	stream.indirect.scatter.add.f32 [tilespmem:s28], [sflag:$0x1], $0x80, s4, s31, $0xb8;
	[tilespmem:$0x1AC00] =	vst v63  }
0x42: {  	_ =	swait.ge [sflag:s29], $0x3200  }
0x43: {  	s1 =	simm.s32 $0x200;
	[sflag:s29] =	ssyncset.done $0x0  }
.LBB2_2:
0x44: {  	s4 =	sshra.s32 s1, $0x2;
	[sflag:s29] =	ssyncadd.s32 $0xFFFFCE00;
	p0 =	sne.s32 s1, $0x3000  }
0x45: {  	[spmem:s2] =	stream.indirect.scatter.add.f32 [tilespmem:s28], [sflag:$0x1], $0x80, s4, s31, $0xb8;
	[tilespmem:$0x1AC00] =	vst v63  }
.Ltmp0:
0x46: {  	_ = 	snop;
	(pc) =	sbr.rel @p0 .LBB2_2-.Ltmp0, $4  }
0x47: {  	_ = 	snop  }
0x48: {  	s1 =	sadd.s32 $0x200, s1  }
0x49: {  	_ =	swait.ge [sflag:s29], $0x3200  }
0x4a: {  	[sflag:s29] =	ssyncset.done $0x0  }
0x4b: {  	[sflag:s29] =	ssyncadd.s32 $0xFFFFCE00;
	s1 =	simm.s32 $0x0  }
0x4c: {  	[tilespmem:s1], [sflag:$0x1] =	stream.linear.gather [hbm4b:s23+s1], $0xC80, $0x38;
	[tilespmem:$0x1AC00] =	vst v63  }
0x4d: {  	_ =	swait.ge [sflag:s29], $0xC80  }
0x4e: {  	[sflag:s29] =	ssyncset.done $0x0  }
0x4f: {  	s4 =	simm.s32 $0x0;
	[sflag:s29] =	ssyncadd.s32 $0xFFFFF380  }
0x50: {  	[spmem:s2] =	stream.indirect.scatter.add.f32 [tilespmem:s28], [sflag:$0x1], $0x80, s4, s31, $0xb8;
	[tilespmem:$0x1AC00] =	vst v63  }
0x51: {  	_ =	swait.ge [sflag:s29], $0x3200  }
0x52: {  	s1 =	simm.s32 $0x200;
	[sflag:s29] =	ssyncset.done $0x0  }
.LBB2_4:
0x53: {  	s4 =	sshra.s32 s1, $0x2;
	[sflag:s29] =	ssyncadd.s32 $0xFFFFCE00;
	p0 =	sne.s32 s1, $0x3000  }
0x54: {  	[spmem:s2] =	stream.indirect.scatter.add.f32 [tilespmem:s28], [sflag:$0x1], $0x80, s4, s31, $0xb8;
	[tilespmem:$0x1AC00] =	vst v63  }
.Ltmp1:
0x55: {  	_ = 	snop;
	(pc) =	sbr.rel @p0 .LBB2_4-.Ltmp1, $4  }
0x56: {  	_ = 	snop  }
0x57: {  	s1 =	sadd.s32 $0x200, s1  }
0x58: {  	_ =	swait.ge [sflag:s29], $0x3200  }
0x59: {  	[sflag:s29] =	ssyncset.done $0x0  }
0x5a: {  	[sflag:s29] =	ssyncadd.s32 $0xFFFFCE00;
	s1 =	simm.s32 $0x0  }
0x5b: {  	[tilespmem:s1], [sflag:$0x1] =	stream.linear.gather [hbm4b:s24+s1], $0xC80, $0x38;
	[tilespmem:$0x1AC00] =	vst v63  }
0x5c: {  	_ =	swait.ge [sflag:s29], $0xC80  }
0x5d: {  	[sflag:s29] =	ssyncset.done $0x0  }
0x5e: {  	s4 =	simm.s32 $0x0;
	[sflag:s29] =	ssyncadd.s32 $0xFFFFF380  }
0x5f: {  	[spmem:s2] =	stream.indirect.scatter.add.f32 [tilespmem:s28], [sflag:$0x1], $0x80, s4, s31, $0xb8;
	[tilespmem:$0x1AC00] =	vst v63  }
0x60: {  	_ =	swait.ge [sflag:s29], $0x3200  }
0x61: {  	s1 =	simm.s32 $0x200;
	[sflag:s29] =	ssyncset.done $0x0  }
.LBB2_6:
0x62: {  	s4 =	sshra.s32 s1, $0x2;
	[sflag:s29] =	ssyncadd.s32 $0xFFFFCE00;
	p0 =	sne.s32 s1, $0x3000  }
0x63: {  	[spmem:s2] =	stream.indirect.scatter.add.f32 [tilespmem:s28], [sflag:$0x1], $0x80, s4, s31, $0xb8;
	[tilespmem:$0x1AC00] =	vst v63  }
.Ltmp2:
0x64: {  	_ = 	snop;
	(pc) =	sbr.rel @p0 .LBB2_6-.Ltmp2, $4  }
0x65: {  	_ = 	snop  }
0x66: {  	s1 =	sadd.s32 $0x200, s1  }
0x67: {  	_ =	swait.ge [sflag:s29], $0x3200  }
0x68: {  	[sflag:s29] =	ssyncset.done $0x0  }
0x69: {  	[sflag:s29] =	ssyncadd.s32 $0xFFFFCE00;
	s1 =	simm.s32 $0x0  }
0x6a: {  	[tilespmem:s1], [sflag:$0x1] =	stream.linear.gather [hbm4b:s25+s1], $0xC80, $0x38;
	[tilespmem:$0x1AC00] =	vst v63  }
0x6b: {  	_ =	swait.ge [sflag:s29], $0xC80  }
0x6c: {  	[sflag:s29] =	ssyncset.done $0x0  }
0x6d: {  	s4 =	simm.s32 $0x0;
	[sflag:s29] =	ssyncadd.s32 $0xFFFFF380  }
0x6e: {  	[spmem:s2] =	stream.indirect.scatter.add.f32 [tilespmem:s28], [sflag:$0x1], $0x80, s4, s31, $0xb8;
	[tilespmem:$0x1AC00] =	vst v63  }
0x6f: {  	_ =	swait.ge [sflag:s29], $0x3200  }
0x70: {  	s1 =	simm.s32 $0x200;
	[sflag:s29] =	ssyncset.done $0x0  }
.LBB2_8:
0x71: {  	s4 =	sshra.s32 s1, $0x2;
	[sflag:s29] =	ssyncadd.s32 $0xFFFFCE00;
	p0 =	sne.s32 s1, $0x3000  }
0x72: {  	[spmem:s2] =	stream.indirect.scatter.add.f32 [tilespmem:s28], [sflag:$0x1], $0x80, s4, s31, $0xb8;
	[tilespmem:$0x1AC00] =	vst v63  }
.Ltmp3:
0x73: {  	_ = 	snop;
	(pc) =	sbr.rel @p0 .LBB2_8-.Ltmp3, $4  }
0x74: {  	_ = 	snop  }
0x75: {  	s1 =	sadd.s32 $0x200, s1  }
0x76: {  	_ =	swait.ge [sflag:s29], $0x3200  }
0x77: {  	[sflag:s29] =	ssyncset.done $0x0  }
0x78: {  	[sflag:s29] =	ssyncadd.s32 $0xFFFFCE00  }
0x79: {  	[bflag:$0x0] =	sbarrier.arrive $0xFFFF  }
0x7a: {  	[tilespmem:s30], [sflag:$0x1] =	stream.linear.gather [spmem:s6], $0x2800, $0x38;
	[tilespmem:$0x1AC00] =	vst v63  }
0x7b: {  	_ =	swait.ge [sflag:s29], $0x2800  }
0x7c: {  	[sflag:s29] =	ssyncset.done $0x0  }
0x7d: {  	[sflag:s29] =	ssyncadd.s32 $0xFFFFD800  }
0x7e: {  	[hbm4b:s13+s3] =	stream.linear.scatter [tilespmem:s30], [sflag:$0x1], $0x2800, $0x38;
	[tilespmem:$0x1AC00] =	vst v63  }
0x7f: {  	_ =	swait.ge [sflag:s29], $0x2800  }
0x80: {  	[sflag:s29] =	ssyncset.done $0x0  }
0x81: {  	[sflag:s29] =	ssyncadd.s32 $0xFFFFD800  }
0x82: {  	[tilespmem:s30], [sflag:$0x1] =	stream.linear.gather [spmem:s7], $0x2800, $0x38;
	[tilespmem:$0x1AC00] =	vst v63  }
0x83: {  	_ =	swait.ge [sflag:s29], $0x2800  }
0x84: {  	[sflag:s29] =	ssyncset.done $0x0  }
0x85: {  	[sflag:s29] =	ssyncadd.s32 $0xFFFFD800  }
0x86: {  	[hbm4b:s14+s3] =	stream.linear.scatter [tilespmem:s30], [sflag:$0x1], $0x2800, $0x38;
	[tilespmem:$0x1AC00] =	vst v63  }
0x87: {  	_ =	swait.ge [sflag:s29], $0x2800  }
0x88: {  	[sflag:s29] =	ssyncset.done $0x0  }
0x89: {  	[sflag:s29] =	ssyncadd.s32 $0xFFFFD800  }
0x8a: {  	[tilespmem:s30], [sflag:$0x1] =	stream.linear.gather [spmem:s8], $0x2800, $0x38;
	[tilespmem:$0x1AC00] =	vst v63  }
0x8b: {  	_ =	swait.ge [sflag:s29], $0x2800  }
0x8c: {  	[sflag:s29] =	ssyncset.done $0x0  }
0x8d: {  	[sflag:s29] =	ssyncadd.s32 $0xFFFFD800  }
0x8e: {  	[hbm4b:s15+s3] =	stream.linear.scatter [tilespmem:s30], [sflag:$0x1], $0x2800, $0x38;
	[tilespmem:$0x1AC00] =	vst v63  }
0x8f: {  	_ =	swait.ge [sflag:s29], $0x2800  }
0x90: {  	[sflag:s29] =	ssyncset.done $0x0  }
0x91: {  	[sflag:s29] =	ssyncadd.s32 $0xFFFFD800  }
0x92: {  	[tilespmem:s30], [sflag:$0x1] =	stream.linear.gather [spmem:s9], $0x2800, $0x38;
	[tilespmem:$0x1AC00] =	vst v63  }
0x93: {  	_ =	swait.ge [sflag:s29], $0x2800  }
0x94: {  	[sflag:s29] =	ssyncset.done $0x0  }
0x95: {  	[sflag:s29] =	ssyncadd.s32 $0xFFFFD800  }
0x96: {  	[hbm4b:s16+s3] =	stream.linear.scatter [tilespmem:s30], [sflag:$0x1], $0x2800, $0x38;
	[tilespmem:$0x1AC00] =	vst v63  }
0x97: {  	_ =	swait.ge [sflag:s29], $0x2800  }
0x98: {  	[sflag:s29] =	ssyncset.done $0x0  }
0x99: {  	[sflag:s29] =	ssyncadd.s32 $0xFFFFD800  }
0x9a: {  	[tilespmem:s30], [sflag:$0x1] =	stream.linear.gather [spmem:s10], $0x2800, $0x38;
	[tilespmem:$0x1AC00] =	vst v63  }
0x9b: {  	_ =	swait.ge [sflag:s29], $0x2800  }
0x9c: {  	[sflag:s29] =	ssyncset.done $0x0  }
0x9d: {  	[sflag:s29] =	ssyncadd.s32 $0xFFFFD800  }
0x9e: {  	[hbm4b:s17+s3] =	stream.linear.scatter [tilespmem:s30], [sflag:$0x1], $0x2800, $0x38;
	[tilespmem:$0x1AC00] =	vst v63  }
0x9f: {  	_ =	swait.ge [sflag:s29], $0x2800  }
0xa0: {  	[sflag:s29] =	ssyncset.done $0x0  }
0xa1: {  	[sflag:s29] =	ssyncadd.s32 $0xFFFFD800  }
0xa2: {  	[tilespmem:s30], [sflag:$0x1] =	stream.linear.gather [spmem:s11], $0x2800, $0x38;
	[tilespmem:$0x1AC00] =	vst v63  }
0xa3: {  	_ =	swait.ge [sflag:s29], $0x2800  }
0xa4: {  	[sflag:s29] =	ssyncset.done $0x0  }
0xa5: {  	[sflag:s29] =	ssyncadd.s32 $0xFFFFD800  }
0xa6: {  	[hbm4b:s18+s3] =	stream.linear.scatter [tilespmem:s30], [sflag:$0x1], $0x2800, $0x38;
	[tilespmem:$0x1AC00] =	vst v63  }
0xa7: {  	_ =	swait.ge [sflag:s29], $0x2800  }
0xa8: {  	[sflag:s29] =	ssyncset.done $0x0  }
0xa9: {  	[sflag:s29] =	ssyncadd.s32 $0xFFFFD800  }
0xaa: {  	[tilespmem:s30], [sflag:$0x1] =	stream.linear.gather [spmem:s12], $0x2800, $0x38;
	[tilespmem:$0x1AC00] =	vst v63  }
0xab: {  	_ =	swait.ge [sflag:s29], $0x2800  }
0xac: {  	[sflag:s29] =	ssyncset.done $0x0  }
0xad: {  	[sflag:s29] =	ssyncadd.s32 $0xFFFFD800  }
0xae: {  	[hbm4b:s19+s3] =	stream.linear.scatter [tilespmem:s30], [sflag:$0x1], $0x2800, $0x38;
	[tilespmem:$0x1AC00] =	vst v63  }
0xaf: {  	_ =	swait.ge [sflag:s29], $0x2800  }
0xb0: {  	[sflag:s29] =	ssyncset.done $0x0  }
0xb1: {  	[sflag:s29] =	ssyncadd.s32 $0xFFFFD800  }
0xb2: {  	[tilespmem:s30], [sflag:$0x1] =	stream.linear.gather [spmem:s26], $0x2800, $0x38;
	[tilespmem:$0x1AC00] =	vst v63  }
0xb3: {  	s0 =	sadd.s32 $0x1, s0;
	_ =	swait.ge [sflag:s29], $0x2800  }
0xb4: {  	p0 =	sne.s32 s0, s21;
	[sflag:s29] =	ssyncset.done $0x0  }
.Ltmp4:
0xb5: {  	[sflag:s29] =	ssyncadd.s32 $0xFFFFD800;
	(pc) =	sbr.rel @p0 .LBB2_1-.Ltmp4, $4  }
0xb6: {  	[hbm4b:s20+s3] =	stream.linear.scatter [tilespmem:s30], [sflag:$0x1], $0x2800, $0x38;
	[tilespmem:$0x1AC00] =	vst v63  }
0xb7: {  	_ =	swait.ge [sflag:s29], $0x2800  }
0xb8: {  	[sflag:s29] =	ssyncset.done $0x0  }
0xb9: {  	[sflag:s29] =	ssyncadd.s32 $0xFFFFD800  }
0xba: {  	_ =	sfence.sel $0x180000  }
0xbb: {  	[bflag:$0x0] =	sbarrier.arrive $0xFFFF  }
0xbc: {  	_ =	strace $0x90000047  }
0xbd: {  	s0 =	stileid.u32;
	[bflag:$0x2] =	sbarrier.arrive $0xFFFF  }
0xbe: {  	p0 =	sne.s32 s0, $0x0;
	s0 =	rddreg [dreg:$0x2]  }
0xbf: {  	s0 =	sadd.s32 @!p0 $0x100000, s0  }
0xc0: {  	[sflag:s0] =	ssyncadd.tile.s32 @!p0 $0x1;
	_ =	shalt  }
.Lfunc_end2:
_tile_overlayer_lowered:
.L_overlay_start_2:
0xc1: {  	(tag) =	ssettag $0x2  }
0xc2: {  	s0 =	rddreg [dreg:$0x0];
	s2 =	stileid.u32  }
0xc3: {  	s1 =	rddreg [dreg:$0x1];
	p0 =	sne.s32 s2, $0x0  }
0xc4: {  	s3 =	rddreg [dreg:$0x2];
	[bflag:$0x3] =	sbarrier.arrive $0xFFFF;
	s2 =	simm.s32 @!p0 $0x1C01  }
0xc5: {  	[timem:s3], [sflag:s2] =	dma.local @!p0 [hbm:s0], s1  }
0xc6: {  	s0 =	simm.s32 @!p0 $0x1  }
0xc7: {  	_ =	swait.ge @!p0 [sflag:s0], s1  }
0xc8: {  	s1 =	ssub.s32 @!p0 $0x0, s1;
	[sflag:s0] =	ssyncset.done @!p0 $0x0  }
0xc9: {  	[sflag:s0] =	ssyncadd.s32 @!p0 s1  }
0xca: {  	[bflag:$0x3] =	sbarrier.arrive $0xFFFF  }
0xcb: {  	_ =	shalt  }

</sc_bundles>
